<compile_context>
chip_gen: v7x
topology: tpu7x:2x2x1
jax: 0.10.2.dev20260603
libtpu: 0.0.44.dev20260713+nightly
codegen_flags: <defaults>
</compile_context>

<pallas_src>
import functools

import jax
import jax.numpy as jnp
from jax import lax
from jax.experimental import pallas as pl
from jax.experimental.pallas import tpu as pltpu
from jax.experimental.pallas import tpu_sc as plsc

N = 10000
E = 320000
D = 128
K = 5000
TOT = E + N
CHUNK = TOT // 16
NPAD = N + 16

_INFO = plsc.get_sparse_core_info()
_NC = _INFO.num_cores
_NWORK = _INFO.num_cores * _INFO.num_subcores
_MESH = plsc.VectorSubcoreMesh(core_axis_name="c", subcore_axis_name="s")
_CP = pltpu.CompilerParams(needs_layout_passes=False)
_PIB = lax.GatherScatterMode.PROMISE_IN_BOUNDS

W_WIN = 512
FLUSH = 128


_GDN = lax.GatherDimensionNumbers(
    offset_dims=(), collapsed_slice_dims=(0,), start_index_map=(0,))


def _take(v, i):
    return lax.gather(v, i[:, None], dimension_numbers=_GDN,
                      slice_sizes=(1,), mode=_PIB)


def _mm_body(x_ref, w_ref, o_ref):
    o_ref[...] = jnp.dot(x_ref[...], w_ref[...])


def _matmul(x, W):
    return pl.pallas_call(
        _mm_body,
        out_shape=jax.ShapeDtypeStruct((N, D), jnp.float32),
        grid=(10,),
        in_specs=[pl.BlockSpec((N // 10, D), lambda i: (i, 0)),
                  pl.BlockSpec((D, D), lambda i: (0, 0))],
        out_specs=pl.BlockSpec((N // 10, D), lambda i: (i, 0)),
    )(x, W)


def _iota16():
    return lax.iota(jnp.int32, 16)


def _rowsum_exact(tot):
    it = _iota16()
    g = jnp.zeros((16,), jnp.float32)
    for k in range(8):
        a = tot[k]
        hi = _take(a, jnp.minimum(it + 8, 15))
        g = g + a
        g = g + hi
    t1 = g + _take(g, jnp.minimum(it + 4, 15))
    t2 = t1 + _take(t1, jnp.minimum(it + 2, 15))
    t3 = t2 + _take(t2, jnp.minimum(it + 1, 15))
    return jnp.sum(jnp.where(it == 0, t3, 0.0), axis=0)


def _fold_kernel(h_hbm, asrc_hbm, dinv_hbm, rs_hbm, score_hbm,
                 dinv_v, rs_v, av, normv, hwin, idxbuf, valbuf,
                 gsem, asem):
    wid = lax.axis_index("s") * _NC + lax.axis_index("c")

    pltpu.sync_copy(dinv_hbm, dinv_v)
    pltpu.sync_copy(rs_hbm, rs_v)

    nom0 = (wid * TOT) // _NWORK
    nom1 = ((wid + 1) * TOT) // _NWORK

    def count_below(nom):
        def body(j, cnt):
            v = rs_v[pl.ds(j * 16, 16)]
            return cnt + (v < nom).astype(jnp.int32)
        cv = lax.fori_loop(0, NPAD // 16, body, jnp.zeros((16,), jnp.int32))
        return jnp.sum(cv, axis=0)

    g0 = count_below(nom0)
    g1 = count_below(nom1)
    it = _iota16()
    p0 = jnp.sum(jnp.where(it == 0, rs_v[pl.ds(g0, 16)], 0), axis=0)
    p1 = jnp.sum(jnp.where(it == 0, rs_v[pl.ds(g1, 16)], 0), axis=0)
    p1 = jnp.minimum(p1, TOT)

    def load_win(wb):
        wb = pl.multiple_of(wb, 8)
        pltpu.async_copy(asrc_hbm.at[pl.ds(wb, W_WIN)], av, asem).wait()
        cs = [pltpu.async_copy(h_hbm.at[av.at[pl.ds(j * 128, 128)]],
                               hwin.at[pl.ds(j * 128, 128)], gsem)
              for j in range(W_WIN // 128)]
        for c in cs:
            c.wait()

    @pl.when(p0 < p1)
    def _():
        wbase0 = (p0 // 8) * 8
        zero8 = tuple(jnp.zeros((16,), jnp.float32) for _ in range(8))
        load_win(wbase0)
        nb0 = (p0 // CHUNK + 1) * CHUNK

        def g_body(g, carry):
            pos0, wbase, nb, nfin = carry
            dg = dinv_v[pl.ds(g, 16)][0]
            en = rs_v[pl.ds(g + 1, 16)][0]

            def w_cond(c):
                return c[0] < en

            def w_body(c):
                pos, wbase, nb, accs, tots = c
                need = pos >= wbase + W_WIN

                @pl.when(need)
                def _():
                    load_win(wbase + W_WIN)

                wbase = jnp.where(need, wbase + W_WIN, wbase)
                roff = pos - wbase
                take = jnp.minimum(jnp.minimum(en - pos, W_WIN - roff),
                                   nb - pos)
                j0 = roff // 16
                j1 = (roff + take + 15) // 16

                def pre(j, _):
                    sv = av[pl.ds(j * 16, 16)]
                    normv[pl.ds(j * 16, 16)] = plsc.load_gather(dinv_v, [sv]) * dg
                    return 0

                lax.fori_loop(j0, j1, pre, 0)

                def fold(i, accs):
                    r = roff + i
                    nrm = normv[pl.ds(r, 16)][0]
                    return tuple(
                        accs[k] + hwin.at[r][pl.ds(16 * k, 16)] * nrm
                        for k in range(8))

                accs = lax.fori_loop(0, take, fold, accs)
                pos = pos + take
                brk = pos == nb
                tots = tuple(jnp.where(brk, tots[k] + accs[k], tots[k])
                             for k in range(8))
                accs = tuple(
                    jnp.where(brk, jnp.zeros((16,), jnp.float32), accs[k])
                    for k in range(8))
                nb = jnp.where(brk, nb + CHUNK, nb)
                return (pos, wbase, nb, accs, tots)

            pos, wbase, nb, accs, tots = lax.while_loop(
                w_cond, w_body, (pos0, wbase, nb, zero8, zero8))

            tots = tuple(tots[k] + accs[k] for k in range(8))
            sc = _rowsum_exact(tots)
            slot = nfin % FLUSH
            plsc.store_scatter(idxbuf, [jnp.full((16,), slot, jnp.int32)],
                               jnp.full((16,), g, jnp.int32), mask=it == 0)
            plsc.store_scatter(valbuf, [jnp.full((16,), slot, jnp.int32)],
                               jnp.full((16,), sc, jnp.float32), mask=it == 0)
            nfin = nfin + 1

            @pl.when(nfin % FLUSH == 0)
            def _():
                pltpu.sync_copy(valbuf, score_hbm.at[idxbuf])

            return (pos, wbase, nb, nfin)

        pos, wbase, nb, nfin = lax.fori_loop(
            g0, g1, g_body, (p0, wbase0, nb0, jnp.int32(0)))

        nrem = nfin % FLUSH

        @pl.when(nrem != 0)
        def _():
            def pad_body(j, _):
                pos = j * 16 + it
                m = jnp.logical_and(pos >= nrem, pos < FLUSH)
                plsc.store_scatter(idxbuf, [jnp.where(m, pos, 0)],
                                   jnp.full((16,), N + 8, jnp.int32), mask=m)
                return 0

            lax.fori_loop(0, FLUSH // 16, pad_body, 0)
            pltpu.sync_copy(valbuf, score_hbm.at[idxbuf])


def _fold(h, sorted_asrc, dinv, refstart):
    kern = functools.partial(
        pl.kernel,
        mesh=_MESH,
        compiler_params=_CP,
        out_type=jax.ShapeDtypeStruct((NPAD,), jnp.float32),
        scratch_types=[
            pltpu.VMEM((NPAD,), jnp.float32),
            pltpu.VMEM((NPAD,), jnp.int32),
            pltpu.VMEM((W_WIN,), jnp.int32),
            pltpu.VMEM((W_WIN + 16,), jnp.float32),
            pltpu.VMEM((W_WIN, D), jnp.float32),
            pltpu.VMEM((FLUSH,), jnp.int32),
            pltpu.VMEM((FLUSH,), jnp.float32),
            pltpu.SemaphoreType.DMA,
            pltpu.SemaphoreType.DMA,
        ],
    )(_fold_kernel)
    return kern(h, sorted_asrc, dinv, refstart)


KPAD = 5120
ROWS_PER = KPAD // _NWORK
GR = 80


def _gate_kernel(x_hbm, idx_hbm, val_hbm, out_hbm, iv, vv, rows, gsem):
    wid = lax.axis_index("s") * _NC + lax.axis_index("c")

    def round_body(rnd, _):
        base = wid * ROWS_PER + rnd * GR
        pltpu.sync_copy(idx_hbm.at[pl.ds(base, GR)], iv)
        pltpu.sync_copy(val_hbm.at[pl.ds(base, GR)], vv)
        pltpu.async_copy(x_hbm.at[iv], rows, gsem).wait()

        def body(j, _):
            v = vv[pl.ds(j * 16, 16)]
            sig = 1.0 / (1.0 + jnp.exp(-v))

            def row_body(r, _):
                s = jnp.sum(jnp.where(_iota16() == r, sig, 0.0), axis=0)
                rr = j * 16 + r
                for k in range(8):
                    blk = rows.at[rr][pl.ds(16 * k, 16)]
                    rows.at[rr][pl.ds(16 * k, 16)] = blk * s
                return 0

            lax.fori_loop(0, 16, row_body, 0)
            return 0

        lax.fori_loop(0, GR // 16, body, 0)
        pltpu.sync_copy(rows, out_hbm.at[pl.ds(base, GR)])
        return 0

    lax.fori_loop(0, ROWS_PER // GR, round_body, 0)


def _gate(x, idx, vals):
    kern = functools.partial(
        pl.kernel,
        mesh=_MESH,
        compiler_params=_CP,
        out_type=jax.ShapeDtypeStruct((KPAD, D), jnp.float32),
        scratch_types=[
            pltpu.VMEM((GR,), jnp.int32),
            pltpu.VMEM((GR,), jnp.float32),
            pltpu.VMEM((GR, D), jnp.float32),
            pltpu.SemaphoreType.DMA,
        ],
    )(_gate_kernel)
    return kern(x, idx, vals)


def kernel(x, edge_index, W, b):
    src = edge_index[0]
    dst = edge_index[1]
    loop = jnp.arange(N, dtype=edge_index.dtype)
    asrc = jnp.concatenate([src, loop], axis=0)
    adst = jnp.concatenate([dst, loop], axis=0)

    perm = jnp.argsort(adst, stable=True)
    sorted_asrc = asrc[perm]

    deg = jnp.zeros((N,), jnp.float32).at[adst].add(1.0)
    dinv = jnp.where(deg > 0, deg ** -0.5, 0.0)

    acount = jnp.zeros((N,), jnp.int32).at[adst].add(1)
    refstart = jnp.concatenate(
        [jnp.zeros((1,), jnp.int32), jnp.cumsum(acount)[:-1].astype(jnp.int32)])

    pad_rows = ((TOT + W_WIN - 1) // W_WIN) * W_WIN + W_WIN + 32 - TOT
    sorted_asrc = jnp.pad(sorted_asrc, (0, pad_rows))
    dinv_p = jnp.pad(dinv, (0, NPAD - N), constant_values=1.0)
    refstart_p = jnp.concatenate(
        [refstart, jnp.full((1,), TOT, jnp.int32),
         jnp.full((NPAD - N - 1,), 2**30, jnp.int32)])

    h = _matmul(x, W)
    score = _fold(h, sorted_asrc, dinv_p, refstart_p)

    vals, idx = lax.top_k(score[:N] + b.sum(), K)

    idx_p = jnp.pad(idx, (0, KPAD - K))
    vals_p = jnp.pad(vals, (0, KPAD - K))
    out = _gate(x, idx_p, vals_p)
    return out[:K]

# --- scband reference (transcript-rebuilt; emitter-appended) ---
"""Pipeline reference for scband-mambo-pooling-16209206575152 (READ-ONLY COPY).

The authoritative reference and input builder live on the scoring server;
editing this copy changes nothing except your own understanding.
"""

import jax, jax.numpy as jnp
import numpy as np

N = 10000
E = 320000
D = 128
RATIO = 0.5
K = int(N * RATIO)


def setup_inputs(seed: int = 0) -> dict:
    key = jax.random.key(seed)
    k1, k2, k3, k4 = jax.random.split(key, 4)
    x = jax.random.normal(k1, (N, D), dtype=jnp.float32)
    edge_index = jax.random.randint(k2, (2, E), 0, N, dtype=jnp.int32)
    # GCNConv(in_dim, in_dim) parameters
    W = jax.random.normal(k3, (D, D), dtype=jnp.float32) * (1.0 / np.sqrt(D))
    b = jnp.zeros((D,), dtype=jnp.float32)
    return {"x": x, "edge_index": edge_index, "W": W, "b": b}


def _gcn_conv(x, edge_index, W, b):
    # standard GCNConv: add self-loops, symmetric normalization, A_hat @ (x W) + b
    src = edge_index[0]
    dst = edge_index[1]
    loop = jnp.arange(N, dtype=edge_index.dtype)
    src = jnp.concatenate([src, loop], axis=0)
    dst = jnp.concatenate([dst, loop], axis=0)
    deg = jnp.zeros((N,), jnp.float32).at[dst].add(1.0)
    dinv = jnp.where(deg > 0, deg ** -0.5, 0.0)
    norm = dinv[src] * dinv[dst]
    h = x @ W
    msg = h[src] * norm[:, None]
    out = jnp.zeros((N, D), jnp.float32).at[dst].add(msg)
    return out + b


def reference(x, edge_index, W, b):
    # scoring GCN over the graph
    h = _gcn_conv(x, edge_index, W, b)
    # per-node scalar score
    score = jnp.sum(h, axis=-1)
    # top-k node selection (ratio * N kept)
    vals, idx = jax.lax.top_k(score, K)
    # gate retained node features by their (squashed) scores
    x_pool = x[idx] * jax.nn.sigmoid(vals)[:, None]
    return x_pool

if __name__ == "__main__":
    import jax
    _d = setup_inputs()
    print(jax.jit(kernel)(*tuple(_d.values())))

</pallas_src>

<mosaic_0001>
#map = affine_map<(d0, d1) -> (0, 0)>
#map1 = affine_map<(d0, d1) -> (0)>
module attributes {stable_mosaic.version = 14 : i64} {
  func.func @_fold_kernel(%arg0: i32, %arg1: i32, %arg2: memref<10000x128xf32, #tpu.memory_space<hbm>>, %arg3: memref<330784xi32, #tpu.memory_space<hbm>>, %arg4: memref<10016xf32, #tpu.memory_space<hbm>>, %arg5: memref<10016xi32, #tpu.memory_space<hbm>>, %arg6: memref<10016xf32, #tpu.memory_space<hbm>>, %arg7: memref<10016xf32, #tpu.memory_space<vmem>>, %arg8: memref<10016xi32, #tpu.memory_space<vmem>>, %arg9: memref<512xi32, #tpu.memory_space<vmem>>, %arg10: memref<528xf32, #tpu.memory_space<vmem>>, %arg11: memref<512x128xf32, #tpu.memory_space<vmem>>, %arg12: memref<128xi32, #tpu.memory_space<vmem>>, %arg13: memref<128xf32, #tpu.memory_space<vmem>>, %arg14: memref<!tpu.dma_semaphore, #tpu.memory_space<semaphore_mem>>, %arg15: memref<!tpu.dma_semaphore, #tpu.memory_space<semaphore_mem>>) attributes {dimension_semantics = [#tpu.dimension_semantics<core_parallel>, #tpu.dimension_semantics<subcore_parallel>], iteration_bounds = array<i64: 2, 16>, scalar_prefetch = 0 : i64, scratch_operands = 9 : i64, tpu.core_type = #tpu.core_type<sc_vector_subcore>, window_params = [{transform_indices = #map}, {transform_indices = #map1}, {transform_indices = #map1}, {transform_indices = #map1}, {transform_indices = #map1}]} {
    %mul3A = arith.constant 2 : i32
    %mul3A_0 = arith.muli %arg1, %mul3A : i32
    %add3A = arith.addi %mul3A_0, %arg0 : i32
    "tpu.region"() ({
      %run_scoped3A = tpu.sem_alloc : memref<!tpu.dma_semaphore, #tpu.memory_space<semaphore_mem>>
      tpu.enqueue_dma source(%arg4 : memref<10016xf32, #tpu.memory_space<hbm>>) target(%arg7 : memref<10016xf32, #tpu.memory_space<vmem>>) target_semaphore(%run_scoped3A : memref<!tpu.dma_semaphore, #tpu.memory_space<semaphore_mem>>)
      tpu.wait_dma2 semaphore(%run_scoped3A : memref<!tpu.dma_semaphore, #tpu.memory_space<semaphore_mem>>) src(%arg4 : memref<10016xf32, #tpu.memory_space<hbm>>) dst(%arg7 : memref<10016xf32, #tpu.memory_space<vmem>>)
      tpu.yield
    }) : () -> ()
    "tpu.region"() ({
      %run_scoped3A = tpu.sem_alloc : memref<!tpu.dma_semaphore, #tpu.memory_space<semaphore_mem>>
      tpu.enqueue_dma source(%arg5 : memref<10016xi32, #tpu.memory_space<hbm>>) target(%arg8 : memref<10016xi32, #tpu.memory_space<vmem>>) target_semaphore(%run_scoped3A : memref<!tpu.dma_semaphore, #tpu.memory_space<semaphore_mem>>)
      tpu.wait_dma2 semaphore(%run_scoped3A : memref<!tpu.dma_semaphore, #tpu.memory_space<semaphore_mem>>) src(%arg5 : memref<10016xi32, #tpu.memory_space<hbm>>) dst(%arg8 : memref<10016xi32, #tpu.memory_space<vmem>>)
      tpu.yield
    }) : () -> ()
    %mul3A_1 = arith.constant 330000 : i32
    %mul3A_2 = arith.muli %add3A, %mul3A_1 : i32
    %jit3A = arith.constant 32 : i32
    %div3A = arith.divsi %mul3A_2, %jit3A : i32
    %sign3A = arith.constant 0 : i32
    %sign3A_3 = arith.cmpi sgt, %mul3A_2, %sign3A : i32
    %sign3A_4 = arith.extui %sign3A_3 : i1 to i32
    %sign3A_5 = arith.constant 0 : i32
    %sign3A_6 = arith.cmpi slt, %mul3A_2, %sign3A_5 : i32
    %sign3A_7 = arith.extui %sign3A_6 : i1 to i32
    %sign3A_8 = arith.subi %sign3A_4, %sign3A_7 : i32
    %sign3A_9 = arith.constant 0 : i32
    %sign3A_10 = arith.cmpi sgt, %jit3A, %sign3A_9 : i32
    %sign3A_11 = arith.extui %sign3A_10 : i1 to i32
    %sign3A_12 = arith.constant 0 : i32
    %sign3A_13 = arith.cmpi slt, %jit3A, %sign3A_12 : i32
    %sign3A_14 = arith.extui %sign3A_13 : i1 to i32
    %sign3A_15 = arith.subi %sign3A_11, %sign3A_14 : i32
    %ne3A = arith.cmpi ne, %sign3A_8, %sign3A_15 : i32
    %rem3A = arith.remsi %mul3A_2, %jit3A : i32
    %ne3A_16 = arith.constant 0 : i32
    %ne3A_17 = arith.cmpi ne, %rem3A, %ne3A_16 : i32
    %and3A = arith.andi %ne3A, %ne3A_17 : i1
    %sub3A = arith.constant 1 : i32
    %sub3A_18 = arith.subi %div3A, %sub3A : i32
    %select_n3A = arith.select %and3A, %sub3A_18, %div3A : i32
    %add3A_19 = arith.constant 1 : i32
    %add3A_20 = arith.addi %add3A, %add3A_19 : i32
    %mul3A_21 = arith.constant 330000 : i32
    %mul3A_22 = arith.muli %add3A_20, %mul3A_21 : i32
    %jit3A_23 = arith.constant 32 : i32
    %div3A_24 = arith.divsi %mul3A_22, %jit3A_23 : i32
    %sign3A_25 = arith.constant 0 : i32
    %sign3A_26 = arith.cmpi sgt, %mul3A_22, %sign3A_25 : i32
    %sign3A_27 = arith.extui %sign3A_26 : i1 to i32
    %sign3A_28 = arith.constant 0 : i32
    %sign3A_29 = arith.cmpi slt, %mul3A_22, %sign3A_28 : i32
    %sign3A_30 = arith.extui %sign3A_29 : i1 to i32
    %sign3A_31 = arith.subi %sign3A_27, %sign3A_30 : i32
    %sign3A_32 = arith.constant 0 : i32
    %sign3A_33 = arith.cmpi sgt, %jit3A_23, %sign3A_32 : i32
    %sign3A_34 = arith.extui %sign3A_33 : i1 to i32
    %sign3A_35 = arith.constant 0 : i32
    %sign3A_36 = arith.cmpi slt, %jit3A_23, %sign3A_35 : i32
    %sign3A_37 = arith.extui %sign3A_36 : i1 to i32
    %sign3A_38 = arith.subi %sign3A_34, %sign3A_37 : i32
    %ne3A_39 = arith.cmpi ne, %sign3A_31, %sign3A_38 : i32
    %rem3A_40 = arith.remsi %mul3A_22, %jit3A_23 : i32
    %ne3A_41 = arith.constant 0 : i32
    %ne3A_42 = arith.cmpi ne, %rem3A_40, %ne3A_41 : i32
    %and3A_43 = arith.andi %ne3A_39, %ne3A_42 : i1
    %sub3A_44 = arith.constant 1 : i32
    %sub3A_45 = arith.subi %div3A_24, %sub3A_44 : i32
    %select_n3A_46 = arith.select %and3A_43, %sub3A_45, %div3A_24 : i32
    %broadcast_in_dim3A = arith.constant 0 : i32
    %broadcast_in_dim3A_47 = vector.broadcast %broadcast_in_dim3A : i32 to vector<16xi32>
    %scan3A = arith.constant 0 : i32
    %scan3A_48 = arith.constant 626 : i32
    %scan3A_49 = arith.addi %scan3A, %scan3A_48 : i32
    %scan3A_50 = arith.constant 1 : i32
    %scan3A_51 = scf.for %scan3A_92 = %scan3A to %scan3A_49 step %scan3A_50 iter_args(%scan3A_93 = %broadcast_in_dim3A_47) -> (vector<16xi32>)  : i32 {
      %mul3A_94 = arith.constant 16 : i32
      %mul3A_95 = arith.muli %scan3A_92, %mul3A_94 : i32
      %get3A_96 = arith.index_cast %mul3A_95 : i32 to index
      %get3A_97 = tpu.vector_load %arg8[%get3A_96] {strides = array<i32>} : memref<10016xi32, #tpu.memory_space<vmem>>, vector<16xi32>,
      %lt3A_98 = vector.broadcast %select_n3A : i32 to vector<16xi32>
      %lt3A_99 = arith.cmpi slt, %get3A_97, %lt3A_98 : vector<16xi32>
      %convert_element_type3A_100 = arith.extui %lt3A_99 : vector<16xi1> to vector<16xi32>
      %add3A_101 = arith.addi %scan3A_93, %convert_element_type3A_100 : vector<16xi32>
      scf.yield %add3A_101 : vector<16xi32>
    }
    %scan3A_52 = arith.constant 626 : i32
    %reduce_sum3A = arith.constant true
    %reduce_sum3A_53 = vector.broadcast %reduce_sum3A : i1 to vector<16xi1>
    %reduce_sum3A_54 = tpu.scan <sum>, %scan3A_51 masked %reduce_sum3A_53 : vector<16xi32>, vector<16xi1> -> vector<16xi32>
    %reduce_sum3A_55 = vector.extract %reduce_sum3A_54[15] : i32 from vector<16xi32>
    %broadcast_in_dim3A_56 = arith.constant 0 : i32
    %broadcast_in_dim3A_57 = vector.broadcast %broadcast_in_dim3A_56 : i32 to vector<16xi32>
    %scan3A_58 = arith.constant 0 : i32
    %scan3A_59 = arith.constant 626 : i32
    %scan3A_60 = arith.addi %scan3A_58, %scan3A_59 : i32
    %scan3A_61 = arith.constant 1 : i32
    %scan3A_62 = scf.for %scan3A_92 = %scan3A_58 to %scan3A_60 step %scan3A_61 iter_args(%scan3A_93 = %broadcast_in_dim3A_57) -> (vector<16xi32>)  : i32 {
      %mul3A_94 = arith.constant 16 : i32
      %mul3A_95 = arith.muli %scan3A_92, %mul3A_94 : i32
      %get3A_96 = arith.index_cast %mul3A_95 : i32 to index
      %get3A_97 = tpu.vector_load %arg8[%get3A_96] {strides = array<i32>} : memref<10016xi32, #tpu.memory_space<vmem>>, vector<16xi32>,
      %lt3A_98 = vector.broadcast %select_n3A_46 : i32 to vector<16xi32>
      %lt3A_99 = arith.cmpi slt, %get3A_97, %lt3A_98 : vector<16xi32>
      %convert_element_type3A_100 = arith.extui %lt3A_99 : vector<16xi1> to vector<16xi32>
      %add3A_101 = arith.addi %scan3A_93, %convert_element_type3A_100 : vector<16xi32>
      scf.yield %add3A_101 : vector<16xi32>
    }
    %scan3A_63 = arith.constant 626 : i32
    %reduce_sum3A_64 = arith.constant true
    %reduce_sum3A_65 = vector.broadcast %reduce_sum3A_64 : i1 to vector<16xi1>
    %reduce_sum3A_66 = tpu.scan <sum>, %scan3A_62 masked %reduce_sum3A_65 : vector<16xi32>, vector<16xi1> -> vector<16xi32>
    %reduce_sum3A_67 = vector.extract %reduce_sum3A_66[15] : i32 from vector<16xi32>
    %iota3A = tpu.iota {dimensions = array<i32: 0>} : vector<16xi32>
    %eq3A = arith.constant 0 : i32
    %eq3A_68 = vector.broadcast %eq3A : i32 to vector<16xi32>
    %eq3A_69 = arith.cmpi eq, %iota3A, %eq3A_68 : vector<16xi32>
    %get3A = arith.index_cast %reduce_sum3A_55 : i32 to index
    %get3A_70 = tpu.vector_load %arg8[%get3A] {strides = array<i32>} : memref<10016xi32, #tpu.memory_space<vmem>>, vector<16xi32>,
    %jit3A_71 = arith.constant 0 : i32
    %broadcast_in_dim3A_72 = vector.broadcast %jit3A_71 : i32 to vector<16xi32>
    %select_n3A_73 = arith.select %eq3A_69, %get3A_70, %broadcast_in_dim3A_72 : vector<16xi1>, vector<16xi32>
    %reduce_sum3A_74 = arith.constant true
    %reduce_sum3A_75 = vector.broadcast %reduce_sum3A_74 : i1 to vector<16xi1>
    %reduce_sum3A_76 = tpu.scan <sum>, %select_n3A_73 masked %reduce_sum3A_75 : vector<16xi32>, vector<16xi1> -> vector<16xi32>
    %reduce_sum3A_77 = vector.extract %reduce_sum3A_76[15] : i32 from vector<16xi32>
    %eq3A_78 = arith.constant 0 : i32
    %eq3A_79 = vector.broadcast %eq3A_78 : i32 to vector<16xi32>
    %eq3A_80 = arith.cmpi eq, %iota3A, %eq3A_79 : vector<16xi32>
    %get3A_81 = arith.index_cast %reduce_sum3A_67 : i32 to index
    %get3A_82 = tpu.vector_load %arg8[%get3A_81] {strides = array<i32>} : memref<10016xi32, #tpu.memory_space<vmem>>, vector<16xi32>,
    %jit3A_83 = arith.constant 0 : i32
    %broadcast_in_dim3A_84 = vector.broadcast %jit3A_83 : i32 to vector<16xi32>
    %select_n3A_85 = arith.select %eq3A_80, %get3A_82, %broadcast_in_dim3A_84 : vector<16xi1>, vector<16xi32>
    %reduce_sum3A_86 = arith.constant true
    %reduce_sum3A_87 = vector.broadcast %reduce_sum3A_86 : i1 to vector<16xi1>
    %reduce_sum3A_88 = tpu.scan <sum>, %select_n3A_85 masked %reduce_sum3A_87 : vector<16xi32>, vector<16xi1> -> vector<16xi32>
    %reduce_sum3A_89 = vector.extract %reduce_sum3A_88[15] : i32 from vector<16xi32>
    %min3A = arith.constant 330000 : i32
    %min3A_90 = arith.minsi %reduce_sum3A_89, %min3A : i32
    %lt3A = arith.cmpi slt, %reduce_sum3A_77, %min3A_90 : i32
    %convert_element_type3A = arith.extui %lt3A : i1 to i32
    %cond3A = arith.constant 0 : i32
    %cond3A_91 = arith.cmpi ne, %convert_element_type3A, %cond3A : i32
    scf.if %cond3A_91 {
      %jit3A_92 = arith.constant 8 : i32
      %div3A_93 = arith.divsi %reduce_sum3A_77, %jit3A_92 : i32
      %sign3A_94 = arith.constant 0 : i32
      %sign3A_95 = arith.cmpi sgt, %reduce_sum3A_77, %sign3A_94 : i32
      %sign3A_96 = arith.extui %sign3A_95 : i1 to i32
      %sign3A_97 = arith.constant 0 : i32
      %sign3A_98 = arith.cmpi slt, %reduce_sum3A_77, %sign3A_97 : i32
      %sign3A_99 = arith.extui %sign3A_98 : i1 to i32
      %sign3A_100 = arith.subi %sign3A_96, %sign3A_99 : i32
      %sign3A_101 = arith.constant 0 : i32
      %sign3A_102 = arith.cmpi sgt, %jit3A_92, %sign3A_101 : i32
      %sign3A_103 = arith.extui %sign3A_102 : i1 to i32
      %sign3A_104 = arith.constant 0 : i32
      %sign3A_105 = arith.cmpi slt, %jit3A_92, %sign3A_104 : i32
      %sign3A_106 = arith.extui %sign3A_105 : i1 to i32
      %sign3A_107 = arith.subi %sign3A_103, %sign3A_106 : i32
      %ne3A_108 = arith.cmpi ne, %sign3A_100, %sign3A_107 : i32
      %rem3A_109 = arith.remsi %reduce_sum3A_77, %jit3A_92 : i32
      %ne3A_110 = arith.constant 0 : i32
      %ne3A_111 = arith.cmpi ne, %rem3A_109, %ne3A_110 : i32
      %and3A_112 = arith.andi %ne3A_108, %ne3A_111 : i1
      %sub3A_113 = arith.constant 1 : i32
      %sub3A_114 = arith.subi %div3A_93, %sub3A_113 : i32
      %select_n3A_115 = arith.select %and3A_112, %sub3A_114, %div3A_93 : i32
      %mul3A_116 = arith.constant 8 : i32
      %mul3A_117 = arith.muli %select_n3A_115, %mul3A_116 : i32
      %broadcast_in_dim3A_118 = arith.constant 0.000000e+00 : f32
      %broadcast_in_dim3A_119 = vector.broadcast %broadcast_in_dim3A_118 : f32 to vector<16xf32>
      %broadcast_in_dim3A_120 = arith.constant 0.000000e+00 : f32
      %broadcast_in_dim3A_121 = vector.broadcast %broadcast_in_dim3A_120 : f32 to vector<16xf32>
      %broadcast_in_dim3A_122 = arith.constant 0.000000e+00 : f32
      %broadcast_in_dim3A_123 = vector.broadcast %broadcast_in_dim3A_122 : f32 to vector<16xf32>
      %broadcast_in_dim3A_124 = arith.constant 0.000000e+00 : f32
      %broadcast_in_dim3A_125 = vector.broadcast %broadcast_in_dim3A_124 : f32 to vector<16xf32>
      %broadcast_in_dim3A_126 = arith.constant 0.000000e+00 : f32
      %broadcast_in_dim3A_127 = vector.broadcast %broadcast_in_dim3A_126 : f32 to vector<16xf32>
      %broadcast_in_dim3A_128 = arith.constant 0.000000e+00 : f32
      %broadcast_in_dim3A_129 = vector.broadcast %broadcast_in_dim3A_128 : f32 to vector<16xf32>
      %broadcast_in_dim3A_130 = arith.constant 0.000000e+00 : f32
      %broadcast_in_dim3A_131 = vector.broadcast %broadcast_in_dim3A_130 : f32 to vector<16xf32>
      %broadcast_in_dim3A_132 = arith.constant 0.000000e+00 : f32
      %broadcast_in_dim3A_133 = vector.broadcast %broadcast_in_dim3A_132 : f32 to vector<16xf32>
      %multiple_of3A = tpu.assume_multiple %mul3A_117, 8 : i32
      %dma_start3A = tpu.memref_slice %arg3[%multiple_of3A] : memref<330784xi32, #tpu.memory_space<hbm>> -> memref<512xi32, #tpu.memory_space<hbm>>
      %dma_start3A_134 = tpu.memref_slice %arg3[%multiple_of3A] : memref<330784xi32, #tpu.memory_space<hbm>> -> memref<512xi32, #tpu.memory_space<hbm>>
      tpu.enqueue_dma source(%dma_start3A_134 : memref<512xi32, #tpu.memory_space<hbm>>) target(%arg9 : memref<512xi32, #tpu.memory_space<vmem>>) target_semaphore(%arg15 : memref<!tpu.dma_semaphore, #tpu.memory_space<semaphore_mem>>)
      %dma_wait3A = tpu.memref_slice %arg3[%multiple_of3A] : memref<330784xi32, #tpu.memory_space<hbm>> -> memref<512xi32, #tpu.memory_space<hbm>>
      %dma_wait3A_135 = tpu.memref_slice %arg3[%multiple_of3A] : memref<330784xi32, #tpu.memory_space<hbm>> -> memref<512xi32, #tpu.memory_space<hbm>>
      tpu.wait_dma2 semaphore(%arg15 : memref<!tpu.dma_semaphore, #tpu.memory_space<semaphore_mem>>) src(%dma_wait3A_135 : memref<512xi32, #tpu.memory_space<hbm>>) dst(%arg9 : memref<512xi32, #tpu.memory_space<vmem>>)
      %dma_start3A_136 = arith.constant 0 : i32
      %dma_start3A_137 = arith.constant 0 : i32
      %dma_start3A_138 = tpu.memref_slice %arg11[%dma_start3A_136, %dma_start3A_137] : memref<512x128xf32, #tpu.memory_space<vmem>> -> memref<128x128xf32, #tpu.memory_space<vmem>>
      %dma_start3A_139 = arith.constant 0 : i32
      %dma_start3A_140 = tpu.memref_slice %arg9[%dma_start3A_139] : memref<512xi32, #tpu.memory_space<vmem>> -> memref<128xi32, #tpu.memory_space<vmem>>
      %dma_start3A_141 = arith.constant 0 : i32
      %dma_start3A_142 = arith.constant 0 : i32
      %dma_start3A_143 = tpu.memref_slice %arg2[%dma_start3A_141, %dma_start3A_142] : memref<10000x128xf32, #tpu.memory_space<hbm>> -> memref<10000x128xf32, #tpu.memory_space<hbm>>
      tpu.enqueue_indirect_dma source(%dma_start3A_143 : memref<10000x128xf32, #tpu.memory_space<hbm>>) target(%dma_start3A_138 : memref<128x128xf32, #tpu.memory_space<vmem>>) offsets(%dma_start3A_140 : memref<128xi32, #tpu.memory_space<vmem>>) semaphore(%arg14 : memref<!tpu.dma_semaphore, #tpu.memory_space<semaphore_mem>>)
      %dma_start3A_144 = arith.constant 128 : i32
      %dma_start3A_145 = arith.constant 0 : i32
      %dma_start3A_146 = tpu.memref_slice %arg11[%dma_start3A_144, %dma_start3A_145] : memref<512x128xf32, #tpu.memory_space<vmem>> -> memref<128x128xf32, #tpu.memory_space<vmem>>
      %dma_start3A_147 = arith.constant 128 : i32
      %dma_start3A_148 = tpu.memref_slice %arg9[%dma_start3A_147] : memref<512xi32, #tpu.memory_space<vmem>> -> memref<128xi32, #tpu.memory_space<vmem>>
      %dma_start3A_149 = arith.constant 0 : i32
      %dma_start3A_150 = arith.constant 0 : i32
      %dma_start3A_151 = tpu.memref_slice %arg2[%dma_start3A_149, %dma_start3A_150] : memref<10000x128xf32, #tpu.memory_space<hbm>> -> memref<10000x128xf32, #tpu.memory_space<hbm>>
      tpu.enqueue_indirect_dma source(%dma_start3A_151 : memref<10000x128xf32, #tpu.memory_space<hbm>>) target(%dma_start3A_146 : memref<128x128xf32, #tpu.memory_space<vmem>>) offsets(%dma_start3A_148 : memref<128xi32, #tpu.memory_space<vmem>>) semaphore(%arg14 : memref<!tpu.dma_semaphore, #tpu.memory_space<semaphore_mem>>)
      %dma_start3A_152 = arith.constant 256 : i32
      %dma_start3A_153 = arith.constant 0 : i32
      %dma_start3A_154 = tpu.memref_slice %arg11[%dma_start3A_152, %dma_start3A_153] : memref<512x128xf32, #tpu.memory_space<vmem>> -> memref<128x128xf32, #tpu.memory_space<vmem>>
      %dma_start3A_155 = arith.constant 256 : i32
      %dma_start3A_156 = tpu.memref_slice %arg9[%dma_start3A_155] : memref<512xi32, #tpu.memory_space<vmem>> -> memref<128xi32, #tpu.memory_space<vmem>>
      %dma_start3A_157 = arith.constant 0 : i32
      %dma_start3A_158 = arith.constant 0 : i32
      %dma_start3A_159 = tpu.memref_slice %arg2[%dma_start3A_157, %dma_start3A_158] : memref<10000x128xf32, #tpu.memory_space<hbm>> -> memref<10000x128xf32, #tpu.memory_space<hbm>>
      tpu.enqueue_indirect_dma source(%dma_start3A_159 : memref<10000x128xf32, #tpu.memory_space<hbm>>) target(%dma_start3A_154 : memref<128x128xf32, #tpu.memory_space<vmem>>) offsets(%dma_start3A_156 : memref<128xi32, #tpu.memory_space<vmem>>) semaphore(%arg14 : memref<!tpu.dma_semaphore, #tpu.memory_space<semaphore_mem>>)
      %dma_start3A_160 = arith.constant 384 : i32
      %dma_start3A_161 = arith.constant 0 : i32
      %dma_start3A_162 = tpu.memref_slice %arg11[%dma_start3A_160, %dma_start3A_161] : memref<512x128xf32, #tpu.memory_space<vmem>> -> memref<128x128xf32, #tpu.memory_space<vmem>>
      %dma_start3A_163 = arith.constant 384 : i32
      %dma_start3A_164 = tpu.memref_slice %arg9[%dma_start3A_163] : memref<512xi32, #tpu.memory_space<vmem>> -> memref<128xi32, #tpu.memory_space<vmem>>
      %dma_start3A_165 = arith.constant 0 : i32
      %dma_start3A_166 = arith.constant 0 : i32
      %dma_start3A_167 = tpu.memref_slice %arg2[%dma_start3A_165, %dma_start3A_166] : memref<10000x128xf32, #tpu.memory_space<hbm>> -> memref<10000x128xf32, #tpu.memory_space<hbm>>
      tpu.enqueue_indirect_dma source(%dma_start3A_167 : memref<10000x128xf32, #tpu.memory_space<hbm>>) target(%dma_start3A_162 : memref<128x128xf32, #tpu.memory_space<vmem>>) offsets(%dma_start3A_164 : memref<128xi32, #tpu.memory_space<vmem>>) semaphore(%arg14 : memref<!tpu.dma_semaphore, #tpu.memory_space<semaphore_mem>>)
      %dma_wait3A_168 = arith.constant 0 : i32
      %dma_wait3A_169 = arith.constant 0 : i32
      %dma_wait3A_170 = tpu.memref_slice %arg11[%dma_wait3A_168, %dma_wait3A_169] : memref<512x128xf32, #tpu.memory_space<vmem>> -> memref<128x128xf32, #tpu.memory_space<vmem>>
      %dma_wait3A_171 = arith.constant 0 : i32
      %dma_wait3A_172 = tpu.memref_slice %arg9[%dma_wait3A_171] : memref<512xi32, #tpu.memory_space<vmem>> -> memref<128xi32, #tpu.memory_space<vmem>>
      %dma_wait3A_173 = arith.constant 0 : i32
      %dma_wait3A_174 = arith.constant 0 : i32
      %dma_wait3A_175 = tpu.memref_slice %arg2[%dma_wait3A_173, %dma_wait3A_174] : memref<10000x128xf32, #tpu.memory_space<hbm>> -> memref<10000x128xf32, #tpu.memory_space<hbm>>
      tpu.wait_indirect_dma semaphore(%arg14 : memref<!tpu.dma_semaphore, #tpu.memory_space<semaphore_mem>>) src(%dma_wait3A_175 : memref<10000x128xf32, #tpu.memory_space<hbm>>) dst(%dma_wait3A_170 : memref<128x128xf32, #tpu.memory_space<vmem>>)
      %dma_wait3A_176 = arith.constant 128 : i32
      %dma_wait3A_177 = arith.constant 0 : i32
      %dma_wait3A_178 = tpu.memref_slice %arg11[%dma_wait3A_176, %dma_wait3A_177] : memref<512x128xf32, #tpu.memory_space<vmem>> -> memref<128x128xf32, #tpu.memory_space<vmem>>
      %dma_wait3A_179 = arith.constant 128 : i32
      %dma_wait3A_180 = tpu.memref_slice %arg9[%dma_wait3A_179] : memref<512xi32, #tpu.memory_space<vmem>> -> memref<128xi32, #tpu.memory_space<vmem>>
      %dma_wait3A_181 = arith.constant 0 : i32
      %dma_wait3A_182 = arith.constant 0 : i32
      %dma_wait3A_183 = tpu.memref_slice %arg2[%dma_wait3A_181, %dma_wait3A_182] : memref<10000x128xf32, #tpu.memory_space<hbm>> -> memref<10000x128xf32, #tpu.memory_space<hbm>>
      tpu.wait_indirect_dma semaphore(%arg14 : memref<!tpu.dma_semaphore, #tpu.memory_space<semaphore_mem>>) src(%dma_wait3A_183 : memref<10000x128xf32, #tpu.memory_space<hbm>>) dst(%dma_wait3A_178 : memref<128x128xf32, #tpu.memory_space<vmem>>)
      %dma_wait3A_184 = arith.constant 256 : i32
      %dma_wait3A_185 = arith.constant 0 : i32
      %dma_wait3A_186 = tpu.memref_slice %arg11[%dma_wait3A_184, %dma_wait3A_185] : memref<512x128xf32, #tpu.memory_space<vmem>> -> memref<128x128xf32, #tpu.memory_space<vmem>>
      %dma_wait3A_187 = arith.constant 256 : i32
      %dma_wait3A_188 = tpu.memref_slice %arg9[%dma_wait3A_187] : memref<512xi32, #tpu.memory_space<vmem>> -> memref<128xi32, #tpu.memory_space<vmem>>
      %dma_wait3A_189 = arith.constant 0 : i32
      %dma_wait3A_190 = arith.constant 0 : i32
      %dma_wait3A_191 = tpu.memref_slice %arg2[%dma_wait3A_189, %dma_wait3A_190] : memref<10000x128xf32, #tpu.memory_space<hbm>> -> memref<10000x128xf32, #tpu.memory_space<hbm>>
      tpu.wait_indirect_dma semaphore(%arg14 : memref<!tpu.dma_semaphore, #tpu.memory_space<semaphore_mem>>) src(%dma_wait3A_191 : memref<10000x128xf32, #tpu.memory_space<hbm>>) dst(%dma_wait3A_186 : memref<128x128xf32, #tpu.memory_space<vmem>>)
      %dma_wait3A_192 = arith.constant 384 : i32
      %dma_wait3A_193 = arith.constant 0 : i32
      %dma_wait3A_194 = tpu.memref_slice %arg11[%dma_wait3A_192, %dma_wait3A_193] : memref<512x128xf32, #tpu.memory_space<vmem>> -> memref<128x128xf32, #tpu.memory_space<vmem>>
      %dma_wait3A_195 = arith.constant 384 : i32
      %dma_wait3A_196 = tpu.memref_slice %arg9[%dma_wait3A_195] : memref<512xi32, #tpu.memory_space<vmem>> -> memref<128xi32, #tpu.memory_space<vmem>>
      %dma_wait3A_197 = arith.constant 0 : i32
      %dma_wait3A_198 = arith.constant 0 : i32
      %dma_wait3A_199 = tpu.memref_slice %arg2[%dma_wait3A_197, %dma_wait3A_198] : memref<10000x128xf32, #tpu.memory_space<hbm>> -> memref<10000x128xf32, #tpu.memory_space<hbm>>
      tpu.wait_indirect_dma semaphore(%arg14 : memref<!tpu.dma_semaphore, #tpu.memory_space<semaphore_mem>>) src(%dma_wait3A_199 : memref<10000x128xf32, #tpu.memory_space<hbm>>) dst(%dma_wait3A_194 : memref<128x128xf32, #tpu.memory_space<vmem>>)
      %jit3A_200 = arith.constant 20625 : i32
      %div3A_201 = arith.divsi %reduce_sum3A_77, %jit3A_200 : i32
      %sign3A_202 = arith.constant 0 : i32
      %sign3A_203 = arith.cmpi sgt, %reduce_sum3A_77, %sign3A_202 : i32
      %sign3A_204 = arith.extui %sign3A_203 : i1 to i32
      %sign3A_205 = arith.constant 0 : i32
      %sign3A_206 = arith.cmpi slt, %reduce_sum3A_77, %sign3A_205 : i32
      %sign3A_207 = arith.extui %sign3A_206 : i1 to i32
      %sign3A_208 = arith.subi %sign3A_204, %sign3A_207 : i32
      %sign3A_209 = arith.constant 0 : i32
      %sign3A_210 = arith.cmpi sgt, %jit3A_200, %sign3A_209 : i32
      %sign3A_211 = arith.extui %sign3A_210 : i1 to i32
      %sign3A_212 = arith.constant 0 : i32
      %sign3A_213 = arith.cmpi slt, %jit3A_200, %sign3A_212 : i32
      %sign3A_214 = arith.extui %sign3A_213 : i1 to i32
      %sign3A_215 = arith.subi %sign3A_211, %sign3A_214 : i32
      %ne3A_216 = arith.cmpi ne, %sign3A_208, %sign3A_215 : i32
      %rem3A_217 = arith.remsi %reduce_sum3A_77, %jit3A_200 : i32
      %ne3A_218 = arith.constant 0 : i32
      %ne3A_219 = arith.cmpi ne, %rem3A_217, %ne3A_218 : i32
      %and3A_220 = arith.andi %ne3A_216, %ne3A_219 : i1
      %sub3A_221 = arith.constant 1 : i32
      %sub3A_222 = arith.subi %div3A_201, %sub3A_221 : i32
      %select_n3A_223 = arith.select %and3A_220, %sub3A_222, %div3A_201 : i32
      %add3A_224 = arith.constant 1 : i32
      %add3A_225 = arith.addi %select_n3A_223, %add3A_224 : i32
      %mul3A_226 = arith.constant 20625 : i32
      %mul3A_227 = arith.muli %add3A_225, %mul3A_226 : i32
      %while3A = arith.constant 0 : i32
      %while3A_228 = arith.subi %reduce_sum3A_67, %reduce_sum3A_55 : i32
      %while3A_229 = arith.addi %reduce_sum3A_55, %while3A_228 : i32
      %while3A_230 = arith.constant 1 : i32
      %while3A_231 = arith.divsi %while3A_228, %while3A_230 : i32
      %while3A_232 = arith.muli %while3A_231, %while3A_230 : i32
      %while3A_233 = arith.addi %reduce_sum3A_55, %while3A_232 : i32
      %while3A_234 = arith.constant 1 : i32
      %while3A_235:4 = scf.for %while3A_259 = %reduce_sum3A_55 to %while3A_233 step %while3A_234 iter_args(%while3A_260 = %reduce_sum3A_77, %while3A_261 = %mul3A_117, %while3A_262 = %mul3A_227, %while3A_263 = %while3A) -> (i32, i32, i32, i32)  : i32 {
        %get3A_264 = arith.index_cast %while3A_259 : i32 to index
        %get3A_265 = tpu.vector_load %arg7[%get3A_264] {strides = array<i32>} : memref<10016xf32, #tpu.memory_space<vmem>>, vector<16xf32>,
        %slice3A = vector.extract_strided_slice %get3A_265 {offsets = [0], sizes = [1], strides = [1]} : vector<16xf32> to vector<1xf32>
        %squeeze3A = vector.extract %slice3A[0] : f32 from vector<1xf32>
        %add3A_266 = arith.constant 1 : i32
        %add3A_267 = arith.addi %while3A_259, %add3A_266 : i32
        %get3A_268 = arith.index_cast %add3A_267 : i32 to index
        %get3A_269 = tpu.vector_load %arg8[%get3A_268] {strides = array<i32>} : memref<10016xi32, #tpu.memory_space<vmem>>, vector<16xi32>,
        %slice3A_270 = vector.extract_strided_slice %get3A_269 {offsets = [0], sizes = [1], strides = [1]} : vector<16xi32> to vector<1xi32>
        %squeeze3A_271 = vector.extract %slice3A_270[0] : i32 from vector<1xi32>
        %while3A_272:19 = scf.while (%while3A_460 = %while3A_260, %while3A_461 = %while3A_261, %while3A_462 = %while3A_262, %while3A_463 = %broadcast_in_dim3A_119, %while3A_464 = %broadcast_in_dim3A_121, %while3A_465 = %broadcast_in_dim3A_123, %while3A_466 = %broadcast_in_dim3A_125, %while3A_467 = %broadcast_in_dim3A_127, %while3A_468 = %broadcast_in_dim3A_129, %while3A_469 = %broadcast_in_dim3A_131, %while3A_470 = %broadcast_in_dim3A_133, %while3A_471 = %broadcast_in_dim3A_119, %while3A_472 = %broadcast_in_dim3A_121, %while3A_473 = %broadcast_in_dim3A_123, %while3A_474 = %broadcast_in_dim3A_125, %while3A_475 = %broadcast_in_dim3A_127, %while3A_476 = %broadcast_in_dim3A_129, %while3A_477 = %broadcast_in_dim3A_131, %while3A_478 = %broadcast_in_dim3A_133) : (i32, i32, i32, vector<16xf32>, vector<16xf32>, vector<16xf32>, vector<16xf32>, vector<16xf32>, vector<16xf32>, vector<16xf32>, vector<16xf32>, vector<16xf32>, vector<16xf32>, vector<16xf32>, vector<16xf32>, vector<16xf32>, vector<16xf32>, vector<16xf32>, vector<16xf32>) -> (i32, i32, i32, vector<16xf32>, vector<16xf32>, vector<16xf32>, vector<16xf32>, vector<16xf32>, vector<16xf32>, vector<16xf32>, vector<16xf32>, vector<16xf32>, vector<16xf32>, vector<16xf32>, vector<16xf32>, vector<16xf32>, vector<16xf32>, vector<16xf32>, vector<16xf32>) {
          %lt3A_479 = arith.cmpi slt, %while3A_460, %squeeze3A_271 : i32
          scf.condition(%lt3A_479) %while3A_460, %while3A_461, %while3A_462, %while3A_463, %while3A_464, %while3A_465, %while3A_466, %while3A_467, %while3A_468, %while3A_469, %while3A_470, %while3A_471, %while3A_472, %while3A_473, %while3A_474, %while3A_475, %while3A_476, %while3A_477, %while3A_478 : i32, i32, i32, vector<16xf32>, vector<16xf32>, vector<16xf32>, vector<16xf32>, vector<16xf32>, vector<16xf32>, vector<16xf32>, vector<16xf32>, vector<16xf32>, vector<16xf32>, vector<16xf32>, vector<16xf32>, vector<16xf32>, vector<16xf32>, vector<16xf32>, vector<16xf32>
        } do {
        ^bb0(%while3A_460: i32, %while3A_461: i32, %while3A_462: i32, %while3A_463: vector<16xf32>, %while3A_464: vector<16xf32>, %while3A_465: vector<16xf32>, %while3A_466: vector<16xf32>, %while3A_467: vector<16xf32>, %while3A_468: vector<16xf32>, %while3A_469: vector<16xf32>, %while3A_470: vector<16xf32>, %while3A_471: vector<16xf32>, %while3A_472: vector<16xf32>, %while3A_473: vector<16xf32>, %while3A_474: vector<16xf32>, %while3A_475: vector<16xf32>, %while3A_476: vector<16xf32>, %while3A_477: vector<16xf32>, %while3A_478: vector<16xf32>):
          %add3A_479 = arith.constant 512 : i32
          %add3A_480 = arith.addi %while3A_461, %add3A_479 : i32
          %ge3A = arith.cmpi sge, %while3A_460, %add3A_480 : i32
          %convert_element_type3A_481 = arith.extui %ge3A : i1 to i32
          %cond3A_482 = arith.constant 0 : i32
          %cond3A_483 = arith.cmpi ne, %convert_element_type3A_481, %cond3A_482 : i32
          scf.if %cond3A_483 {
            %add3A_612 = arith.constant 512 : i32
            %add3A_613 = arith.addi %while3A_461, %add3A_612 : i32
            %multiple_of3A_614 = tpu.assume_multiple %add3A_613, 8 : i32
            %dma_start3A_615 = tpu.memref_slice %arg3[%multiple_of3A_614] : memref<330784xi32, #tpu.memory_space<hbm>> -> memref<512xi32, #tpu.memory_space<hbm>>
            %dma_start3A_616 = tpu.memref_slice %arg3[%multiple_of3A_614] : memref<330784xi32, #tpu.memory_space<hbm>> -> memref<512xi32, #tpu.memory_space<hbm>>
            tpu.enqueue_dma source(%dma_start3A_616 : memref<512xi32, #tpu.memory_space<hbm>>) target(%arg9 : memref<512xi32, #tpu.memory_space<vmem>>) target_semaphore(%arg15 : memref<!tpu.dma_semaphore, #tpu.memory_space<semaphore_mem>>)
            %dma_wait3A_617 = tpu.memref_slice %arg3[%multiple_of3A_614] : memref<330784xi32, #tpu.memory_space<hbm>> -> memref<512xi32, #tpu.memory_space<hbm>>
            %dma_wait3A_618 = tpu.memref_slice %arg3[%multiple_of3A_614] : memref<330784xi32, #tpu.memory_space<hbm>> -> memref<512xi32, #tpu.memory_space<hbm>>
            tpu.wait_dma2 semaphore(%arg15 : memref<!tpu.dma_semaphore, #tpu.memory_space<semaphore_mem>>) src(%dma_wait3A_618 : memref<512xi32, #tpu.memory_space<hbm>>) dst(%arg9 : memref<512xi32, #tpu.memory_space<vmem>>)
            %dma_start3A_619 = arith.constant 0 : i32
            %dma_start3A_620 = arith.constant 0 : i32
            %dma_start3A_621 = tpu.memref_slice %arg11[%dma_start3A_619, %dma_start3A_620] : memref<512x128xf32, #tpu.memory_space<vmem>> -> memref<128x128xf32, #tpu.memory_space<vmem>>
            %dma_start3A_622 = arith.constant 0 : i32
            %dma_start3A_623 = tpu.memref_slice %arg9[%dma_start3A_622] : memref<512xi32, #tpu.memory_space<vmem>> -> memref<128xi32, #tpu.memory_space<vmem>>
            %dma_start3A_624 = arith.constant 0 : i32
            %dma_start3A_625 = arith.constant 0 : i32
            %dma_start3A_626 = tpu.memref_slice %arg2[%dma_start3A_624, %dma_start3A_625] : memref<10000x128xf32, #tpu.memory_space<hbm>> -> memref<10000x128xf32, #tpu.memory_space<hbm>>
            tpu.enqueue_indirect_dma source(%dma_start3A_626 : memref<10000x128xf32, #tpu.memory_space<hbm>>) target(%dma_start3A_621 : memref<128x128xf32, #tpu.memory_space<vmem>>) offsets(%dma_start3A_623 : memref<128xi32, #tpu.memory_space<vmem>>) semaphore(%arg14 : memref<!tpu.dma_semaphore, #tpu.memory_space<semaphore_mem>>)
            %dma_start3A_627 = arith.constant 128 : i32
            %dma_start3A_628 = arith.constant 0 : i32
            %dma_start3A_629 = tpu.memref_slice %arg11[%dma_start3A_627, %dma_start3A_628] : memref<512x128xf32, #tpu.memory_space<vmem>> -> memref<128x128xf32, #tpu.memory_space<vmem>>
            %dma_start3A_630 = arith.constant 128 : i32
            %dma_start3A_631 = tpu.memref_slice %arg9[%dma_start3A_630] : memref<512xi32, #tpu.memory_space<vmem>> -> memref<128xi32, #tpu.memory_space<vmem>>
            %dma_start3A_632 = arith.constant 0 : i32
            %dma_start3A_633 = arith.constant 0 : i32
            %dma_start3A_634 = tpu.memref_slice %arg2[%dma_start3A_632, %dma_start3A_633] : memref<10000x128xf32, #tpu.memory_space<hbm>> -> memref<10000x128xf32, #tpu.memory_space<hbm>>
            tpu.enqueue_indirect_dma source(%dma_start3A_634 : memref<10000x128xf32, #tpu.memory_space<hbm>>) target(%dma_start3A_629 : memref<128x128xf32, #tpu.memory_space<vmem>>) offsets(%dma_start3A_631 : memref<128xi32, #tpu.memory_space<vmem>>) semaphore(%arg14 : memref<!tpu.dma_semaphore, #tpu.memory_space<semaphore_mem>>)
            %dma_start3A_635 = arith.constant 256 : i32
            %dma_start3A_636 = arith.constant 0 : i32
            %dma_start3A_637 = tpu.memref_slice %arg11[%dma_start3A_635, %dma_start3A_636] : memref<512x128xf32, #tpu.memory_space<vmem>> -> memref<128x128xf32, #tpu.memory_space<vmem>>
            %dma_start3A_638 = arith.constant 256 : i32
            %dma_start3A_639 = tpu.memref_slice %arg9[%dma_start3A_638] : memref<512xi32, #tpu.memory_space<vmem>> -> memref<128xi32, #tpu.memory_space<vmem>>
            %dma_start3A_640 = arith.constant 0 : i32
            %dma_start3A_641 = arith.constant 0 : i32
            %dma_start3A_642 = tpu.memref_slice %arg2[%dma_start3A_640, %dma_start3A_641] : memref<10000x128xf32, #tpu.memory_space<hbm>> -> memref<10000x128xf32, #tpu.memory_space<hbm>>
            tpu.enqueue_indirect_dma source(%dma_start3A_642 : memref<10000x128xf32, #tpu.memory_space<hbm>>) target(%dma_start3A_637 : memref<128x128xf32, #tpu.memory_space<vmem>>) offsets(%dma_start3A_639 : memref<128xi32, #tpu.memory_space<vmem>>) semaphore(%arg14 : memref<!tpu.dma_semaphore, #tpu.memory_space<semaphore_mem>>)
            %dma_start3A_643 = arith.constant 384 : i32
            %dma_start3A_644 = arith.constant 0 : i32
            %dma_start3A_645 = tpu.memref_slice %arg11[%dma_start3A_643, %dma_start3A_644] : memref<512x128xf32, #tpu.memory_space<vmem>> -> memref<128x128xf32, #tpu.memory_space<vmem>>
            %dma_start3A_646 = arith.constant 384 : i32
            %dma_start3A_647 = tpu.memref_slice %arg9[%dma_start3A_646] : memref<512xi32, #tpu.memory_space<vmem>> -> memref<128xi32, #tpu.memory_space<vmem>>
            %dma_start3A_648 = arith.constant 0 : i32
            %dma_start3A_649 = arith.constant 0 : i32
            %dma_start3A_650 = tpu.memref_slice %arg2[%dma_start3A_648, %dma_start3A_649] : memref<10000x128xf32, #tpu.memory_space<hbm>> -> memref<10000x128xf32, #tpu.memory_space<hbm>>
            tpu.enqueue_indirect_dma source(%dma_start3A_650 : memref<10000x128xf32, #tpu.memory_space<hbm>>) target(%dma_start3A_645 : memref<128x128xf32, #tpu.memory_space<vmem>>) offsets(%dma_start3A_647 : memref<128xi32, #tpu.memory_space<vmem>>) semaphore(%arg14 : memref<!tpu.dma_semaphore, #tpu.memory_space<semaphore_mem>>)
            %dma_wait3A_651 = arith.constant 0 : i32
            %dma_wait3A_652 = arith.constant 0 : i32
            %dma_wait3A_653 = tpu.memref_slice %arg11[%dma_wait3A_651, %dma_wait3A_652] : memref<512x128xf32, #tpu.memory_space<vmem>> -> memref<128x128xf32, #tpu.memory_space<vmem>>
            %dma_wait3A_654 = arith.constant 0 : i32
            %dma_wait3A_655 = tpu.memref_slice %arg9[%dma_wait3A_654] : memref<512xi32, #tpu.memory_space<vmem>> -> memref<128xi32, #tpu.memory_space<vmem>>
            %dma_wait3A_656 = arith.constant 0 : i32
            %dma_wait3A_657 = arith.constant 0 : i32
            %dma_wait3A_658 = tpu.memref_slice %arg2[%dma_wait3A_656, %dma_wait3A_657] : memref<10000x128xf32, #tpu.memory_space<hbm>> -> memref<10000x128xf32, #tpu.memory_space<hbm>>
            tpu.wait_indirect_dma semaphore(%arg14 : memref<!tpu.dma_semaphore, #tpu.memory_space<semaphore_mem>>) src(%dma_wait3A_658 : memref<10000x128xf32, #tpu.memory_space<hbm>>) dst(%dma_wait3A_653 : memref<128x128xf32, #tpu.memory_space<vmem>>)
            %dma_wait3A_659 = arith.constant 128 : i32
            %dma_wait3A_660 = arith.constant 0 : i32
            %dma_wait3A_661 = tpu.memref_slice %arg11[%dma_wait3A_659, %dma_wait3A_660] : memref<512x128xf32, #tpu.memory_space<vmem>> -> memref<128x128xf32, #tpu.memory_space<vmem>>
            %dma_wait3A_662 = arith.constant 128 : i32
            %dma_wait3A_663 = tpu.memref_slice %arg9[%dma_wait3A_662] : memref<512xi32, #tpu.memory_space<vmem>> -> memref<128xi32, #tpu.memory_space<vmem>>
            %dma_wait3A_664 = arith.constant 0 : i32
            %dma_wait3A_665 = arith.constant 0 : i32
            %dma_wait3A_666 = tpu.memref_slice %arg2[%dma_wait3A_664, %dma_wait3A_665] : memref<10000x128xf32, #tpu.memory_space<hbm>> -> memref<10000x128xf32, #tpu.memory_space<hbm>>
            tpu.wait_indirect_dma semaphore(%arg14 : memref<!tpu.dma_semaphore, #tpu.memory_space<semaphore_mem>>) src(%dma_wait3A_666 : memref<10000x128xf32, #tpu.memory_space<hbm>>) dst(%dma_wait3A_661 : memref<128x128xf32, #tpu.memory_space<vmem>>)
            %dma_wait3A_667 = arith.constant 256 : i32
            %dma_wait3A_668 = arith.constant 0 : i32
            %dma_wait3A_669 = tpu.memref_slice %arg11[%dma_wait3A_667, %dma_wait3A_668] : memref<512x128xf32, #tpu.memory_space<vmem>> -> memref<128x128xf32, #tpu.memory_space<vmem>>
            %dma_wait3A_670 = arith.constant 256 : i32
            %dma_wait3A_671 = tpu.memref_slice %arg9[%dma_wait3A_670] : memref<512xi32, #tpu.memory_space<vmem>> -> memref<128xi32, #tpu.memory_space<vmem>>
            %dma_wait3A_672 = arith.constant 0 : i32
            %dma_wait3A_673 = arith.constant 0 : i32
            %dma_wait3A_674 = tpu.memref_slice %arg2[%dma_wait3A_672, %dma_wait3A_673] : memref<10000x128xf32, #tpu.memory_space<hbm>> -> memref<10000x128xf32, #tpu.memory_space<hbm>>
            tpu.wait_indirect_dma semaphore(%arg14 : memref<!tpu.dma_semaphore, #tpu.memory_space<semaphore_mem>>) src(%dma_wait3A_674 : memref<10000x128xf32, #tpu.memory_space<hbm>>) dst(%dma_wait3A_669 : memref<128x128xf32, #tpu.memory_space<vmem>>)
            %dma_wait3A_675 = arith.constant 384 : i32
            %dma_wait3A_676 = arith.constant 0 : i32
            %dma_wait3A_677 = tpu.memref_slice %arg11[%dma_wait3A_675, %dma_wait3A_676] : memref<512x128xf32, #tpu.memory_space<vmem>> -> memref<128x128xf32, #tpu.memory_space<vmem>>
            %dma_wait3A_678 = arith.constant 384 : i32
            %dma_wait3A_679 = tpu.memref_slice %arg9[%dma_wait3A_678] : memref<512xi32, #tpu.memory_space<vmem>> -> memref<128xi32, #tpu.memory_space<vmem>>
            %dma_wait3A_680 = arith.constant 0 : i32
            %dma_wait3A_681 = arith.constant 0 : i32
            %dma_wait3A_682 = tpu.memref_slice %arg2[%dma_wait3A_680, %dma_wait3A_681] : memref<10000x128xf32, #tpu.memory_space<hbm>> -> memref<10000x128xf32, #tpu.memory_space<hbm>>
            tpu.wait_indirect_dma semaphore(%arg14 : memref<!tpu.dma_semaphore, #tpu.memory_space<semaphore_mem>>) src(%dma_wait3A_682 : memref<10000x128xf32, #tpu.memory_space<hbm>>) dst(%dma_wait3A_677 : memref<128x128xf32, #tpu.memory_space<vmem>>)
          } else {
          }
          %add3A_484 = arith.constant 512 : i32
          %add3A_485 = arith.addi %while3A_461, %add3A_484 : i32
          %select_n3A_486 = arith.select %ge3A, %add3A_485, %while3A_461 : i32
          %sub3A_487 = arith.subi %while3A_460, %select_n3A_486 : i32
          %sub3A_488 = arith.subi %squeeze3A_271, %while3A_460 : i32
          %sub3A_489 = arith.constant 512 : i32
          %sub3A_490 = arith.subi %sub3A_489, %sub3A_487 : i32
          %min3A_491 = arith.minsi %sub3A_488, %sub3A_490 : i32
          %sub3A_492 = arith.subi %while3A_462, %while3A_460 : i32
          %min3A_493 = arith.minsi %min3A_491, %sub3A_492 : i32
          %jit3A_494 = arith.constant 16 : i32
          %div3A_495 = arith.divsi %sub3A_487, %jit3A_494 : i32
          %sign3A_496 = arith.constant 0 : i32
          %sign3A_497 = arith.cmpi sgt, %sub3A_487, %sign3A_496 : i32
          %sign3A_498 = arith.extui %sign3A_497 : i1 to i32
          %sign3A_499 = arith.constant 0 : i32
          %sign3A_500 = arith.cmpi slt, %sub3A_487, %sign3A_499 : i32
          %sign3A_501 = arith.extui %sign3A_500 : i1 to i32
          %sign3A_502 = arith.subi %sign3A_498, %sign3A_501 : i32
          %sign3A_503 = arith.constant 0 : i32
          %sign3A_504 = arith.cmpi sgt, %jit3A_494, %sign3A_503 : i32
          %sign3A_505 = arith.extui %sign3A_504 : i1 to i32
          %sign3A_506 = arith.constant 0 : i32
          %sign3A_507 = arith.cmpi slt, %jit3A_494, %sign3A_506 : i32
          %sign3A_508 = arith.extui %sign3A_507 : i1 to i32
          %sign3A_509 = arith.subi %sign3A_505, %sign3A_508 : i32
          %ne3A_510 = arith.cmpi ne, %sign3A_502, %sign3A_509 : i32
          %rem3A_511 = arith.remsi %sub3A_487, %jit3A_494 : i32
          %ne3A_512 = arith.constant 0 : i32
          %ne3A_513 = arith.cmpi ne, %rem3A_511, %ne3A_512 : i32
          %and3A_514 = arith.andi %ne3A_510, %ne3A_513 : i1
          %sub3A_515 = arith.constant 1 : i32
          %sub3A_516 = arith.subi %div3A_495, %sub3A_515 : i32
          %select_n3A_517 = arith.select %and3A_514, %sub3A_516, %div3A_495 : i32
          %add3A_518 = arith.addi %sub3A_487, %min3A_493 : i32
          %add3A_519 = arith.constant 15 : i32
          %add3A_520 = arith.addi %add3A_518, %add3A_519 : i32
          %jit3A_521 = arith.constant 16 : i32
          %div3A_522 = arith.divsi %add3A_520, %jit3A_521 : i32
          %sign3A_523 = arith.constant 0 : i32
          %sign3A_524 = arith.cmpi sgt, %add3A_520, %sign3A_523 : i32
          %sign3A_525 = arith.extui %sign3A_524 : i1 to i32
          %sign3A_526 = arith.constant 0 : i32
          %sign3A_527 = arith.cmpi slt, %add3A_520, %sign3A_526 : i32
          %sign3A_528 = arith.extui %sign3A_527 : i1 to i32
          %sign3A_529 = arith.subi %sign3A_525, %sign3A_528 : i32
          %sign3A_530 = arith.constant 0 : i32
          %sign3A_531 = arith.cmpi sgt, %jit3A_521, %sign3A_530 : i32
          %sign3A_532 = arith.extui %sign3A_531 : i1 to i32
          %sign3A_533 = arith.constant 0 : i32
          %sign3A_534 = arith.cmpi slt, %jit3A_521, %sign3A_533 : i32
          %sign3A_535 = arith.extui %sign3A_534 : i1 to i32
          %sign3A_536 = arith.subi %sign3A_532, %sign3A_535 : i32
          %ne3A_537 = arith.cmpi ne, %sign3A_529, %sign3A_536 : i32
          %rem3A_538 = arith.remsi %add3A_520, %jit3A_521 : i32
          %ne3A_539 = arith.constant 0 : i32
          %ne3A_540 = arith.cmpi ne, %rem3A_538, %ne3A_539 : i32
          %and3A_541 = arith.andi %ne3A_537, %ne3A_540 : i1
          %sub3A_542 = arith.constant 1 : i32
          %sub3A_543 = arith.subi %div3A_522, %sub3A_542 : i32
          %select_n3A_544 = arith.select %and3A_541, %sub3A_543, %div3A_522 : i32
          %while3A_545 = arith.constant 0 : i32
          %while3A_546 = arith.subi %select_n3A_544, %select_n3A_517 : i32
          %while3A_547 = arith.addi %select_n3A_517, %while3A_546 : i32
          %while3A_548 = arith.constant 1 : i32
          %while3A_549 = arith.divsi %while3A_546, %while3A_548 : i32
          %while3A_550 = arith.muli %while3A_549, %while3A_548 : i32
          %while3A_551 = arith.addi %select_n3A_517, %while3A_550 : i32
          %while3A_552 = arith.constant 1 : i32
          %while3A_553 = scf.for %while3A_612 = %select_n3A_517 to %while3A_551 step %while3A_552 iter_args(%while3A_613 = %while3A_545) -> (i32)  : i32 {
            %mul3A_614 = arith.constant 16 : i32
            %mul3A_615 = arith.muli %while3A_612, %mul3A_614 : i32
            %get3A_616 = arith.index_cast %mul3A_615 : i32 to index
            %get3A_617 = tpu.vector_load %arg9[%get3A_616] {strides = array<i32>} : memref<512xi32, #tpu.memory_space<vmem>>, vector<16xi32>,
            %gather3A_618 = tpu.vector_load_idx %arg7[%get3A_617] : memref<10016xf32, #tpu.memory_space<vmem>>[vector<16xi32>], vector<16xf32>,
            %mul3A_619 = vector.broadcast %squeeze3A : f32 to vector<16xf32>
            %mul3A_620 = arith.mulf %gather3A_618, %mul3A_619 : vector<16xf32>
            %mul3A_621 = arith.constant 16 : i32
            %mul3A_622 = arith.muli %while3A_612, %mul3A_621 : i32
            %swap3A = arith.index_cast %mul3A_622 : i32 to index
            %swap3A_623 = tpu.vector_load %arg10[%swap3A] {strides = array<i32>} : memref<528xf32, #tpu.memory_space<vmem>>, vector<16xf32>,
            tpu.vector_store %arg10[%swap3A], %mul3A_620 {strides = array<i32>} : memref<528xf32, #tpu.memory_space<vmem>>, vector<16xf32>,
            %while3A_624 = arith.constant 0 : i32
            scf.yield %while3A_624 : i32
          }
          %while3A_554 = arith.constant 1 : i32
          %while3A_555 = scf.for %while3A_612 = %while3A_551 to %while3A_547 step %while3A_554 iter_args(%while3A_613 = %while3A_553) -> (i32)  : i32 {
            %mul3A_614 = arith.constant 16 : i32
            %mul3A_615 = arith.muli %while3A_612, %mul3A_614 : i32
            %get3A_616 = arith.index_cast %mul3A_615 : i32 to index
            %get3A_617 = tpu.vector_load %arg9[%get3A_616] {strides = array<i32>} : memref<512xi32, #tpu.memory_space<vmem>>, vector<16xi32>,
            %gather3A_618 = tpu.vector_load_idx %arg7[%get3A_617] : memref<10016xf32, #tpu.memory_space<vmem>>[vector<16xi32>], vector<16xf32>,
            %mul3A_619 = vector.broadcast %squeeze3A : f32 to vector<16xf32>
            %mul3A_620 = arith.mulf %gather3A_618, %mul3A_619 : vector<16xf32>
            %mul3A_621 = arith.constant 16 : i32
            %mul3A_622 = arith.muli %while3A_612, %mul3A_621 : i32
            %swap3A = arith.index_cast %mul3A_622 : i32 to index
            %swap3A_623 = tpu.vector_load %arg10[%swap3A] {strides = array<i32>} : memref<528xf32, #tpu.memory_space<vmem>>, vector<16xf32>,
            tpu.vector_store %arg10[%swap3A], %mul3A_620 {strides = array<i32>} : memref<528xf32, #tpu.memory_space<vmem>>, vector<16xf32>,
            %while3A_624 = arith.constant 0 : i32
            scf.yield %while3A_624 : i32
          }
          %while3A_556 = arith.constant 0 : i32
          %while3A_557 = arith.subi %min3A_493, %while3A_556 : i32
          %while3A_558 = arith.addi %while3A_556, %while3A_557 : i32
          %while3A_559 = arith.constant 1 : i32
          %while3A_560 = arith.divsi %while3A_557, %while3A_559 : i32
          %while3A_561 = arith.muli %while3A_560, %while3A_559 : i32
          %while3A_562 = arith.addi %while3A_556, %while3A_561 : i32
          %while3A_563 = arith.constant 1 : i32
          %while3A_564:8 = scf.for %while3A_612 = %while3A_556 to %while3A_562 step %while3A_563 iter_args(%while3A_613 = %while3A_463, %while3A_614 = %while3A_464, %while3A_615 = %while3A_465, %while3A_616 = %while3A_466, %while3A_617 = %while3A_467, %while3A_618 = %while3A_468, %while3A_619 = %while3A_469, %while3A_620 = %while3A_470) -> (vector<16xf32>, vector<16xf32>, vector<16xf32>, vector<16xf32>, vector<16xf32>, vector<16xf32>, vector<16xf32>, vector<16xf32>)  : i32 {
            %add3A_621 = arith.addi %sub3A_487, %while3A_612 : i32
            %get3A_622 = arith.index_cast %add3A_621 : i32 to index
            %get3A_623 = tpu.vector_load %arg10[%get3A_622] {strides = array<i32>} : memref<528xf32, #tpu.memory_space<vmem>>, vector<16xf32>,
            %slice3A_624 = vector.extract_strided_slice %get3A_623 {offsets = [0], sizes = [1], strides = [1]} : vector<16xf32> to vector<1xf32>
            %squeeze3A_625 = vector.extract %slice3A_624[0] : f32 from vector<1xf32>
            %get3A_626 = arith.constant 0 : i32
            %get3A_627 = tpu.memref_slice %arg11[%add3A_621, %get3A_626] : memref<512x128xf32, #tpu.memory_space<vmem>> -> memref<1x128xf32, #tpu.memory_space<vmem>>
            %get3A_628 = tpu.memref_squeeze %get3A_627 : memref<1x128xf32, #tpu.memory_space<vmem>> -> memref<128xf32, #tpu.memory_space<vmem>>
            %get3A_629 = arith.constant 0 : index
            %get3A_630 = tpu.vector_load %get3A_628[%get3A_629] {strides = array<i32>} : memref<128xf32, #tpu.memory_space<vmem>>, vector<16xf32>,
            %mul3A_631 = vector.broadcast %squeeze3A_625 : f32 to vector<16xf32>
            %mul3A_632 = arith.mulf %get3A_630, %mul3A_631 : vector<16xf32>
            %add3A_633 = arith.addf %while3A_613, %mul3A_632 : vector<16xf32>
            %get3A_634 = arith.constant 0 : i32
            %get3A_635 = tpu.memref_slice %arg11[%add3A_621, %get3A_634] : memref<512x128xf32, #tpu.memory_space<vmem>> -> memref<1x128xf32, #tpu.memory_space<vmem>>
            %get3A_636 = tpu.memref_squeeze %get3A_635 : memref<1x128xf32, #tpu.memory_space<vmem>> -> memref<128xf32, #tpu.memory_space<vmem>>
            %get3A_637 = arith.constant 16 : index
            %get3A_638 = tpu.vector_load %get3A_636[%get3A_637] {strides = array<i32>} : memref<128xf32, #tpu.memory_space<vmem>>, vector<16xf32>,
            %mul3A_639 = vector.broadcast %squeeze3A_625 : f32 to vector<16xf32>
            %mul3A_640 = arith.mulf %get3A_638, %mul3A_639 : vector<16xf32>
            %add3A_641 = arith.addf %while3A_614, %mul3A_640 : vector<16xf32>
            %get3A_642 = arith.constant 0 : i32
            %get3A_643 = tpu.memref_slice %arg11[%add3A_621, %get3A_642] : memref<512x128xf32, #tpu.memory_space<vmem>> -> memref<1x128xf32, #tpu.memory_space<vmem>>
            %get3A_644 = tpu.memref_squeeze %get3A_643 : memref<1x128xf32, #tpu.memory_space<vmem>> -> memref<128xf32, #tpu.memory_space<vmem>>
            %get3A_645 = arith.constant 32 : index
            %get3A_646 = tpu.vector_load %get3A_644[%get3A_645] {strides = array<i32>} : memref<128xf32, #tpu.memory_space<vmem>>, vector<16xf32>,
            %mul3A_647 = vector.broadcast %squeeze3A_625 : f32 to vector<16xf32>
            %mul3A_648 = arith.mulf %get3A_646, %mul3A_647 : vector<16xf32>
            %add3A_649 = arith.addf %while3A_615, %mul3A_648 : vector<16xf32>
            %get3A_650 = arith.constant 0 : i32
            %get3A_651 = tpu.memref_slice %arg11[%add3A_621, %get3A_650] : memref<512x128xf32, #tpu.memory_space<vmem>> -> memref<1x128xf32, #tpu.memory_space<vmem>>
            %get3A_652 = tpu.memref_squeeze %get3A_651 : memref<1x128xf32, #tpu.memory_space<vmem>> -> memref<128xf32, #tpu.memory_space<vmem>>
            %get3A_653 = arith.constant 48 : index
            %get3A_654 = tpu.vector_load %get3A_652[%get3A_653] {strides = array<i32>} : memref<128xf32, #tpu.memory_space<vmem>>, vector<16xf32>,
            %mul3A_655 = vector.broadcast %squeeze3A_625 : f32 to vector<16xf32>
            %mul3A_656 = arith.mulf %get3A_654, %mul3A_655 : vector<16xf32>
            %add3A_657 = arith.addf %while3A_616, %mul3A_656 : vector<16xf32>
            %get3A_658 = arith.constant 0 : i32
            %get3A_659 = tpu.memref_slice %arg11[%add3A_621, %get3A_658] : memref<512x128xf32, #tpu.memory_space<vmem>> -> memref<1x128xf32, #tpu.memory_space<vmem>>
            %get3A_660 = tpu.memref_squeeze %get3A_659 : memref<1x128xf32, #tpu.memory_space<vmem>> -> memref<128xf32, #tpu.memory_space<vmem>>
            %get3A_661 = arith.constant 64 : index
            %get3A_662 = tpu.vector_load %get3A_660[%get3A_661] {strides = array<i32>} : memref<128xf32, #tpu.memory_space<vmem>>, vector<16xf32>,
            %mul3A_663 = vector.broadcast %squeeze3A_625 : f32 to vector<16xf32>
            %mul3A_664 = arith.mulf %get3A_662, %mul3A_663 : vector<16xf32>
            %add3A_665 = arith.addf %while3A_617, %mul3A_664 : vector<16xf32>
            %get3A_666 = arith.constant 0 : i32
            %get3A_667 = tpu.memref_slice %arg11[%add3A_621, %get3A_666] : memref<512x128xf32, #tpu.memory_space<vmem>> -> memref<1x128xf32, #tpu.memory_space<vmem>>
            %get3A_668 = tpu.memref_squeeze %get3A_667 : memref<1x128xf32, #tpu.memory_space<vmem>> -> memref<128xf32, #tpu.memory_space<vmem>>
            %get3A_669 = arith.constant 80 : index
            %get3A_670 = tpu.vector_load %get3A_668[%get3A_669] {strides = array<i32>} : memref<128xf32, #tpu.memory_space<vmem>>, vector<16xf32>,
            %mul3A_671 = vector.broadcast %squeeze3A_625 : f32 to vector<16xf32>
            %mul3A_672 = arith.mulf %get3A_670, %mul3A_671 : vector<16xf32>
            %add3A_673 = arith.addf %while3A_618, %mul3A_672 : vector<16xf32>
            %get3A_674 = arith.constant 0 : i32
            %get3A_675 = tpu.memref_slice %arg11[%add3A_621, %get3A_674] : memref<512x128xf32, #tpu.memory_space<vmem>> -> memref<1x128xf32, #tpu.memory_space<vmem>>
            %get3A_676 = tpu.memref_squeeze %get3A_675 : memref<1x128xf32, #tpu.memory_space<vmem>> -> memref<128xf32, #tpu.memory_space<vmem>>
            %get3A_677 = arith.constant 96 : index
            %get3A_678 = tpu.vector_load %get3A_676[%get3A_677] {strides = array<i32>} : memref<128xf32, #tpu.memory_space<vmem>>, vector<16xf32>,
            %mul3A_679 = vector.broadcast %squeeze3A_625 : f32 to vector<16xf32>
            %mul3A_680 = arith.mulf %get3A_678, %mul3A_679 : vector<16xf32>
            %add3A_681 = arith.addf %while3A_619, %mul3A_680 : vector<16xf32>
            %get3A_682 = arith.constant 0 : i32
            %get3A_683 = tpu.memref_slice %arg11[%add3A_621, %get3A_682] : memref<512x128xf32, #tpu.memory_space<vmem>> -> memref<1x128xf32, #tpu.memory_space<vmem>>
            %get3A_684 = tpu.memref_squeeze %get3A_683 : memref<1x128xf32, #tpu.memory_space<vmem>> -> memref<128xf32, #tpu.memory_space<vmem>>
            %get3A_685 = arith.constant 112 : index
            %get3A_686 = tpu.vector_load %get3A_684[%get3A_685] {strides = array<i32>} : memref<128xf32, #tpu.memory_space<vmem>>, vector<16xf32>,
            %mul3A_687 = vector.broadcast %squeeze3A_625 : f32 to vector<16xf32>
            %mul3A_688 = arith.mulf %get3A_686, %mul3A_687 : vector<16xf32>
            %add3A_689 = arith.addf %while3A_620, %mul3A_688 : vector<16xf32>
            scf.yield %add3A_633, %add3A_641, %add3A_649, %add3A_657, %add3A_665, %add3A_673, %add3A_681, %add3A_689 : vector<16xf32>, vector<16xf32>, vector<16xf32>, vector<16xf32>, vector<16xf32>, vector<16xf32>, vector<16xf32>, vector<16xf32>
          }
          %while3A_565 = arith.constant 1 : i32
          %while3A_566:8 = scf.for %while3A_612 = %while3A_562 to %while3A_558 step %while3A_565 iter_args(%while3A_613 = %while3A_564#0, %while3A_614 = %while3A_564#1, %while3A_615 = %while3A_564#2, %while3A_616 = %while3A_564#3, %while3A_617 = %while3A_564#4, %while3A_618 = %while3A_564#5, %while3A_619 = %while3A_564#6, %while3A_620 = %while3A_564#7) -> (vector<16xf32>, vector<16xf32>, vector<16xf32>, vector<16xf32>, vector<16xf32>, vector<16xf32>, vector<16xf32>, vector<16xf32>)  : i32 {
            %add3A_621 = arith.addi %sub3A_487, %while3A_612 : i32
            %get3A_622 = arith.index_cast %add3A_621 : i32 to index
            %get3A_623 = tpu.vector_load %arg10[%get3A_622] {strides = array<i32>} : memref<528xf32, #tpu.memory_space<vmem>>, vector<16xf32>,
            %slice3A_624 = vector.extract_strided_slice %get3A_623 {offsets = [0], sizes = [1], strides = [1]} : vector<16xf32> to vector<1xf32>
            %squeeze3A_625 = vector.extract %slice3A_624[0] : f32 from vector<1xf32>
            %get3A_626 = arith.constant 0 : i32
            %get3A_627 = tpu.memref_slice %arg11[%add3A_621, %get3A_626] : memref<512x128xf32, #tpu.memory_space<vmem>> -> memref<1x128xf32, #tpu.memory_space<vmem>>
            %get3A_628 = tpu.memref_squeeze %get3A_627 : memref<1x128xf32, #tpu.memory_space<vmem>> -> memref<128xf32, #tpu.memory_space<vmem>>
            %get3A_629 = arith.constant 0 : index
            %get3A_630 = tpu.vector_load %get3A_628[%get3A_629] {strides = array<i32>} : memref<128xf32, #tpu.memory_space<vmem>>, vector<16xf32>,
            %mul3A_631 = vector.broadcast %squeeze3A_625 : f32 to vector<16xf32>
            %mul3A_632 = arith.mulf %get3A_630, %mul3A_631 : vector<16xf32>
            %add3A_633 = arith.addf %while3A_613, %mul3A_632 : vector<16xf32>
            %get3A_634 = arith.constant 0 : i32
            %get3A_635 = tpu.memref_slice %arg11[%add3A_621, %get3A_634] : memref<512x128xf32, #tpu.memory_space<vmem>> -> memref<1x128xf32, #tpu.memory_space<vmem>>
            %get3A_636 = tpu.memref_squeeze %get3A_635 : memref<1x128xf32, #tpu.memory_space<vmem>> -> memref<128xf32, #tpu.memory_space<vmem>>
            %get3A_637 = arith.constant 16 : index
            %get3A_638 = tpu.vector_load %get3A_636[%get3A_637] {strides = array<i32>} : memref<128xf32, #tpu.memory_space<vmem>>, vector<16xf32>,
            %mul3A_639 = vector.broadcast %squeeze3A_625 : f32 to vector<16xf32>
            %mul3A_640 = arith.mulf %get3A_638, %mul3A_639 : vector<16xf32>
            %add3A_641 = arith.addf %while3A_614, %mul3A_640 : vector<16xf32>
            %get3A_642 = arith.constant 0 : i32
            %get3A_643 = tpu.memref_slice %arg11[%add3A_621, %get3A_642] : memref<512x128xf32, #tpu.memory_space<vmem>> -> memref<1x128xf32, #tpu.memory_space<vmem>>
            %get3A_644 = tpu.memref_squeeze %get3A_643 : memref<1x128xf32, #tpu.memory_space<vmem>> -> memref<128xf32, #tpu.memory_space<vmem>>
            %get3A_645 = arith.constant 32 : index
            %get3A_646 = tpu.vector_load %get3A_644[%get3A_645] {strides = array<i32>} : memref<128xf32, #tpu.memory_space<vmem>>, vector<16xf32>,
            %mul3A_647 = vector.broadcast %squeeze3A_625 : f32 to vector<16xf32>
            %mul3A_648 = arith.mulf %get3A_646, %mul3A_647 : vector<16xf32>
            %add3A_649 = arith.addf %while3A_615, %mul3A_648 : vector<16xf32>
            %get3A_650 = arith.constant 0 : i32
            %get3A_651 = tpu.memref_slice %arg11[%add3A_621, %get3A_650] : memref<512x128xf32, #tpu.memory_space<vmem>> -> memref<1x128xf32, #tpu.memory_space<vmem>>
            %get3A_652 = tpu.memref_squeeze %get3A_651 : memref<1x128xf32, #tpu.memory_space<vmem>> -> memref<128xf32, #tpu.memory_space<vmem>>
            %get3A_653 = arith.constant 48 : index
            %get3A_654 = tpu.vector_load %get3A_652[%get3A_653] {strides = array<i32>} : memref<128xf32, #tpu.memory_space<vmem>>, vector<16xf32>,
            %mul3A_655 = vector.broadcast %squeeze3A_625 : f32 to vector<16xf32>
            %mul3A_656 = arith.mulf %get3A_654, %mul3A_655 : vector<16xf32>
            %add3A_657 = arith.addf %while3A_616, %mul3A_656 : vector<16xf32>
            %get3A_658 = arith.constant 0 : i32
            %get3A_659 = tpu.memref_slice %arg11[%add3A_621, %get3A_658] : memref<512x128xf32, #tpu.memory_space<vmem>> -> memref<1x128xf32, #tpu.memory_space<vmem>>
            %get3A_660 = tpu.memref_squeeze %get3A_659 : memref<1x128xf32, #tpu.memory_space<vmem>> -> memref<128xf32, #tpu.memory_space<vmem>>
            %get3A_661 = arith.constant 64 : index
            %get3A_662 = tpu.vector_load %get3A_660[%get3A_661] {strides = array<i32>} : memref<128xf32, #tpu.memory_space<vmem>>, vector<16xf32>,
            %mul3A_663 = vector.broadcast %squeeze3A_625 : f32 to vector<16xf32>
            %mul3A_664 = arith.mulf %get3A_662, %mul3A_663 : vector<16xf32>
            %add3A_665 = arith.addf %while3A_617, %mul3A_664 : vector<16xf32>
            %get3A_666 = arith.constant 0 : i32
            %get3A_667 = tpu.memref_slice %arg11[%add3A_621, %get3A_666] : memref<512x128xf32, #tpu.memory_space<vmem>> -> memref<1x128xf32, #tpu.memory_space<vmem>>
            %get3A_668 = tpu.memref_squeeze %get3A_667 : memref<1x128xf32, #tpu.memory_space<vmem>> -> memref<128xf32, #tpu.memory_space<vmem>>
            %get3A_669 = arith.constant 80 : index
            %get3A_670 = tpu.vector_load %get3A_668[%get3A_669] {strides = array<i32>} : memref<128xf32, #tpu.memory_space<vmem>>, vector<16xf32>,
            %mul3A_671 = vector.broadcast %squeeze3A_625 : f32 to vector<16xf32>
            %mul3A_672 = arith.mulf %get3A_670, %mul3A_671 : vector<16xf32>
            %add3A_673 = arith.addf %while3A_618, %mul3A_672 : vector<16xf32>
            %get3A_674 = arith.constant 0 : i32
            %get3A_675 = tpu.memref_slice %arg11[%add3A_621, %get3A_674] : memref<512x128xf32, #tpu.memory_space<vmem>> -> memref<1x128xf32, #tpu.memory_space<vmem>>
            %get3A_676 = tpu.memref_squeeze %get3A_675 : memref<1x128xf32, #tpu.memory_space<vmem>> -> memref<128xf32, #tpu.memory_space<vmem>>
            %get3A_677 = arith.constant 96 : index
            %get3A_678 = tpu.vector_load %get3A_676[%get3A_677] {strides = array<i32>} : memref<128xf32, #tpu.memory_space<vmem>>, vector<16xf32>,
            %mul3A_679 = vector.broadcast %squeeze3A_625 : f32 to vector<16xf32>
            %mul3A_680 = arith.mulf %get3A_678, %mul3A_679 : vector<16xf32>
            %add3A_681 = arith.addf %while3A_619, %mul3A_680 : vector<16xf32>
            %get3A_682 = arith.constant 0 : i32
            %get3A_683 = tpu.memref_slice %arg11[%add3A_621, %get3A_682] : memref<512x128xf32, #tpu.memory_space<vmem>> -> memref<1x128xf32, #tpu.memory_space<vmem>>
            %get3A_684 = tpu.memref_squeeze %get3A_683 : memref<1x128xf32, #tpu.memory_space<vmem>> -> memref<128xf32, #tpu.memory_space<vmem>>
            %get3A_685 = arith.constant 112 : index
            %get3A_686 = tpu.vector_load %get3A_684[%get3A_685] {strides = array<i32>} : memref<128xf32, #tpu.memory_space<vmem>>, vector<16xf32>,
            %mul3A_687 = vector.broadcast %squeeze3A_625 : f32 to vector<16xf32>
            %mul3A_688 = arith.mulf %get3A_686, %mul3A_687 : vector<16xf32>
            %add3A_689 = arith.addf %while3A_620, %mul3A_688 : vector<16xf32>
            scf.yield %add3A_633, %add3A_641, %add3A_649, %add3A_657, %add3A_665, %add3A_673, %add3A_681, %add3A_689 : vector<16xf32>, vector<16xf32>, vector<16xf32>, vector<16xf32>, vector<16xf32>, vector<16xf32>, vector<16xf32>, vector<16xf32>
          }
          %add3A_567 = arith.addi %while3A_460, %min3A_493 : i32
          %eq3A_568 = arith.cmpi eq, %add3A_567, %while3A_462 : i32
          %add3A_569 = arith.addf %while3A_471, %while3A_566#0 : vector<16xf32>
          %select_n3A_570 = arith.select %eq3A_568, %add3A_569, %while3A_471 : vector<16xf32>
          %add3A_571 = arith.addf %while3A_472, %while3A_566#1 : vector<16xf32>
          %select_n3A_572 = arith.select %eq3A_568, %add3A_571, %while3A_472 : vector<16xf32>
          %add3A_573 = arith.addf %while3A_473, %while3A_566#2 : vector<16xf32>
          %select_n3A_574 = arith.select %eq3A_568, %add3A_573, %while3A_473 : vector<16xf32>
          %add3A_575 = arith.addf %while3A_474, %while3A_566#3 : vector<16xf32>
          %select_n3A_576 = arith.select %eq3A_568, %add3A_575, %while3A_474 : vector<16xf32>
          %add3A_577 = arith.addf %while3A_475, %while3A_566#4 : vector<16xf32>
          %select_n3A_578 = arith.select %eq3A_568, %add3A_577, %while3A_475 : vector<16xf32>
          %add3A_579 = arith.addf %while3A_476, %while3A_566#5 : vector<16xf32>
          %select_n3A_580 = arith.select %eq3A_568, %add3A_579, %while3A_476 : vector<16xf32>
          %add3A_581 = arith.addf %while3A_477, %while3A_566#6 : vector<16xf32>
          %select_n3A_582 = arith.select %eq3A_568, %add3A_581, %while3A_477 : vector<16xf32>
          %add3A_583 = arith.addf %while3A_478, %while3A_566#7 : vector<16xf32>
          %select_n3A_584 = arith.select %eq3A_568, %add3A_583, %while3A_478 : vector<16xf32>
          %broadcast_in_dim3A_585 = arith.constant 0.000000e+00 : f32
          %broadcast_in_dim3A_586 = vector.broadcast %broadcast_in_dim3A_585 : f32 to vector<16xf32>
          %select_n3A_587 = arith.select %eq3A_568, %broadcast_in_dim3A_586, %while3A_566#0 : vector<16xf32>
          %broadcast_in_dim3A_588 = arith.constant 0.000000e+00 : f32
          %broadcast_in_dim3A_589 = vector.broadcast %broadcast_in_dim3A_588 : f32 to vector<16xf32>
          %select_n3A_590 = arith.select %eq3A_568, %broadcast_in_dim3A_589, %while3A_566#1 : vector<16xf32>
          %broadcast_in_dim3A_591 = arith.constant 0.000000e+00 : f32
          %broadcast_in_dim3A_592 = vector.broadcast %broadcast_in_dim3A_591 : f32 to vector<16xf32>
          %select_n3A_593 = arith.select %eq3A_568, %broadcast_in_dim3A_592, %while3A_566#2 : vector<16xf32>
          %broadcast_in_dim3A_594 = arith.constant 0.000000e+00 : f32
          %broadcast_in_dim3A_595 = vector.broadcast %broadcast_in_dim3A_594 : f32 to vector<16xf32>
          %select_n3A_596 = arith.select %eq3A_568, %broadcast_in_dim3A_595, %while3A_566#3 : vector<16xf32>
          %broadcast_in_dim3A_597 = arith.constant 0.000000e+00 : f32
          %broadcast_in_dim3A_598 = vector.broadcast %broadcast_in_dim3A_597 : f32 to vector<16xf32>
          %select_n3A_599 = arith.select %eq3A_568, %broadcast_in_dim3A_598, %while3A_566#4 : vector<16xf32>
          %broadcast_in_dim3A_600 = arith.constant 0.000000e+00 : f32
          %broadcast_in_dim3A_601 = vector.broadcast %broadcast_in_dim3A_600 : f32 to vector<16xf32>
          %select_n3A_602 = arith.select %eq3A_568, %broadcast_in_dim3A_601, %while3A_566#5 : vector<16xf32>
          %broadcast_in_dim3A_603 = arith.constant 0.000000e+00 : f32
          %broadcast_in_dim3A_604 = vector.broadcast %broadcast_in_dim3A_603 : f32 to vector<16xf32>
          %select_n3A_605 = arith.select %eq3A_568, %broadcast_in_dim3A_604, %while3A_566#6 : vector<16xf32>
          %broadcast_in_dim3A_606 = arith.constant 0.000000e+00 : f32
          %broadcast_in_dim3A_607 = vector.broadcast %broadcast_in_dim3A_606 : f32 to vector<16xf32>
          %select_n3A_608 = arith.select %eq3A_568, %broadcast_in_dim3A_607, %while3A_566#7 : vector<16xf32>
          %add3A_609 = arith.constant 20625 : i32
          %add3A_610 = arith.addi %while3A_462, %add3A_609 : i32
          %select_n3A_611 = arith.select %eq3A_568, %add3A_610, %while3A_462 : i32
          scf.yield %add3A_567, %select_n3A_486, %select_n3A_611, %select_n3A_587, %select_n3A_590, %select_n3A_593, %select_n3A_596, %select_n3A_599, %select_n3A_602, %select_n3A_605, %select_n3A_608, %select_n3A_570, %select_n3A_572, %select_n3A_574, %select_n3A_576, %select_n3A_578, %select_n3A_580, %select_n3A_582, %select_n3A_584 : i32, i32, i32, vector<16xf32>, vector<16xf32>, vector<16xf32>, vector<16xf32>, vector<16xf32>, vector<16xf32>, vector<16xf32>, vector<16xf32>, vector<16xf32>, vector<16xf32>, vector<16xf32>, vector<16xf32>, vector<16xf32>, vector<16xf32>, vector<16xf32>, vector<16xf32>
        }
        %add3A_273 = arith.addf %while3A_272#11, %while3A_272#3 : vector<16xf32>
        %add3A_274 = arith.addf %while3A_272#12, %while3A_272#4 : vector<16xf32>
        %add3A_275 = arith.addf %while3A_272#13, %while3A_272#5 : vector<16xf32>
        %add3A_276 = arith.addf %while3A_272#14, %while3A_272#6 : vector<16xf32>
        %add3A_277 = arith.addf %while3A_272#15, %while3A_272#7 : vector<16xf32>
        %add3A_278 = arith.addf %while3A_272#16, %while3A_272#8 : vector<16xf32>
        %add3A_279 = arith.addf %while3A_272#17, %while3A_272#9 : vector<16xf32>
        %add3A_280 = arith.addf %while3A_272#18, %while3A_272#10 : vector<16xf32>
        %iota3A_281 = tpu.iota {dimensions = array<i32: 0>} : vector<16xi32>
        %broadcast_in_dim3A_282 = arith.constant 0.000000e+00 : f32
        %broadcast_in_dim3A_283 = vector.broadcast %broadcast_in_dim3A_282 : f32 to vector<16xf32>
        %add3A_284 = arith.constant 8 : i32
        %add3A_285 = vector.broadcast %add3A_284 : i32 to vector<16xi32>
        %add3A_286 = arith.addi %iota3A_281, %add3A_285 : vector<16xi32>
        %min3A_287 = arith.constant 15 : i32
        %min3A_288 = vector.broadcast %min3A_287 : i32 to vector<16xi32>
        %min3A_289 = arith.minsi %add3A_286, %min3A_288 : vector<16xi32>
        %broadcast_in_dim3A_290 = vector.shape_cast %min3A_289 : vector<16xi32> to vector<16x1xi32>
        %gather3A = vector.shape_cast %broadcast_in_dim3A_290 : vector<16x1xi32> to vector<16xi32>
        %gather3A_291 = tpu.dynamic_gather %add3A_273[%gather3A] in [0] : vector<16xf32>, vector<16xi32> -> vector<16xf32>
        %add3A_292 = arith.addf %broadcast_in_dim3A_283, %add3A_273 : vector<16xf32>
        %add3A_293 = arith.addf %add3A_292, %gather3A_291 : vector<16xf32>
        %add3A_294 = arith.constant 8 : i32
        %add3A_295 = vector.broadcast %add3A_294 : i32 to vector<16xi32>
        %add3A_296 = arith.addi %iota3A_281, %add3A_295 : vector<16xi32>
        %min3A_297 = arith.constant 15 : i32
        %min3A_298 = vector.broadcast %min3A_297 : i32 to vector<16xi32>
        %min3A_299 = arith.minsi %add3A_296, %min3A_298 : vector<16xi32>
        %broadcast_in_dim3A_300 = vector.shape_cast %min3A_299 : vector<16xi32> to vector<16x1xi32>
        %gather3A_301 = vector.shape_cast %broadcast_in_dim3A_300 : vector<16x1xi32> to vector<16xi32>
        %gather3A_302 = tpu.dynamic_gather %add3A_274[%gather3A_301] in [0] : vector<16xf32>, vector<16xi32> -> vector<16xf32>
        %add3A_303 = arith.addf %add3A_293, %add3A_274 : vector<16xf32>
        %add3A_304 = arith.addf %add3A_303, %gather3A_302 : vector<16xf32>
        %add3A_305 = arith.constant 8 : i32
        %add3A_306 = vector.broadcast %add3A_305 : i32 to vector<16xi32>
        %add3A_307 = arith.addi %iota3A_281, %add3A_306 : vector<16xi32>
        %min3A_308 = arith.constant 15 : i32
        %min3A_309 = vector.broadcast %min3A_308 : i32 to vector<16xi32>
        %min3A_310 = arith.minsi %add3A_307, %min3A_309 : vector<16xi32>
        %broadcast_in_dim3A_311 = vector.shape_cast %min3A_310 : vector<16xi32> to vector<16x1xi32>
        %gather3A_312 = vector.shape_cast %broadcast_in_dim3A_311 : vector<16x1xi32> to vector<16xi32>
        %gather3A_313 = tpu.dynamic_gather %add3A_275[%gather3A_312] in [0] : vector<16xf32>, vector<16xi32> -> vector<16xf32>
        %add3A_314 = arith.addf %add3A_304, %add3A_275 : vector<16xf32>
        %add3A_315 = arith.addf %add3A_314, %gather3A_313 : vector<16xf32>
        %add3A_316 = arith.constant 8 : i32
        %add3A_317 = vector.broadcast %add3A_316 : i32 to vector<16xi32>
        %add3A_318 = arith.addi %iota3A_281, %add3A_317 : vector<16xi32>
        %min3A_319 = arith.constant 15 : i32
        %min3A_320 = vector.broadcast %min3A_319 : i32 to vector<16xi32>
        %min3A_321 = arith.minsi %add3A_318, %min3A_320 : vector<16xi32>
        %broadcast_in_dim3A_322 = vector.shape_cast %min3A_321 : vector<16xi32> to vector<16x1xi32>
        %gather3A_323 = vector.shape_cast %broadcast_in_dim3A_322 : vector<16x1xi32> to vector<16xi32>
        %gather3A_324 = tpu.dynamic_gather %add3A_276[%gather3A_323] in [0] : vector<16xf32>, vector<16xi32> -> vector<16xf32>
        %add3A_325 = arith.addf %add3A_315, %add3A_276 : vector<16xf32>
        %add3A_326 = arith.addf %add3A_325, %gather3A_324 : vector<16xf32>
        %add3A_327 = arith.constant 8 : i32
        %add3A_328 = vector.broadcast %add3A_327 : i32 to vector<16xi32>
        %add3A_329 = arith.addi %iota3A_281, %add3A_328 : vector<16xi32>
        %min3A_330 = arith.constant 15 : i32
        %min3A_331 = vector.broadcast %min3A_330 : i32 to vector<16xi32>
        %min3A_332 = arith.minsi %add3A_329, %min3A_331 : vector<16xi32>
        %broadcast_in_dim3A_333 = vector.shape_cast %min3A_332 : vector<16xi32> to vector<16x1xi32>
        %gather3A_334 = vector.shape_cast %broadcast_in_dim3A_333 : vector<16x1xi32> to vector<16xi32>
        %gather3A_335 = tpu.dynamic_gather %add3A_277[%gather3A_334] in [0] : vector<16xf32>, vector<16xi32> -> vector<16xf32>
        %add3A_336 = arith.addf %add3A_326, %add3A_277 : vector<16xf32>
        %add3A_337 = arith.addf %add3A_336, %gather3A_335 : vector<16xf32>
        %add3A_338 = arith.constant 8 : i32
        %add3A_339 = vector.broadcast %add3A_338 : i32 to vector<16xi32>
        %add3A_340 = arith.addi %iota3A_281, %add3A_339 : vector<16xi32>
        %min3A_341 = arith.constant 15 : i32
        %min3A_342 = vector.broadcast %min3A_341 : i32 to vector<16xi32>
        %min3A_343 = arith.minsi %add3A_340, %min3A_342 : vector<16xi32>
        %broadcast_in_dim3A_344 = vector.shape_cast %min3A_343 : vector<16xi32> to vector<16x1xi32>
        %gather3A_345 = vector.shape_cast %broadcast_in_dim3A_344 : vector<16x1xi32> to vector<16xi32>
        %gather3A_346 = tpu.dynamic_gather %add3A_278[%gather3A_345] in [0] : vector<16xf32>, vector<16xi32> -> vector<16xf32>
        %add3A_347 = arith.addf %add3A_337, %add3A_278 : vector<16xf32>
        %add3A_348 = arith.addf %add3A_347, %gather3A_346 : vector<16xf32>
        %add3A_349 = arith.constant 8 : i32
        %add3A_350 = vector.broadcast %add3A_349 : i32 to vector<16xi32>
        %add3A_351 = arith.addi %iota3A_281, %add3A_350 : vector<16xi32>
        %min3A_352 = arith.constant 15 : i32
        %min3A_353 = vector.broadcast %min3A_352 : i32 to vector<16xi32>
        %min3A_354 = arith.minsi %add3A_351, %min3A_353 : vector<16xi32>
        %broadcast_in_dim3A_355 = vector.shape_cast %min3A_354 : vector<16xi32> to vector<16x1xi32>
        %gather3A_356 = vector.shape_cast %broadcast_in_dim3A_355 : vector<16x1xi32> to vector<16xi32>
        %gather3A_357 = tpu.dynamic_gather %add3A_279[%gather3A_356] in [0] : vector<16xf32>, vector<16xi32> -> vector<16xf32>
        %add3A_358 = arith.addf %add3A_348, %add3A_279 : vector<16xf32>
        %add3A_359 = arith.addf %add3A_358, %gather3A_357 : vector<16xf32>
        %add3A_360 = arith.constant 8 : i32
        %add3A_361 = vector.broadcast %add3A_360 : i32 to vector<16xi32>
        %add3A_362 = arith.addi %iota3A_281, %add3A_361 : vector<16xi32>
        %min3A_363 = arith.constant 15 : i32
        %min3A_364 = vector.broadcast %min3A_363 : i32 to vector<16xi32>
        %min3A_365 = arith.minsi %add3A_362, %min3A_364 : vector<16xi32>
        %broadcast_in_dim3A_366 = vector.shape_cast %min3A_365 : vector<16xi32> to vector<16x1xi32>
        %gather3A_367 = vector.shape_cast %broadcast_in_dim3A_366 : vector<16x1xi32> to vector<16xi32>
        %gather3A_368 = tpu.dynamic_gather %add3A_280[%gather3A_367] in [0] : vector<16xf32>, vector<16xi32> -> vector<16xf32>
        %add3A_369 = arith.addf %add3A_359, %add3A_280 : vector<16xf32>
        %add3A_370 = arith.addf %add3A_369, %gather3A_368 : vector<16xf32>
        %add3A_371 = arith.constant 4 : i32
        %add3A_372 = vector.broadcast %add3A_371 : i32 to vector<16xi32>
        %add3A_373 = arith.addi %iota3A_281, %add3A_372 : vector<16xi32>
        %min3A_374 = arith.constant 15 : i32
        %min3A_375 = vector.broadcast %min3A_374 : i32 to vector<16xi32>
        %min3A_376 = arith.minsi %add3A_373, %min3A_375 : vector<16xi32>
        %broadcast_in_dim3A_377 = vector.shape_cast %min3A_376 : vector<16xi32> to vector<16x1xi32>
        %gather3A_378 = vector.shape_cast %broadcast_in_dim3A_377 : vector<16x1xi32> to vector<16xi32>
        %gather3A_379 = tpu.dynamic_gather %add3A_370[%gather3A_378] in [0] : vector<16xf32>, vector<16xi32> -> vector<16xf32>
        %add3A_380 = arith.addf %add3A_370, %gather3A_379 : vector<16xf32>
        %add3A_381 = arith.constant 2 : i32
        %add3A_382 = vector.broadcast %add3A_381 : i32 to vector<16xi32>
        %add3A_383 = arith.addi %iota3A_281, %add3A_382 : vector<16xi32>
        %min3A_384 = arith.constant 15 : i32
        %min3A_385 = vector.broadcast %min3A_384 : i32 to vector<16xi32>
        %min3A_386 = arith.minsi %add3A_383, %min3A_385 : vector<16xi32>
        %broadcast_in_dim3A_387 = vector.shape_cast %min3A_386 : vector<16xi32> to vector<16x1xi32>
        %gather3A_388 = vector.shape_cast %broadcast_in_dim3A_387 : vector<16x1xi32> to vector<16xi32>
        %gather3A_389 = tpu.dynamic_gather %add3A_380[%gather3A_388] in [0] : vector<16xf32>, vector<16xi32> -> vector<16xf32>
        %add3A_390 = arith.addf %add3A_380, %gather3A_389 : vector<16xf32>
        %add3A_391 = arith.constant 1 : i32
        %add3A_392 = vector.broadcast %add3A_391 : i32 to vector<16xi32>
        %add3A_393 = arith.addi %iota3A_281, %add3A_392 : vector<16xi32>
        %min3A_394 = arith.constant 15 : i32
        %min3A_395 = vector.broadcast %min3A_394 : i32 to vector<16xi32>
        %min3A_396 = arith.minsi %add3A_393, %min3A_395 : vector<16xi32>
        %broadcast_in_dim3A_397 = vector.shape_cast %min3A_396 : vector<16xi32> to vector<16x1xi32>
        %gather3A_398 = vector.shape_cast %broadcast_in_dim3A_397 : vector<16x1xi32> to vector<16xi32>
        %gather3A_399 = tpu.dynamic_gather %add3A_390[%gather3A_398] in [0] : vector<16xf32>, vector<16xi32> -> vector<16xf32>
        %add3A_400 = arith.addf %add3A_390, %gather3A_399 : vector<16xf32>
        %eq3A_401 = arith.constant 0 : i32
        %eq3A_402 = vector.broadcast %eq3A_401 : i32 to vector<16xi32>
        %eq3A_403 = arith.cmpi eq, %iota3A_281, %eq3A_402 : vector<16xi32>
        %jit3A_404 = arith.constant 0.000000e+00 : f32
        %broadcast_in_dim3A_405 = vector.broadcast %jit3A_404 : f32 to vector<16xf32>
        %select_n3A_406 = arith.select %eq3A_403, %add3A_400, %broadcast_in_dim3A_405 : vector<16xi1>, vector<16xf32>
        %reduce_sum3A_407 = arith.constant true
        %reduce_sum3A_408 = vector.broadcast %reduce_sum3A_407 : i1 to vector<16xi1>
        %reduce_sum3A_409 = tpu.scan <sum>, %select_n3A_406 masked %reduce_sum3A_408 : vector<16xf32>, vector<16xi1> -> vector<16xf32>
        %reduce_sum3A_410 = vector.extract %reduce_sum3A_409[15] : f32 from vector<16xf32>
        %jit3A_411 = arith.constant 128 : i32
        %eq3A_412 = arith.constant 0 : i32
        %eq3A_413 = arith.cmpi eq, %jit3A_411, %eq3A_412 : i32
        %jit3A_414 = arith.constant 1 : i32
        %select_n3A_415 = arith.select %eq3A_413, %jit3A_414, %jit3A_411 : i32
        %rem3A_416 = arith.remsi %while3A_263, %select_n3A_415 : i32
        %ne3A_417 = arith.constant 0 : i32
        %ne3A_418 = arith.cmpi ne, %rem3A_416, %ne3A_417 : i32
        %lt3A_419 = arith.constant 0 : i32
        %lt3A_420 = arith.cmpi slt, %rem3A_416, %lt3A_419 : i32
        %lt3A_421 = arith.constant 0 : i32
        %lt3A_422 = arith.cmpi slt, %select_n3A_415, %lt3A_421 : i32
        %ne3A_423 = arith.xori %lt3A_420, %lt3A_422 : i1
        %and3A_424 = arith.andi %ne3A_423, %ne3A_418 : i1
        %add3A_425 = arith.addi %rem3A_416, %select_n3A_415 : i32
        %select_n3A_426 = arith.select %and3A_424, %add3A_425, %rem3A_416 : i32
        %broadcast_in_dim3A_427 = vector.broadcast %select_n3A_426 : i32 to vector<16xi32>
        %broadcast_in_dim3A_428 = vector.broadcast %while3A_259 : i32 to vector<16xi32>
        %eq3A_429 = arith.constant 0 : i32
        %eq3A_430 = vector.broadcast %eq3A_429 : i32 to vector<16xi32>
        %eq3A_431 = arith.cmpi eq, %iota3A, %eq3A_430 : vector<16xi32>
        tpu.vector_store_idx %arg12[%broadcast_in_dim3A_427], %broadcast_in_dim3A_428 masked %eq3A_431 : memref<128xi32, #tpu.memory_space<vmem>>[vector<16xi32>], vector<16xi32>, vector<16xi1>
        %broadcast_in_dim3A_432 = vector.broadcast %select_n3A_426 : i32 to vector<16xi32>
        %broadcast_in_dim3A_433 = vector.broadcast %reduce_sum3A_410 : f32 to vector<16xf32>
        %eq3A_434 = arith.constant 0 : i32
        %eq3A_435 = vector.broadcast %eq3A_434 : i32 to vector<16xi32>
        %eq3A_436 = arith.cmpi eq, %iota3A, %eq3A_435 : vector<16xi32>
        tpu.vector_store_idx %arg13[%broadcast_in_dim3A_432], %broadcast_in_dim3A_433 masked %eq3A_436 : memref<128xf32, #tpu.memory_space<vmem>>[vector<16xi32>], vector<16xf32>, vector<16xi1>
        %add3A_437 = arith.constant 1 : i32
        %add3A_438 = arith.addi %while3A_263, %add3A_437 : i32
        %jit3A_439 = arith.constant 128 : i32
        %eq3A_440 = arith.constant 0 : i32
        %eq3A_441 = arith.cmpi eq, %jit3A_439, %eq3A_440 : i32
        %jit3A_442 = arith.constant 1 : i32
        %select_n3A_443 = arith.select %eq3A_441, %jit3A_442, %jit3A_439 : i32
        %rem3A_444 = arith.remsi %add3A_438, %select_n3A_443 : i32
        %ne3A_445 = arith.constant 0 : i32
        %ne3A_446 = arith.cmpi ne, %rem3A_444, %ne3A_445 : i32
        %lt3A_447 = arith.constant 0 : i32
        %lt3A_448 = arith.cmpi slt, %rem3A_444, %lt3A_447 : i32
        %lt3A_449 = arith.constant 0 : i32
        %lt3A_450 = arith.cmpi slt, %select_n3A_443, %lt3A_449 : i32
        %ne3A_451 = arith.xori %lt3A_448, %lt3A_450 : i1
        %and3A_452 = arith.andi %ne3A_451, %ne3A_446 : i1
        %add3A_453 = arith.addi %rem3A_444, %select_n3A_443 : i32
        %select_n3A_454 = arith.select %and3A_452, %add3A_453, %rem3A_444 : i32
        %eq3A_455 = arith.constant 0 : i32
        %eq3A_456 = arith.cmpi eq, %select_n3A_454, %eq3A_455 : i32
        %convert_element_type3A_457 = arith.extui %eq3A_456 : i1 to i32
        %cond3A_458 = arith.constant 0 : i32
        %cond3A_459 = arith.cmpi ne, %convert_element_type3A_457, %cond3A_458 : i32
        scf.if %cond3A_459 {
          "tpu.region"() ({
            %run_scoped3A = tpu.sem_alloc : memref<!tpu.dma_semaphore, #tpu.memory_space<semaphore_mem>>
            %dma_start3A_460 = arith.constant 0 : i32
            %dma_start3A_461 = tpu.memref_slice %arg6[%dma_start3A_460] : memref<10016xf32, #tpu.memory_space<hbm>> -> memref<10016xf32, #tpu.memory_space<hbm>>
            tpu.enqueue_indirect_dma source(%arg13 : memref<128xf32, #tpu.memory_space<vmem>>) target(%dma_start3A_461 : memref<10016xf32, #tpu.memory_space<hbm>>) offsets(%arg12 : memref<128xi32, #tpu.memory_space<vmem>>) semaphore(%run_scoped3A : memref<!tpu.dma_semaphore, #tpu.memory_space<semaphore_mem>>)
            %dma_wait3A_462 = arith.constant 0 : i32
            %dma_wait3A_463 = tpu.memref_slice %arg6[%dma_wait3A_462] : memref<10016xf32, #tpu.memory_space<hbm>> -> memref<10016xf32, #tpu.memory_space<hbm>>
            tpu.wait_indirect_dma semaphore(%run_scoped3A : memref<!tpu.dma_semaphore, #tpu.memory_space<semaphore_mem>>) src(%arg13 : memref<128xf32, #tpu.memory_space<vmem>>) dst(%dma_wait3A_463 : memref<10016xf32, #tpu.memory_space<hbm>>)
            tpu.yield
          }) : () -> ()
        } else {
        }
        scf.yield %while3A_272#0, %while3A_272#1, %while3A_272#2, %add3A_438 : i32, i32, i32, i32
      }
      %while3A_236 = arith.constant 1 : i32
      %while3A_237:4 = scf.for %while3A_259 = %while3A_233 to %while3A_229 step %while3A_236 iter_args(%while3A_260 = %while3A_235#0, %while3A_261 = %while3A_235#1, %while3A_262 = %while3A_235#2, %while3A_263 = %while3A_235#3) -> (i32, i32, i32, i32)  : i32 {
        %get3A_264 = arith.index_cast %while3A_259 : i32 to index
        %get3A_265 = tpu.vector_load %arg7[%get3A_264] {strides = array<i32>} : memref<10016xf32, #tpu.memory_space<vmem>>, vector<16xf32>,
        %slice3A = vector.extract_strided_slice %get3A_265 {offsets = [0], sizes = [1], strides = [1]} : vector<16xf32> to vector<1xf32>
        %squeeze3A = vector.extract %slice3A[0] : f32 from vector<1xf32>
        %add3A_266 = arith.constant 1 : i32
        %add3A_267 = arith.addi %while3A_259, %add3A_266 : i32
        %get3A_268 = arith.index_cast %add3A_267 : i32 to index
        %get3A_269 = tpu.vector_load %arg8[%get3A_268] {strides = array<i32>} : memref<10016xi32, #tpu.memory_space<vmem>>, vector<16xi32>,
        %slice3A_270 = vector.extract_strided_slice %get3A_269 {offsets = [0], sizes = [1], strides = [1]} : vector<16xi32> to vector<1xi32>
        %squeeze3A_271 = vector.extract %slice3A_270[0] : i32 from vector<1xi32>
        %while3A_272:19 = scf.while (%while3A_460 = %while3A_260, %while3A_461 = %while3A_261, %while3A_462 = %while3A_262, %while3A_463 = %broadcast_in_dim3A_119, %while3A_464 = %broadcast_in_dim3A_121, %while3A_465 = %broadcast_in_dim3A_123, %while3A_466 = %broadcast_in_dim3A_125, %while3A_467 = %broadcast_in_dim3A_127, %while3A_468 = %broadcast_in_dim3A_129, %while3A_469 = %broadcast_in_dim3A_131, %while3A_470 = %broadcast_in_dim3A_133, %while3A_471 = %broadcast_in_dim3A_119, %while3A_472 = %broadcast_in_dim3A_121, %while3A_473 = %broadcast_in_dim3A_123, %while3A_474 = %broadcast_in_dim3A_125, %while3A_475 = %broadcast_in_dim3A_127, %while3A_476 = %broadcast_in_dim3A_129, %while3A_477 = %broadcast_in_dim3A_131, %while3A_478 = %broadcast_in_dim3A_133) : (i32, i32, i32, vector<16xf32>, vector<16xf32>, vector<16xf32>, vector<16xf32>, vector<16xf32>, vector<16xf32>, vector<16xf32>, vector<16xf32>, vector<16xf32>, vector<16xf32>, vector<16xf32>, vector<16xf32>, vector<16xf32>, vector<16xf32>, vector<16xf32>, vector<16xf32>) -> (i32, i32, i32, vector<16xf32>, vector<16xf32>, vector<16xf32>, vector<16xf32>, vector<16xf32>, vector<16xf32>, vector<16xf32>, vector<16xf32>, vector<16xf32>, vector<16xf32>, vector<16xf32>, vector<16xf32>, vector<16xf32>, vector<16xf32>, vector<16xf32>, vector<16xf32>) {
          %lt3A_479 = arith.cmpi slt, %while3A_460, %squeeze3A_271 : i32
          scf.condition(%lt3A_479) %while3A_460, %while3A_461, %while3A_462, %while3A_463, %while3A_464, %while3A_465, %while3A_466, %while3A_467, %while3A_468, %while3A_469, %while3A_470, %while3A_471, %while3A_472, %while3A_473, %while3A_474, %while3A_475, %while3A_476, %while3A_477, %while3A_478 : i32, i32, i32, vector<16xf32>, vector<16xf32>, vector<16xf32>, vector<16xf32>, vector<16xf32>, vector<16xf32>, vector<16xf32>, vector<16xf32>, vector<16xf32>, vector<16xf32>, vector<16xf32>, vector<16xf32>, vector<16xf32>, vector<16xf32>, vector<16xf32>, vector<16xf32>
        } do {
        ^bb0(%while3A_460: i32, %while3A_461: i32, %while3A_462: i32, %while3A_463: vector<16xf32>, %while3A_464: vector<16xf32>, %while3A_465: vector<16xf32>, %while3A_466: vector<16xf32>, %while3A_467: vector<16xf32>, %while3A_468: vector<16xf32>, %while3A_469: vector<16xf32>, %while3A_470: vector<16xf32>, %while3A_471: vector<16xf32>, %while3A_472: vector<16xf32>, %while3A_473: vector<16xf32>, %while3A_474: vector<16xf32>, %while3A_475: vector<16xf32>, %while3A_476: vector<16xf32>, %while3A_477: vector<16xf32>, %while3A_478: vector<16xf32>):
          %add3A_479 = arith.constant 512 : i32
          %add3A_480 = arith.addi %while3A_461, %add3A_479 : i32
          %ge3A = arith.cmpi sge, %while3A_460, %add3A_480 : i32
          %convert_element_type3A_481 = arith.extui %ge3A : i1 to i32
          %cond3A_482 = arith.constant 0 : i32
          %cond3A_483 = arith.cmpi ne, %convert_element_type3A_481, %cond3A_482 : i32
          scf.if %cond3A_483 {
            %add3A_612 = arith.constant 512 : i32
            %add3A_613 = arith.addi %while3A_461, %add3A_612 : i32
            %multiple_of3A_614 = tpu.assume_multiple %add3A_613, 8 : i32
            %dma_start3A_615 = tpu.memref_slice %arg3[%multiple_of3A_614] : memref<330784xi32, #tpu.memory_space<hbm>> -> memref<512xi32, #tpu.memory_space<hbm>>
            %dma_start3A_616 = tpu.memref_slice %arg3[%multiple_of3A_614] : memref<330784xi32, #tpu.memory_space<hbm>> -> memref<512xi32, #tpu.memory_space<hbm>>
            tpu.enqueue_dma source(%dma_start3A_616 : memref<512xi32, #tpu.memory_space<hbm>>) target(%arg9 : memref<512xi32, #tpu.memory_space<vmem>>) target_semaphore(%arg15 : memref<!tpu.dma_semaphore, #tpu.memory_space<semaphore_mem>>)
            %dma_wait3A_617 = tpu.memref_slice %arg3[%multiple_of3A_614] : memref<330784xi32, #tpu.memory_space<hbm>> -> memref<512xi32, #tpu.memory_space<hbm>>
            %dma_wait3A_618 = tpu.memref_slice %arg3[%multiple_of3A_614] : memref<330784xi32, #tpu.memory_space<hbm>> -> memref<512xi32, #tpu.memory_space<hbm>>
            tpu.wait_dma2 semaphore(%arg15 : memref<!tpu.dma_semaphore, #tpu.memory_space<semaphore_mem>>) src(%dma_wait3A_618 : memref<512xi32, #tpu.memory_space<hbm>>) dst(%arg9 : memref<512xi32, #tpu.memory_space<vmem>>)
            %dma_start3A_619 = arith.constant 0 : i32
            %dma_start3A_620 = arith.constant 0 : i32
            %dma_start3A_621 = tpu.memref_slice %arg11[%dma_start3A_619, %dma_start3A_620] : memref<512x128xf32, #tpu.memory_space<vmem>> -> memref<128x128xf32, #tpu.memory_space<vmem>>
            %dma_start3A_622 = arith.constant 0 : i32
            %dma_start3A_623 = tpu.memref_slice %arg9[%dma_start3A_622] : memref<512xi32, #tpu.memory_space<vmem>> -> memref<128xi32, #tpu.memory_space<vmem>>
            %dma_start3A_624 = arith.constant 0 : i32
            %dma_start3A_625 = arith.constant 0 : i32
            %dma_start3A_626 = tpu.memref_slice %arg2[%dma_start3A_624, %dma_start3A_625] : memref<10000x128xf32, #tpu.memory_space<hbm>> -> memref<10000x128xf32, #tpu.memory_space<hbm>>
            tpu.enqueue_indirect_dma source(%dma_start3A_626 : memref<10000x128xf32, #tpu.memory_space<hbm>>) target(%dma_start3A_621 : memref<128x128xf32, #tpu.memory_space<vmem>>) offsets(%dma_start3A_623 : memref<128xi32, #tpu.memory_space<vmem>>) semaphore(%arg14 : memref<!tpu.dma_semaphore, #tpu.memory_space<semaphore_mem>>)
            %dma_start3A_627 = arith.constant 128 : i32
            %dma_start3A_628 = arith.constant 0 : i32
            %dma_start3A_629 = tpu.memref_slice %arg11[%dma_start3A_627, %dma_start3A_628] : memref<512x128xf32, #tpu.memory_space<vmem>> -> memref<128x128xf32, #tpu.memory_space<vmem>>
            %dma_start3A_630 = arith.constant 128 : i32
            %dma_start3A_631 = tpu.memref_slice %arg9[%dma_start3A_630] : memref<512xi32, #tpu.memory_space<vmem>> -> memref<128xi32, #tpu.memory_space<vmem>>
            %dma_start3A_632 = arith.constant 0 : i32
            %dma_start3A_633 = arith.constant 0 : i32
            %dma_start3A_634 = tpu.memref_slice %arg2[%dma_start3A_632, %dma_start3A_633] : memref<10000x128xf32, #tpu.memory_space<hbm>> -> memref<10000x128xf32, #tpu.memory_space<hbm>>
            tpu.enqueue_indirect_dma source(%dma_start3A_634 : memref<10000x128xf32, #tpu.memory_space<hbm>>) target(%dma_start3A_629 : memref<128x128xf32, #tpu.memory_space<vmem>>) offsets(%dma_start3A_631 : memref<128xi32, #tpu.memory_space<vmem>>) semaphore(%arg14 : memref<!tpu.dma_semaphore, #tpu.memory_space<semaphore_mem>>)
            %dma_start3A_635 = arith.constant 256 : i32
            %dma_start3A_636 = arith.constant 0 : i32
            %dma_start3A_637 = tpu.memref_slice %arg11[%dma_start3A_635, %dma_start3A_636] : memref<512x128xf32, #tpu.memory_space<vmem>> -> memref<128x128xf32, #tpu.memory_space<vmem>>
            %dma_start3A_638 = arith.constant 256 : i32
            %dma_start3A_639 = tpu.memref_slice %arg9[%dma_start3A_638] : memref<512xi32, #tpu.memory_space<vmem>> -> memref<128xi32, #tpu.memory_space<vmem>>
            %dma_start3A_640 = arith.constant 0 : i32
            %dma_start3A_641 = arith.constant 0 : i32
            %dma_start3A_642 = tpu.memref_slice %arg2[%dma_start3A_640, %dma_start3A_641] : memref<10000x128xf32, #tpu.memory_space<hbm>> -> memref<10000x128xf32, #tpu.memory_space<hbm>>
            tpu.enqueue_indirect_dma source(%dma_start3A_642 : memref<10000x128xf32, #tpu.memory_space<hbm>>) target(%dma_start3A_637 : memref<128x128xf32, #tpu.memory_space<vmem>>) offsets(%dma_start3A_639 : memref<128xi32, #tpu.memory_space<vmem>>) semaphore(%arg14 : memref<!tpu.dma_semaphore, #tpu.memory_space<semaphore_mem>>)
            %dma_start3A_643 = arith.constant 384 : i32
            %dma_start3A_644 = arith.constant 0 : i32
            %dma_start3A_645 = tpu.memref_slice %arg11[%dma_start3A_643, %dma_start3A_644] : memref<512x128xf32, #tpu.memory_space<vmem>> -> memref<128x128xf32, #tpu.memory_space<vmem>>
            %dma_start3A_646 = arith.constant 384 : i32
            %dma_start3A_647 = tpu.memref_slice %arg9[%dma_start3A_646] : memref<512xi32, #tpu.memory_space<vmem>> -> memref<128xi32, #tpu.memory_space<vmem>>
            %dma_start3A_648 = arith.constant 0 : i32
            %dma_start3A_649 = arith.constant 0 : i32
            %dma_start3A_650 = tpu.memref_slice %arg2[%dma_start3A_648, %dma_start3A_649] : memref<10000x128xf32, #tpu.memory_space<hbm>> -> memref<10000x128xf32, #tpu.memory_space<hbm>>
            tpu.enqueue_indirect_dma source(%dma_start3A_650 : memref<10000x128xf32, #tpu.memory_space<hbm>>) target(%dma_start3A_645 : memref<128x128xf32, #tpu.memory_space<vmem>>) offsets(%dma_start3A_647 : memref<128xi32, #tpu.memory_space<vmem>>) semaphore(%arg14 : memref<!tpu.dma_semaphore, #tpu.memory_space<semaphore_mem>>)
            %dma_wait3A_651 = arith.constant 0 : i32
            %dma_wait3A_652 = arith.constant 0 : i32
            %dma_wait3A_653 = tpu.memref_slice %arg11[%dma_wait3A_651, %dma_wait3A_652] : memref<512x128xf32, #tpu.memory_space<vmem>> -> memref<128x128xf32, #tpu.memory_space<vmem>>
            %dma_wait3A_654 = arith.constant 0 : i32
            %dma_wait3A_655 = tpu.memref_slice %arg9[%dma_wait3A_654] : memref<512xi32, #tpu.memory_space<vmem>> -> memref<128xi32, #tpu.memory_space<vmem>>
            %dma_wait3A_656 = arith.constant 0 : i32
            %dma_wait3A_657 = arith.constant 0 : i32
            %dma_wait3A_658 = tpu.memref_slice %arg2[%dma_wait3A_656, %dma_wait3A_657] : memref<10000x128xf32, #tpu.memory_space<hbm>> -> memref<10000x128xf32, #tpu.memory_space<hbm>>
            tpu.wait_indirect_dma semaphore(%arg14 : memref<!tpu.dma_semaphore, #tpu.memory_space<semaphore_mem>>) src(%dma_wait3A_658 : memref<10000x128xf32, #tpu.memory_space<hbm>>) dst(%dma_wait3A_653 : memref<128x128xf32, #tpu.memory_space<vmem>>)
            %dma_wait3A_659 = arith.constant 128 : i32
            %dma_wait3A_660 = arith.constant 0 : i32
            %dma_wait3A_661 = tpu.memref_slice %arg11[%dma_wait3A_659, %dma_wait3A_660] : memref<512x128xf32, #tpu.memory_space<vmem>> -> memref<128x128xf32, #tpu.memory_space<vmem>>
            %dma_wait3A_662 = arith.constant 128 : i32
            %dma_wait3A_663 = tpu.memref_slice %arg9[%dma_wait3A_662] : memref<512xi32, #tpu.memory_space<vmem>> -> memref<128xi32, #tpu.memory_space<vmem>>
            %dma_wait3A_664 = arith.constant 0 : i32
            %dma_wait3A_665 = arith.constant 0 : i32
            %dma_wait3A_666 = tpu.memref_slice %arg2[%dma_wait3A_664, %dma_wait3A_665] : memref<10000x128xf32, #tpu.memory_space<hbm>> -> memref<10000x128xf32, #tpu.memory_space<hbm>>
            tpu.wait_indirect_dma semaphore(%arg14 : memref<!tpu.dma_semaphore, #tpu.memory_space<semaphore_mem>>) src(%dma_wait3A_666 : memref<10000x128xf32, #tpu.memory_space<hbm>>) dst(%dma_wait3A_661 : memref<128x128xf32, #tpu.memory_space<vmem>>)
            %dma_wait3A_667 = arith.constant 256 : i32
            %dma_wait3A_668 = arith.constant 0 : i32
            %dma_wait3A_669 = tpu.memref_slice %arg11[%dma_wait3A_667, %dma_wait3A_668] : memref<512x128xf32, #tpu.memory_space<vmem>> -> memref<128x128xf32, #tpu.memory_space<vmem>>
            %dma_wait3A_670 = arith.constant 256 : i32
            %dma_wait3A_671 = tpu.memref_slice %arg9[%dma_wait3A_670] : memref<512xi32, #tpu.memory_space<vmem>> -> memref<128xi32, #tpu.memory_space<vmem>>
            %dma_wait3A_672 = arith.constant 0 : i32
            %dma_wait3A_673 = arith.constant 0 : i32
            %dma_wait3A_674 = tpu.memref_slice %arg2[%dma_wait3A_672, %dma_wait3A_673] : memref<10000x128xf32, #tpu.memory_space<hbm>> -> memref<10000x128xf32, #tpu.memory_space<hbm>>
            tpu.wait_indirect_dma semaphore(%arg14 : memref<!tpu.dma_semaphore, #tpu.memory_space<semaphore_mem>>) src(%dma_wait3A_674 : memref<10000x128xf32, #tpu.memory_space<hbm>>) dst(%dma_wait3A_669 : memref<128x128xf32, #tpu.memory_space<vmem>>)
            %dma_wait3A_675 = arith.constant 384 : i32
            %dma_wait3A_676 = arith.constant 0 : i32
            %dma_wait3A_677 = tpu.memref_slice %arg11[%dma_wait3A_675, %dma_wait3A_676] : memref<512x128xf32, #tpu.memory_space<vmem>> -> memref<128x128xf32, #tpu.memory_space<vmem>>
            %dma_wait3A_678 = arith.constant 384 : i32
            %dma_wait3A_679 = tpu.memref_slice %arg9[%dma_wait3A_678] : memref<512xi32, #tpu.memory_space<vmem>> -> memref<128xi32, #tpu.memory_space<vmem>>
            %dma_wait3A_680 = arith.constant 0 : i32
            %dma_wait3A_681 = arith.constant 0 : i32
            %dma_wait3A_682 = tpu.memref_slice %arg2[%dma_wait3A_680, %dma_wait3A_681] : memref<10000x128xf32, #tpu.memory_space<hbm>> -> memref<10000x128xf32, #tpu.memory_space<hbm>>
            tpu.wait_indirect_dma semaphore(%arg14 : memref<!tpu.dma_semaphore, #tpu.memory_space<semaphore_mem>>) src(%dma_wait3A_682 : memref<10000x128xf32, #tpu.memory_space<hbm>>) dst(%dma_wait3A_677 : memref<128x128xf32, #tpu.memory_space<vmem>>)
          } else {
          }
          %add3A_484 = arith.constant 512 : i32
          %add3A_485 = arith.addi %while3A_461, %add3A_484 : i32
          %select_n3A_486 = arith.select %ge3A, %add3A_485, %while3A_461 : i32
          %sub3A_487 = arith.subi %while3A_460, %select_n3A_486 : i32
          %sub3A_488 = arith.subi %squeeze3A_271, %while3A_460 : i32
          %sub3A_489 = arith.constant 512 : i32
          %sub3A_490 = arith.subi %sub3A_489, %sub3A_487 : i32
          %min3A_491 = arith.minsi %sub3A_488, %sub3A_490 : i32
          %sub3A_492 = arith.subi %while3A_462, %while3A_460 : i32
          %min3A_493 = arith.minsi %min3A_491, %sub3A_492 : i32
          %jit3A_494 = arith.constant 16 : i32
          %div3A_495 = arith.divsi %sub3A_487, %jit3A_494 : i32
          %sign3A_496 = arith.constant 0 : i32
          %sign3A_497 = arith.cmpi sgt, %sub3A_487, %sign3A_496 : i32
          %sign3A_498 = arith.extui %sign3A_497 : i1 to i32
          %sign3A_499 = arith.constant 0 : i32
          %sign3A_500 = arith.cmpi slt, %sub3A_487, %sign3A_499 : i32
          %sign3A_501 = arith.extui %sign3A_500 : i1 to i32
          %sign3A_502 = arith.subi %sign3A_498, %sign3A_501 : i32
          %sign3A_503 = arith.constant 0 : i32
          %sign3A_504 = arith.cmpi sgt, %jit3A_494, %sign3A_503 : i32
          %sign3A_505 = arith.extui %sign3A_504 : i1 to i32
          %sign3A_506 = arith.constant 0 : i32
          %sign3A_507 = arith.cmpi slt, %jit3A_494, %sign3A_506 : i32
          %sign3A_508 = arith.extui %sign3A_507 : i1 to i32
          %sign3A_509 = arith.subi %sign3A_505, %sign3A_508 : i32
          %ne3A_510 = arith.cmpi ne, %sign3A_502, %sign3A_509 : i32
          %rem3A_511 = arith.remsi %sub3A_487, %jit3A_494 : i32
          %ne3A_512 = arith.constant 0 : i32
          %ne3A_513 = arith.cmpi ne, %rem3A_511, %ne3A_512 : i32
          %and3A_514 = arith.andi %ne3A_510, %ne3A_513 : i1
          %sub3A_515 = arith.constant 1 : i32
          %sub3A_516 = arith.subi %div3A_495, %sub3A_515 : i32
          %select_n3A_517 = arith.select %and3A_514, %sub3A_516, %div3A_495 : i32
          %add3A_518 = arith.addi %sub3A_487, %min3A_493 : i32
          %add3A_519 = arith.constant 15 : i32
          %add3A_520 = arith.addi %add3A_518, %add3A_519 : i32
          %jit3A_521 = arith.constant 16 : i32
          %div3A_522 = arith.divsi %add3A_520, %jit3A_521 : i32
          %sign3A_523 = arith.constant 0 : i32
          %sign3A_524 = arith.cmpi sgt, %add3A_520, %sign3A_523 : i32
          %sign3A_525 = arith.extui %sign3A_524 : i1 to i32
          %sign3A_526 = arith.constant 0 : i32
          %sign3A_527 = arith.cmpi slt, %add3A_520, %sign3A_526 : i32
          %sign3A_528 = arith.extui %sign3A_527 : i1 to i32
          %sign3A_529 = arith.subi %sign3A_525, %sign3A_528 : i32
          %sign3A_530 = arith.constant 0 : i32
          %sign3A_531 = arith.cmpi sgt, %jit3A_521, %sign3A_530 : i32
          %sign3A_532 = arith.extui %sign3A_531 : i1 to i32
          %sign3A_533 = arith.constant 0 : i32
          %sign3A_534 = arith.cmpi slt, %jit3A_521, %sign3A_533 : i32
          %sign3A_535 = arith.extui %sign3A_534 : i1 to i32
          %sign3A_536 = arith.subi %sign3A_532, %sign3A_535 : i32
          %ne3A_537 = arith.cmpi ne, %sign3A_529, %sign3A_536 : i32
          %rem3A_538 = arith.remsi %add3A_520, %jit3A_521 : i32
          %ne3A_539 = arith.constant 0 : i32
          %ne3A_540 = arith.cmpi ne, %rem3A_538, %ne3A_539 : i32
          %and3A_541 = arith.andi %ne3A_537, %ne3A_540 : i1
          %sub3A_542 = arith.constant 1 : i32
          %sub3A_543 = arith.subi %div3A_522, %sub3A_542 : i32
          %select_n3A_544 = arith.select %and3A_541, %sub3A_543, %div3A_522 : i32
          %while3A_545 = arith.constant 0 : i32
          %while3A_546 = arith.subi %select_n3A_544, %select_n3A_517 : i32
          %while3A_547 = arith.addi %select_n3A_517, %while3A_546 : i32
          %while3A_548 = arith.constant 1 : i32
          %while3A_549 = arith.divsi %while3A_546, %while3A_548 : i32
          %while3A_550 = arith.muli %while3A_549, %while3A_548 : i32
          %while3A_551 = arith.addi %select_n3A_517, %while3A_550 : i32
          %while3A_552 = arith.constant 1 : i32
          %while3A_553 = scf.for %while3A_612 = %select_n3A_517 to %while3A_551 step %while3A_552 iter_args(%while3A_613 = %while3A_545) -> (i32)  : i32 {
            %mul3A_614 = arith.constant 16 : i32
            %mul3A_615 = arith.muli %while3A_612, %mul3A_614 : i32
            %get3A_616 = arith.index_cast %mul3A_615 : i32 to index
            %get3A_617 = tpu.vector_load %arg9[%get3A_616] {strides = array<i32>} : memref<512xi32, #tpu.memory_space<vmem>>, vector<16xi32>,
            %gather3A_618 = tpu.vector_load_idx %arg7[%get3A_617] : memref<10016xf32, #tpu.memory_space<vmem>>[vector<16xi32>], vector<16xf32>,
            %mul3A_619 = vector.broadcast %squeeze3A : f32 to vector<16xf32>
            %mul3A_620 = arith.mulf %gather3A_618, %mul3A_619 : vector<16xf32>
            %mul3A_621 = arith.constant 16 : i32
            %mul3A_622 = arith.muli %while3A_612, %mul3A_621 : i32
            %swap3A = arith.index_cast %mul3A_622 : i32 to index
            %swap3A_623 = tpu.vector_load %arg10[%swap3A] {strides = array<i32>} : memref<528xf32, #tpu.memory_space<vmem>>, vector<16xf32>,
            tpu.vector_store %arg10[%swap3A], %mul3A_620 {strides = array<i32>} : memref<528xf32, #tpu.memory_space<vmem>>, vector<16xf32>,
            %while3A_624 = arith.constant 0 : i32
            scf.yield %while3A_624 : i32
          }
          %while3A_554 = arith.constant 1 : i32
          %while3A_555 = scf.for %while3A_612 = %while3A_551 to %while3A_547 step %while3A_554 iter_args(%while3A_613 = %while3A_553) -> (i32)  : i32 {
            %mul3A_614 = arith.constant 16 : i32
            %mul3A_615 = arith.muli %while3A_612, %mul3A_614 : i32
            %get3A_616 = arith.index_cast %mul3A_615 : i32 to index
            %get3A_617 = tpu.vector_load %arg9[%get3A_616] {strides = array<i32>} : memref<512xi32, #tpu.memory_space<vmem>>, vector<16xi32>,
            %gather3A_618 = tpu.vector_load_idx %arg7[%get3A_617] : memref<10016xf32, #tpu.memory_space<vmem>>[vector<16xi32>], vector<16xf32>,
            %mul3A_619 = vector.broadcast %squeeze3A : f32 to vector<16xf32>
            %mul3A_620 = arith.mulf %gather3A_618, %mul3A_619 : vector<16xf32>
            %mul3A_621 = arith.constant 16 : i32
            %mul3A_622 = arith.muli %while3A_612, %mul3A_621 : i32
            %swap3A = arith.index_cast %mul3A_622 : i32 to index
            %swap3A_623 = tpu.vector_load %arg10[%swap3A] {strides = array<i32>} : memref<528xf32, #tpu.memory_space<vmem>>, vector<16xf32>,
            tpu.vector_store %arg10[%swap3A], %mul3A_620 {strides = array<i32>} : memref<528xf32, #tpu.memory_space<vmem>>, vector<16xf32>,
            %while3A_624 = arith.constant 0 : i32
            scf.yield %while3A_624 : i32
          }
          %while3A_556 = arith.constant 0 : i32
          %while3A_557 = arith.subi %min3A_493, %while3A_556 : i32
          %while3A_558 = arith.addi %while3A_556, %while3A_557 : i32
          %while3A_559 = arith.constant 1 : i32
          %while3A_560 = arith.divsi %while3A_557, %while3A_559 : i32
          %while3A_561 = arith.muli %while3A_560, %while3A_559 : i32
          %while3A_562 = arith.addi %while3A_556, %while3A_561 : i32
          %while3A_563 = arith.constant 1 : i32
          %while3A_564:8 = scf.for %while3A_612 = %while3A_556 to %while3A_562 step %while3A_563 iter_args(%while3A_613 = %while3A_463, %while3A_614 = %while3A_464, %while3A_615 = %while3A_465, %while3A_616 = %while3A_466, %while3A_617 = %while3A_467, %while3A_618 = %while3A_468, %while3A_619 = %while3A_469, %while3A_620 = %while3A_470) -> (vector<16xf32>, vector<16xf32>, vector<16xf32>, vector<16xf32>, vector<16xf32>, vector<16xf32>, vector<16xf32>, vector<16xf32>)  : i32 {
            %add3A_621 = arith.addi %sub3A_487, %while3A_612 : i32
            %get3A_622 = arith.index_cast %add3A_621 : i32 to index
            %get3A_623 = tpu.vector_load %arg10[%get3A_622] {strides = array<i32>} : memref<528xf32, #tpu.memory_space<vmem>>, vector<16xf32>,
            %slice3A_624 = vector.extract_strided_slice %get3A_623 {offsets = [0], sizes = [1], strides = [1]} : vector<16xf32> to vector<1xf32>
            %squeeze3A_625 = vector.extract %slice3A_624[0] : f32 from vector<1xf32>
            %get3A_626 = arith.constant 0 : i32
            %get3A_627 = tpu.memref_slice %arg11[%add3A_621, %get3A_626] : memref<512x128xf32, #tpu.memory_space<vmem>> -> memref<1x128xf32, #tpu.memory_space<vmem>>
            %get3A_628 = tpu.memref_squeeze %get3A_627 : memref<1x128xf32, #tpu.memory_space<vmem>> -> memref<128xf32, #tpu.memory_space<vmem>>
            %get3A_629 = arith.constant 0 : index
            %get3A_630 = tpu.vector_load %get3A_628[%get3A_629] {strides = array<i32>} : memref<128xf32, #tpu.memory_space<vmem>>, vector<16xf32>,
            %mul3A_631 = vector.broadcast %squeeze3A_625 : f32 to vector<16xf32>
            %mul3A_632 = arith.mulf %get3A_630, %mul3A_631 : vector<16xf32>
            %add3A_633 = arith.addf %while3A_613, %mul3A_632 : vector<16xf32>
            %get3A_634 = arith.constant 0 : i32
            %get3A_635 = tpu.memref_slice %arg11[%add3A_621, %get3A_634] : memref<512x128xf32, #tpu.memory_space<vmem>> -> memref<1x128xf32, #tpu.memory_space<vmem>>
            %get3A_636 = tpu.memref_squeeze %get3A_635 : memref<1x128xf32, #tpu.memory_space<vmem>> -> memref<128xf32, #tpu.memory_space<vmem>>
            %get3A_637 = arith.constant 16 : index
            %get3A_638 = tpu.vector_load %get3A_636[%get3A_637] {strides = array<i32>} : memref<128xf32, #tpu.memory_space<vmem>>, vector<16xf32>,
            %mul3A_639 = vector.broadcast %squeeze3A_625 : f32 to vector<16xf32>
            %mul3A_640 = arith.mulf %get3A_638, %mul3A_639 : vector<16xf32>
            %add3A_641 = arith.addf %while3A_614, %mul3A_640 : vector<16xf32>
            %get3A_642 = arith.constant 0 : i32
            %get3A_643 = tpu.memref_slice %arg11[%add3A_621, %get3A_642] : memref<512x128xf32, #tpu.memory_space<vmem>> -> memref<1x128xf32, #tpu.memory_space<vmem>>
            %get3A_644 = tpu.memref_squeeze %get3A_643 : memref<1x128xf32, #tpu.memory_space<vmem>> -> memref<128xf32, #tpu.memory_space<vmem>>
            %get3A_645 = arith.constant 32 : index
            %get3A_646 = tpu.vector_load %get3A_644[%get3A_645] {strides = array<i32>} : memref<128xf32, #tpu.memory_space<vmem>>, vector<16xf32>,
            %mul3A_647 = vector.broadcast %squeeze3A_625 : f32 to vector<16xf32>
            %mul3A_648 = arith.mulf %get3A_646, %mul3A_647 : vector<16xf32>
            %add3A_649 = arith.addf %while3A_615, %mul3A_648 : vector<16xf32>
            %get3A_650 = arith.constant 0 : i32
            %get3A_651 = tpu.memref_slice %arg11[%add3A_621, %get3A_650] : memref<512x128xf32, #tpu.memory_space<vmem>> -> memref<1x128xf32, #tpu.memory_space<vmem>>
            %get3A_652 = tpu.memref_squeeze %get3A_651 : memref<1x128xf32, #tpu.memory_space<vmem>> -> memref<128xf32, #tpu.memory_space<vmem>>
            %get3A_653 = arith.constant 48 : index
            %get3A_654 = tpu.vector_load %get3A_652[%get3A_653] {strides = array<i32>} : memref<128xf32, #tpu.memory_space<vmem>>, vector<16xf32>,
            %mul3A_655 = vector.broadcast %squeeze3A_625 : f32 to vector<16xf32>
            %mul3A_656 = arith.mulf %get3A_654, %mul3A_655 : vector<16xf32>
            %add3A_657 = arith.addf %while3A_616, %mul3A_656 : vector<16xf32>
            %get3A_658 = arith.constant 0 : i32
            %get3A_659 = tpu.memref_slice %arg11[%add3A_621, %get3A_658] : memref<512x128xf32, #tpu.memory_space<vmem>> -> memref<1x128xf32, #tpu.memory_space<vmem>>
            %get3A_660 = tpu.memref_squeeze %get3A_659 : memref<1x128xf32, #tpu.memory_space<vmem>> -> memref<128xf32, #tpu.memory_space<vmem>>
            %get3A_661 = arith.constant 64 : index
            %get3A_662 = tpu.vector_load %get3A_660[%get3A_661] {strides = array<i32>} : memref<128xf32, #tpu.memory_space<vmem>>, vector<16xf32>,
            %mul3A_663 = vector.broadcast %squeeze3A_625 : f32 to vector<16xf32>
            %mul3A_664 = arith.mulf %get3A_662, %mul3A_663 : vector<16xf32>
            %add3A_665 = arith.addf %while3A_617, %mul3A_664 : vector<16xf32>
            %get3A_666 = arith.constant 0 : i32
            %get3A_667 = tpu.memref_slice %arg11[%add3A_621, %get3A_666] : memref<512x128xf32, #tpu.memory_space<vmem>> -> memref<1x128xf32, #tpu.memory_space<vmem>>
            %get3A_668 = tpu.memref_squeeze %get3A_667 : memref<1x128xf32, #tpu.memory_space<vmem>> -> memref<128xf32, #tpu.memory_space<vmem>>
            %get3A_669 = arith.constant 80 : index
            %get3A_670 = tpu.vector_load %get3A_668[%get3A_669] {strides = array<i32>} : memref<128xf32, #tpu.memory_space<vmem>>, vector<16xf32>,
            %mul3A_671 = vector.broadcast %squeeze3A_625 : f32 to vector<16xf32>
            %mul3A_672 = arith.mulf %get3A_670, %mul3A_671 : vector<16xf32>
            %add3A_673 = arith.addf %while3A_618, %mul3A_672 : vector<16xf32>
            %get3A_674 = arith.constant 0 : i32
            %get3A_675 = tpu.memref_slice %arg11[%add3A_621, %get3A_674] : memref<512x128xf32, #tpu.memory_space<vmem>> -> memref<1x128xf32, #tpu.memory_space<vmem>>
            %get3A_676 = tpu.memref_squeeze %get3A_675 : memref<1x128xf32, #tpu.memory_space<vmem>> -> memref<128xf32, #tpu.memory_space<vmem>>
            %get3A_677 = arith.constant 96 : index
            %get3A_678 = tpu.vector_load %get3A_676[%get3A_677] {strides = array<i32>} : memref<128xf32, #tpu.memory_space<vmem>>, vector<16xf32>,
            %mul3A_679 = vector.broadcast %squeeze3A_625 : f32 to vector<16xf32>
            %mul3A_680 = arith.mulf %get3A_678, %mul3A_679 : vector<16xf32>
            %add3A_681 = arith.addf %while3A_619, %mul3A_680 : vector<16xf32>
            %get3A_682 = arith.constant 0 : i32
            %get3A_683 = tpu.memref_slice %arg11[%add3A_621, %get3A_682] : memref<512x128xf32, #tpu.memory_space<vmem>> -> memref<1x128xf32, #tpu.memory_space<vmem>>
            %get3A_684 = tpu.memref_squeeze %get3A_683 : memref<1x128xf32, #tpu.memory_space<vmem>> -> memref<128xf32, #tpu.memory_space<vmem>>
            %get3A_685 = arith.constant 112 : index
            %get3A_686 = tpu.vector_load %get3A_684[%get3A_685] {strides = array<i32>} : memref<128xf32, #tpu.memory_space<vmem>>, vector<16xf32>,
            %mul3A_687 = vector.broadcast %squeeze3A_625 : f32 to vector<16xf32>
            %mul3A_688 = arith.mulf %get3A_686, %mul3A_687 : vector<16xf32>
            %add3A_689 = arith.addf %while3A_620, %mul3A_688 : vector<16xf32>
            scf.yield %add3A_633, %add3A_641, %add3A_649, %add3A_657, %add3A_665, %add3A_673, %add3A_681, %add3A_689 : vector<16xf32>, vector<16xf32>, vector<16xf32>, vector<16xf32>, vector<16xf32>, vector<16xf32>, vector<16xf32>, vector<16xf32>
          }
          %while3A_565 = arith.constant 1 : i32
          %while3A_566:8 = scf.for %while3A_612 = %while3A_562 to %while3A_558 step %while3A_565 iter_args(%while3A_613 = %while3A_564#0, %while3A_614 = %while3A_564#1, %while3A_615 = %while3A_564#2, %while3A_616 = %while3A_564#3, %while3A_617 = %while3A_564#4, %while3A_618 = %while3A_564#5, %while3A_619 = %while3A_564#6, %while3A_620 = %while3A_564#7) -> (vector<16xf32>, vector<16xf32>, vector<16xf32>, vector<16xf32>, vector<16xf32>, vector<16xf32>, vector<16xf32>, vector<16xf32>)  : i32 {
            %add3A_621 = arith.addi %sub3A_487, %while3A_612 : i32
            %get3A_622 = arith.index_cast %add3A_621 : i32 to index
            %get3A_623 = tpu.vector_load %arg10[%get3A_622] {strides = array<i32>} : memref<528xf32, #tpu.memory_space<vmem>>, vector<16xf32>,
            %slice3A_624 = vector.extract_strided_slice %get3A_623 {offsets = [0], sizes = [1], strides = [1]} : vector<16xf32> to vector<1xf32>
            %squeeze3A_625 = vector.extract %slice3A_624[0] : f32 from vector<1xf32>
            %get3A_626 = arith.constant 0 : i32
            %get3A_627 = tpu.memref_slice %arg11[%add3A_621, %get3A_626] : memref<512x128xf32, #tpu.memory_space<vmem>> -> memref<1x128xf32, #tpu.memory_space<vmem>>
            %get3A_628 = tpu.memref_squeeze %get3A_627 : memref<1x128xf32, #tpu.memory_space<vmem>> -> memref<128xf32, #tpu.memory_space<vmem>>
            %get3A_629 = arith.constant 0 : index
            %get3A_630 = tpu.vector_load %get3A_628[%get3A_629] {strides = array<i32>} : memref<128xf32, #tpu.memory_space<vmem>>, vector<16xf32>,
            %mul3A_631 = vector.broadcast %squeeze3A_625 : f32 to vector<16xf32>
            %mul3A_632 = arith.mulf %get3A_630, %mul3A_631 : vector<16xf32>
            %add3A_633 = arith.addf %while3A_613, %mul3A_632 : vector<16xf32>
            %get3A_634 = arith.constant 0 : i32
            %get3A_635 = tpu.memref_slice %arg11[%add3A_621, %get3A_634] : memref<512x128xf32, #tpu.memory_space<vmem>> -> memref<1x128xf32, #tpu.memory_space<vmem>>
            %get3A_636 = tpu.memref_squeeze %get3A_635 : memref<1x128xf32, #tpu.memory_space<vmem>> -> memref<128xf32, #tpu.memory_space<vmem>>
            %get3A_637 = arith.constant 16 : index
            %get3A_638 = tpu.vector_load %get3A_636[%get3A_637] {strides = array<i32>} : memref<128xf32, #tpu.memory_space<vmem>>, vector<16xf32>,
            %mul3A_639 = vector.broadcast %squeeze3A_625 : f32 to vector<16xf32>
            %mul3A_640 = arith.mulf %get3A_638, %mul3A_639 : vector<16xf32>
            %add3A_641 = arith.addf %while3A_614, %mul3A_640 : vector<16xf32>
            %get3A_642 = arith.constant 0 : i32
            %get3A_643 = tpu.memref_slice %arg11[%add3A_621, %get3A_642] : memref<512x128xf32, #tpu.memory_space<vmem>> -> memref<1x128xf32, #tpu.memory_space<vmem>>
            %get3A_644 = tpu.memref_squeeze %get3A_643 : memref<1x128xf32, #tpu.memory_space<vmem>> -> memref<128xf32, #tpu.memory_space<vmem>>
            %get3A_645 = arith.constant 32 : index
            %get3A_646 = tpu.vector_load %get3A_644[%get3A_645] {strides = array<i32>} : memref<128xf32, #tpu.memory_space<vmem>>, vector<16xf32>,
            %mul3A_647 = vector.broadcast %squeeze3A_625 : f32 to vector<16xf32>
            %mul3A_648 = arith.mulf %get3A_646, %mul3A_647 : vector<16xf32>
            %add3A_649 = arith.addf %while3A_615, %mul3A_648 : vector<16xf32>
            %get3A_650 = arith.constant 0 : i32
            %get3A_651 = tpu.memref_slice %arg11[%add3A_621, %get3A_650] : memref<512x128xf32, #tpu.memory_space<vmem>> -> memref<1x128xf32, #tpu.memory_space<vmem>>
            %get3A_652 = tpu.memref_squeeze %get3A_651 : memref<1x128xf32, #tpu.memory_space<vmem>> -> memref<128xf32, #tpu.memory_space<vmem>>
            %get3A_653 = arith.constant 48 : index
            %get3A_654 = tpu.vector_load %get3A_652[%get3A_653] {strides = array<i32>} : memref<128xf32, #tpu.memory_space<vmem>>, vector<16xf32>,
            %mul3A_655 = vector.broadcast %squeeze3A_625 : f32 to vector<16xf32>
            %mul3A_656 = arith.mulf %get3A_654, %mul3A_655 : vector<16xf32>
            %add3A_657 = arith.addf %while3A_616, %mul3A_656 : vector<16xf32>
            %get3A_658 = arith.constant 0 : i32
            %get3A_659 = tpu.memref_slice %arg11[%add3A_621, %get3A_658] : memref<512x128xf32, #tpu.memory_space<vmem>> -> memref<1x128xf32, #tpu.memory_space<vmem>>
            %get3A_660 = tpu.memref_squeeze %get3A_659 : memref<1x128xf32, #tpu.memory_space<vmem>> -> memref<128xf32, #tpu.memory_space<vmem>>
            %get3A_661 = arith.constant 64 : index
            %get3A_662 = tpu.vector_load %get3A_660[%get3A_661] {strides = array<i32>} : memref<128xf32, #tpu.memory_space<vmem>>, vector<16xf32>,
            %mul3A_663 = vector.broadcast %squeeze3A_625 : f32 to vector<16xf32>
            %mul3A_664 = arith.mulf %get3A_662, %mul3A_663 : vector<16xf32>
            %add3A_665 = arith.addf %while3A_617, %mul3A_664 : vector<16xf32>
            %get3A_666 = arith.constant 0 : i32
            %get3A_667 = tpu.memref_slice %arg11[%add3A_621, %get3A_666] : memref<512x128xf32, #tpu.memory_space<vmem>> -> memref<1x128xf32, #tpu.memory_space<vmem>>
            %get3A_668 = tpu.memref_squeeze %get3A_667 : memref<1x128xf32, #tpu.memory_space<vmem>> -> memref<128xf32, #tpu.memory_space<vmem>>
            %get3A_669 = arith.constant 80 : index
            %get3A_670 = tpu.vector_load %get3A_668[%get3A_669] {strides = array<i32>} : memref<128xf32, #tpu.memory_space<vmem>>, vector<16xf32>,
            %mul3A_671 = vector.broadcast %squeeze3A_625 : f32 to vector<16xf32>
            %mul3A_672 = arith.mulf %get3A_670, %mul3A_671 : vector<16xf32>
            %add3A_673 = arith.addf %while3A_618, %mul3A_672 : vector<16xf32>
            %get3A_674 = arith.constant 0 : i32
            %get3A_675 = tpu.memref_slice %arg11[%add3A_621, %get3A_674] : memref<512x128xf32, #tpu.memory_space<vmem>> -> memref<1x128xf32, #tpu.memory_space<vmem>>
            %get3A_676 = tpu.memref_squeeze %get3A_675 : memref<1x128xf32, #tpu.memory_space<vmem>> -> memref<128xf32, #tpu.memory_space<vmem>>
            %get3A_677 = arith.constant 96 : index
            %get3A_678 = tpu.vector_load %get3A_676[%get3A_677] {strides = array<i32>} : memref<128xf32, #tpu.memory_space<vmem>>, vector<16xf32>,
            %mul3A_679 = vector.broadcast %squeeze3A_625 : f32 to vector<16xf32>
            %mul3A_680 = arith.mulf %get3A_678, %mul3A_679 : vector<16xf32>
            %add3A_681 = arith.addf %while3A_619, %mul3A_680 : vector<16xf32>
            %get3A_682 = arith.constant 0 : i32
            %get3A_683 = tpu.memref_slice %arg11[%add3A_621, %get3A_682] : memref<512x128xf32, #tpu.memory_space<vmem>> -> memref<1x128xf32, #tpu.memory_space<vmem>>
            %get3A_684 = tpu.memref_squeeze %get3A_683 : memref<1x128xf32, #tpu.memory_space<vmem>> -> memref<128xf32, #tpu.memory_space<vmem>>
            %get3A_685 = arith.constant 112 : index
            %get3A_686 = tpu.vector_load %get3A_684[%get3A_685] {strides = array<i32>} : memref<128xf32, #tpu.memory_space<vmem>>, vector<16xf32>,
            %mul3A_687 = vector.broadcast %squeeze3A_625 : f32 to vector<16xf32>
            %mul3A_688 = arith.mulf %get3A_686, %mul3A_687 : vector<16xf32>
            %add3A_689 = arith.addf %while3A_620, %mul3A_688 : vector<16xf32>
            scf.yield %add3A_633, %add3A_641, %add3A_649, %add3A_657, %add3A_665, %add3A_673, %add3A_681, %add3A_689 : vector<16xf32>, vector<16xf32>, vector<16xf32>, vector<16xf32>, vector<16xf32>, vector<16xf32>, vector<16xf32>, vector<16xf32>
          }
          %add3A_567 = arith.addi %while3A_460, %min3A_493 : i32
          %eq3A_568 = arith.cmpi eq, %add3A_567, %while3A_462 : i32
          %add3A_569 = arith.addf %while3A_471, %while3A_566#0 : vector<16xf32>
          %select_n3A_570 = arith.select %eq3A_568, %add3A_569, %while3A_471 : vector<16xf32>
          %add3A_571 = arith.addf %while3A_472, %while3A_566#1 : vector<16xf32>
          %select_n3A_572 = arith.select %eq3A_568, %add3A_571, %while3A_472 : vector<16xf32>
          %add3A_573 = arith.addf %while3A_473, %while3A_566#2 : vector<16xf32>
          %select_n3A_574 = arith.select %eq3A_568, %add3A_573, %while3A_473 : vector<16xf32>
          %add3A_575 = arith.addf %while3A_474, %while3A_566#3 : vector<16xf32>
          %select_n3A_576 = arith.select %eq3A_568, %add3A_575, %while3A_474 : vector<16xf32>
          %add3A_577 = arith.addf %while3A_475, %while3A_566#4 : vector<16xf32>
          %select_n3A_578 = arith.select %eq3A_568, %add3A_577, %while3A_475 : vector<16xf32>
          %add3A_579 = arith.addf %while3A_476, %while3A_566#5 : vector<16xf32>
          %select_n3A_580 = arith.select %eq3A_568, %add3A_579, %while3A_476 : vector<16xf32>
          %add3A_581 = arith.addf %while3A_477, %while3A_566#6 : vector<16xf32>
          %select_n3A_582 = arith.select %eq3A_568, %add3A_581, %while3A_477 : vector<16xf32>
          %add3A_583 = arith.addf %while3A_478, %while3A_566#7 : vector<16xf32>
          %select_n3A_584 = arith.select %eq3A_568, %add3A_583, %while3A_478 : vector<16xf32>
          %broadcast_in_dim3A_585 = arith.constant 0.000000e+00 : f32
          %broadcast_in_dim3A_586 = vector.broadcast %broadcast_in_dim3A_585 : f32 to vector<16xf32>
          %select_n3A_587 = arith.select %eq3A_568, %broadcast_in_dim3A_586, %while3A_566#0 : vector<16xf32>
          %broadcast_in_dim3A_588 = arith.constant 0.000000e+00 : f32
          %broadcast_in_dim3A_589 = vector.broadcast %broadcast_in_dim3A_588 : f32 to vector<16xf32>
          %select_n3A_590 = arith.select %eq3A_568, %broadcast_in_dim3A_589, %while3A_566#1 : vector<16xf32>
          %broadcast_in_dim3A_591 = arith.constant 0.000000e+00 : f32
          %broadcast_in_dim3A_592 = vector.broadcast %broadcast_in_dim3A_591 : f32 to vector<16xf32>
          %select_n3A_593 = arith.select %eq3A_568, %broadcast_in_dim3A_592, %while3A_566#2 : vector<16xf32>
          %broadcast_in_dim3A_594 = arith.constant 0.000000e+00 : f32
          %broadcast_in_dim3A_595 = vector.broadcast %broadcast_in_dim3A_594 : f32 to vector<16xf32>
          %select_n3A_596 = arith.select %eq3A_568, %broadcast_in_dim3A_595, %while3A_566#3 : vector<16xf32>
          %broadcast_in_dim3A_597 = arith.constant 0.000000e+00 : f32
          %broadcast_in_dim3A_598 = vector.broadcast %broadcast_in_dim3A_597 : f32 to vector<16xf32>
          %select_n3A_599 = arith.select %eq3A_568, %broadcast_in_dim3A_598, %while3A_566#4 : vector<16xf32>
          %broadcast_in_dim3A_600 = arith.constant 0.000000e+00 : f32
          %broadcast_in_dim3A_601 = vector.broadcast %broadcast_in_dim3A_600 : f32 to vector<16xf32>
          %select_n3A_602 = arith.select %eq3A_568, %broadcast_in_dim3A_601, %while3A_566#5 : vector<16xf32>
          %broadcast_in_dim3A_603 = arith.constant 0.000000e+00 : f32
          %broadcast_in_dim3A_604 = vector.broadcast %broadcast_in_dim3A_603 : f32 to vector<16xf32>
          %select_n3A_605 = arith.select %eq3A_568, %broadcast_in_dim3A_604, %while3A_566#6 : vector<16xf32>
          %broadcast_in_dim3A_606 = arith.constant 0.000000e+00 : f32
          %broadcast_in_dim3A_607 = vector.broadcast %broadcast_in_dim3A_606 : f32 to vector<16xf32>
          %select_n3A_608 = arith.select %eq3A_568, %broadcast_in_dim3A_607, %while3A_566#7 : vector<16xf32>
          %add3A_609 = arith.constant 20625 : i32
          %add3A_610 = arith.addi %while3A_462, %add3A_609 : i32
          %select_n3A_611 = arith.select %eq3A_568, %add3A_610, %while3A_462 : i32
          scf.yield %add3A_567, %select_n3A_486, %select_n3A_611, %select_n3A_587, %select_n3A_590, %select_n3A_593, %select_n3A_596, %select_n3A_599, %select_n3A_602, %select_n3A_605, %select_n3A_608, %select_n3A_570, %select_n3A_572, %select_n3A_574, %select_n3A_576, %select_n3A_578, %select_n3A_580, %select_n3A_582, %select_n3A_584 : i32, i32, i32, vector<16xf32>, vector<16xf32>, vector<16xf32>, vector<16xf32>, vector<16xf32>, vector<16xf32>, vector<16xf32>, vector<16xf32>, vector<16xf32>, vector<16xf32>, vector<16xf32>, vector<16xf32>, vector<16xf32>, vector<16xf32>, vector<16xf32>, vector<16xf32>
        }
        %add3A_273 = arith.addf %while3A_272#11, %while3A_272#3 : vector<16xf32>
        %add3A_274 = arith.addf %while3A_272#12, %while3A_272#4 : vector<16xf32>
        %add3A_275 = arith.addf %while3A_272#13, %while3A_272#5 : vector<16xf32>
        %add3A_276 = arith.addf %while3A_272#14, %while3A_272#6 : vector<16xf32>
        %add3A_277 = arith.addf %while3A_272#15, %while3A_272#7 : vector<16xf32>
        %add3A_278 = arith.addf %while3A_272#16, %while3A_272#8 : vector<16xf32>
        %add3A_279 = arith.addf %while3A_272#17, %while3A_272#9 : vector<16xf32>
        %add3A_280 = arith.addf %while3A_272#18, %while3A_272#10 : vector<16xf32>
        %iota3A_281 = tpu.iota {dimensions = array<i32: 0>} : vector<16xi32>
        %broadcast_in_dim3A_282 = arith.constant 0.000000e+00 : f32
        %broadcast_in_dim3A_283 = vector.broadcast %broadcast_in_dim3A_282 : f32 to vector<16xf32>
        %add3A_284 = arith.constant 8 : i32
        %add3A_285 = vector.broadcast %add3A_284 : i32 to vector<16xi32>
        %add3A_286 = arith.addi %iota3A_281, %add3A_285 : vector<16xi32>
        %min3A_287 = arith.constant 15 : i32
        %min3A_288 = vector.broadcast %min3A_287 : i32 to vector<16xi32>
        %min3A_289 = arith.minsi %add3A_286, %min3A_288 : vector<16xi32>
        %broadcast_in_dim3A_290 = vector.shape_cast %min3A_289 : vector<16xi32> to vector<16x1xi32>
        %gather3A = vector.shape_cast %broadcast_in_dim3A_290 : vector<16x1xi32> to vector<16xi32>
        %gather3A_291 = tpu.dynamic_gather %add3A_273[%gather3A] in [0] : vector<16xf32>, vector<16xi32> -> vector<16xf32>
        %add3A_292 = arith.addf %broadcast_in_dim3A_283, %add3A_273 : vector<16xf32>
        %add3A_293 = arith.addf %add3A_292, %gather3A_291 : vector<16xf32>
        %add3A_294 = arith.constant 8 : i32
        %add3A_295 = vector.broadcast %add3A_294 : i32 to vector<16xi32>
        %add3A_296 = arith.addi %iota3A_281, %add3A_295 : vector<16xi32>
        %min3A_297 = arith.constant 15 : i32
        %min3A_298 = vector.broadcast %min3A_297 : i32 to vector<16xi32>
        %min3A_299 = arith.minsi %add3A_296, %min3A_298 : vector<16xi32>
        %broadcast_in_dim3A_300 = vector.shape_cast %min3A_299 : vector<16xi32> to vector<16x1xi32>
        %gather3A_301 = vector.shape_cast %broadcast_in_dim3A_300 : vector<16x1xi32> to vector<16xi32>
        %gather3A_302 = tpu.dynamic_gather %add3A_274[%gather3A_301] in [0] : vector<16xf32>, vector<16xi32> -> vector<16xf32>
        %add3A_303 = arith.addf %add3A_293, %add3A_274 : vector<16xf32>
        %add3A_304 = arith.addf %add3A_303, %gather3A_302 : vector<16xf32>
        %add3A_305 = arith.constant 8 : i32
        %add3A_306 = vector.broadcast %add3A_305 : i32 to vector<16xi32>
        %add3A_307 = arith.addi %iota3A_281, %add3A_306 : vector<16xi32>
        %min3A_308 = arith.constant 15 : i32
        %min3A_309 = vector.broadcast %min3A_308 : i32 to vector<16xi32>
        %min3A_310 = arith.minsi %add3A_307, %min3A_309 : vector<16xi32>
        %broadcast_in_dim3A_311 = vector.shape_cast %min3A_310 : vector<16xi32> to vector<16x1xi32>
        %gather3A_312 = vector.shape_cast %broadcast_in_dim3A_311 : vector<16x1xi32> to vector<16xi32>
        %gather3A_313 = tpu.dynamic_gather %add3A_275[%gather3A_312] in [0] : vector<16xf32>, vector<16xi32> -> vector<16xf32>
        %add3A_314 = arith.addf %add3A_304, %add3A_275 : vector<16xf32>
        %add3A_315 = arith.addf %add3A_314, %gather3A_313 : vector<16xf32>
        %add3A_316 = arith.constant 8 : i32
        %add3A_317 = vector.broadcast %add3A_316 : i32 to vector<16xi32>
        %add3A_318 = arith.addi %iota3A_281, %add3A_317 : vector<16xi32>
        %min3A_319 = arith.constant 15 : i32
        %min3A_320 = vector.broadcast %min3A_319 : i32 to vector<16xi32>
        %min3A_321 = arith.minsi %add3A_318, %min3A_320 : vector<16xi32>
        %broadcast_in_dim3A_322 = vector.shape_cast %min3A_321 : vector<16xi32> to vector<16x1xi32>
        %gather3A_323 = vector.shape_cast %broadcast_in_dim3A_322 : vector<16x1xi32> to vector<16xi32>
        %gather3A_324 = tpu.dynamic_gather %add3A_276[%gather3A_323] in [0] : vector<16xf32>, vector<16xi32> -> vector<16xf32>
        %add3A_325 = arith.addf %add3A_315, %add3A_276 : vector<16xf32>
        %add3A_326 = arith.addf %add3A_325, %gather3A_324 : vector<16xf32>
        %add3A_327 = arith.constant 8 : i32
        %add3A_328 = vector.broadcast %add3A_327 : i32 to vector<16xi32>
        %add3A_329 = arith.addi %iota3A_281, %add3A_328 : vector<16xi32>
        %min3A_330 = arith.constant 15 : i32
        %min3A_331 = vector.broadcast %min3A_330 : i32 to vector<16xi32>
        %min3A_332 = arith.minsi %add3A_329, %min3A_331 : vector<16xi32>
        %broadcast_in_dim3A_333 = vector.shape_cast %min3A_332 : vector<16xi32> to vector<16x1xi32>
        %gather3A_334 = vector.shape_cast %broadcast_in_dim3A_333 : vector<16x1xi32> to vector<16xi32>
        %gather3A_335 = tpu.dynamic_gather %add3A_277[%gather3A_334] in [0] : vector<16xf32>, vector<16xi32> -> vector<16xf32>
        %add3A_336 = arith.addf %add3A_326, %add3A_277 : vector<16xf32>
        %add3A_337 = arith.addf %add3A_336, %gather3A_335 : vector<16xf32>
        %add3A_338 = arith.constant 8 : i32
        %add3A_339 = vector.broadcast %add3A_338 : i32 to vector<16xi32>
        %add3A_340 = arith.addi %iota3A_281, %add3A_339 : vector<16xi32>
        %min3A_341 = arith.constant 15 : i32
        %min3A_342 = vector.broadcast %min3A_341 : i32 to vector<16xi32>
        %min3A_343 = arith.minsi %add3A_340, %min3A_342 : vector<16xi32>
        %broadcast_in_dim3A_344 = vector.shape_cast %min3A_343 : vector<16xi32> to vector<16x1xi32>
        %gather3A_345 = vector.shape_cast %broadcast_in_dim3A_344 : vector<16x1xi32> to vector<16xi32>
        %gather3A_346 = tpu.dynamic_gather %add3A_278[%gather3A_345] in [0] : vector<16xf32>, vector<16xi32> -> vector<16xf32>
        %add3A_347 = arith.addf %add3A_337, %add3A_278 : vector<16xf32>
        %add3A_348 = arith.addf %add3A_347, %gather3A_346 : vector<16xf32>
        %add3A_349 = arith.constant 8 : i32
        %add3A_350 = vector.broadcast %add3A_349 : i32 to vector<16xi32>
        %add3A_351 = arith.addi %iota3A_281, %add3A_350 : vector<16xi32>
        %min3A_352 = arith.constant 15 : i32
        %min3A_353 = vector.broadcast %min3A_352 : i32 to vector<16xi32>
        %min3A_354 = arith.minsi %add3A_351, %min3A_353 : vector<16xi32>
        %broadcast_in_dim3A_355 = vector.shape_cast %min3A_354 : vector<16xi32> to vector<16x1xi32>
        %gather3A_356 = vector.shape_cast %broadcast_in_dim3A_355 : vector<16x1xi32> to vector<16xi32>
        %gather3A_357 = tpu.dynamic_gather %add3A_279[%gather3A_356] in [0] : vector<16xf32>, vector<16xi32> -> vector<16xf32>
        %add3A_358 = arith.addf %add3A_348, %add3A_279 : vector<16xf32>
        %add3A_359 = arith.addf %add3A_358, %gather3A_357 : vector<16xf32>
        %add3A_360 = arith.constant 8 : i32
        %add3A_361 = vector.broadcast %add3A_360 : i32 to vector<16xi32>
        %add3A_362 = arith.addi %iota3A_281, %add3A_361 : vector<16xi32>
        %min3A_363 = arith.constant 15 : i32
        %min3A_364 = vector.broadcast %min3A_363 : i32 to vector<16xi32>
        %min3A_365 = arith.minsi %add3A_362, %min3A_364 : vector<16xi32>
        %broadcast_in_dim3A_366 = vector.shape_cast %min3A_365 : vector<16xi32> to vector<16x1xi32>
        %gather3A_367 = vector.shape_cast %broadcast_in_dim3A_366 : vector<16x1xi32> to vector<16xi32>
        %gather3A_368 = tpu.dynamic_gather %add3A_280[%gather3A_367] in [0] : vector<16xf32>, vector<16xi32> -> vector<16xf32>
        %add3A_369 = arith.addf %add3A_359, %add3A_280 : vector<16xf32>
        %add3A_370 = arith.addf %add3A_369, %gather3A_368 : vector<16xf32>
        %add3A_371 = arith.constant 4 : i32
        %add3A_372 = vector.broadcast %add3A_371 : i32 to vector<16xi32>
        %add3A_373 = arith.addi %iota3A_281, %add3A_372 : vector<16xi32>
        %min3A_374 = arith.constant 15 : i32
        %min3A_375 = vector.broadcast %min3A_374 : i32 to vector<16xi32>
        %min3A_376 = arith.minsi %add3A_373, %min3A_375 : vector<16xi32>
        %broadcast_in_dim3A_377 = vector.shape_cast %min3A_376 : vector<16xi32> to vector<16x1xi32>
        %gather3A_378 = vector.shape_cast %broadcast_in_dim3A_377 : vector<16x1xi32> to vector<16xi32>
        %gather3A_379 = tpu.dynamic_gather %add3A_370[%gather3A_378] in [0] : vector<16xf32>, vector<16xi32> -> vector<16xf32>
        %add3A_380 = arith.addf %add3A_370, %gather3A_379 : vector<16xf32>
        %add3A_381 = arith.constant 2 : i32
        %add3A_382 = vector.broadcast %add3A_381 : i32 to vector<16xi32>
        %add3A_383 = arith.addi %iota3A_281, %add3A_382 : vector<16xi32>
        %min3A_384 = arith.constant 15 : i32
        %min3A_385 = vector.broadcast %min3A_384 : i32 to vector<16xi32>
        %min3A_386 = arith.minsi %add3A_383, %min3A_385 : vector<16xi32>
        %broadcast_in_dim3A_387 = vector.shape_cast %min3A_386 : vector<16xi32> to vector<16x1xi32>
        %gather3A_388 = vector.shape_cast %broadcast_in_dim3A_387 : vector<16x1xi32> to vector<16xi32>
        %gather3A_389 = tpu.dynamic_gather %add3A_380[%gather3A_388] in [0] : vector<16xf32>, vector<16xi32> -> vector<16xf32>
        %add3A_390 = arith.addf %add3A_380, %gather3A_389 : vector<16xf32>
        %add3A_391 = arith.constant 1 : i32
        %add3A_392 = vector.broadcast %add3A_391 : i32 to vector<16xi32>
        %add3A_393 = arith.addi %iota3A_281, %add3A_392 : vector<16xi32>
        %min3A_394 = arith.constant 15 : i32
        %min3A_395 = vector.broadcast %min3A_394 : i32 to vector<16xi32>
        %min3A_396 = arith.minsi %add3A_393, %min3A_395 : vector<16xi32>
        %broadcast_in_dim3A_397 = vector.shape_cast %min3A_396 : vector<16xi32> to vector<16x1xi32>
        %gather3A_398 = vector.shape_cast %broadcast_in_dim3A_397 : vector<16x1xi32> to vector<16xi32>
        %gather3A_399 = tpu.dynamic_gather %add3A_390[%gather3A_398] in [0] : vector<16xf32>, vector<16xi32> -> vector<16xf32>
        %add3A_400 = arith.addf %add3A_390, %gather3A_399 : vector<16xf32>
        %eq3A_401 = arith.constant 0 : i32
        %eq3A_402 = vector.broadcast %eq3A_401 : i32 to vector<16xi32>
        %eq3A_403 = arith.cmpi eq, %iota3A_281, %eq3A_402 : vector<16xi32>
        %jit3A_404 = arith.constant 0.000000e+00 : f32
        %broadcast_in_dim3A_405 = vector.broadcast %jit3A_404 : f32 to vector<16xf32>
        %select_n3A_406 = arith.select %eq3A_403, %add3A_400, %broadcast_in_dim3A_405 : vector<16xi1>, vector<16xf32>
        %reduce_sum3A_407 = arith.constant true
        %reduce_sum3A_408 = vector.broadcast %reduce_sum3A_407 : i1 to vector<16xi1>
        %reduce_sum3A_409 = tpu.scan <sum>, %select_n3A_406 masked %reduce_sum3A_408 : vector<16xf32>, vector<16xi1> -> vector<16xf32>
        %reduce_sum3A_410 = vector.extract %reduce_sum3A_409[15] : f32 from vector<16xf32>
        %jit3A_411 = arith.constant 128 : i32
        %eq3A_412 = arith.constant 0 : i32
        %eq3A_413 = arith.cmpi eq, %jit3A_411, %eq3A_412 : i32
        %jit3A_414 = arith.constant 1 : i32
        %select_n3A_415 = arith.select %eq3A_413, %jit3A_414, %jit3A_411 : i32
        %rem3A_416 = arith.remsi %while3A_263, %select_n3A_415 : i32
        %ne3A_417 = arith.constant 0 : i32
        %ne3A_418 = arith.cmpi ne, %rem3A_416, %ne3A_417 : i32
        %lt3A_419 = arith.constant 0 : i32
        %lt3A_420 = arith.cmpi slt, %rem3A_416, %lt3A_419 : i32
        %lt3A_421 = arith.constant 0 : i32
        %lt3A_422 = arith.cmpi slt, %select_n3A_415, %lt3A_421 : i32
        %ne3A_423 = arith.xori %lt3A_420, %lt3A_422 : i1
        %and3A_424 = arith.andi %ne3A_423, %ne3A_418 : i1
        %add3A_425 = arith.addi %rem3A_416, %select_n3A_415 : i32
        %select_n3A_426 = arith.select %and3A_424, %add3A_425, %rem3A_416 : i32
        %broadcast_in_dim3A_427 = vector.broadcast %select_n3A_426 : i32 to vector<16xi32>
        %broadcast_in_dim3A_428 = vector.broadcast %while3A_259 : i32 to vector<16xi32>
        %eq3A_429 = arith.constant 0 : i32
        %eq3A_430 = vector.broadcast %eq3A_429 : i32 to vector<16xi32>
        %eq3A_431 = arith.cmpi eq, %iota3A, %eq3A_430 : vector<16xi32>
        tpu.vector_store_idx %arg12[%broadcast_in_dim3A_427], %broadcast_in_dim3A_428 masked %eq3A_431 : memref<128xi32, #tpu.memory_space<vmem>>[vector<16xi32>], vector<16xi32>, vector<16xi1>
        %broadcast_in_dim3A_432 = vector.broadcast %select_n3A_426 : i32 to vector<16xi32>
        %broadcast_in_dim3A_433 = vector.broadcast %reduce_sum3A_410 : f32 to vector<16xf32>
        %eq3A_434 = arith.constant 0 : i32
        %eq3A_435 = vector.broadcast %eq3A_434 : i32 to vector<16xi32>
        %eq3A_436 = arith.cmpi eq, %iota3A, %eq3A_435 : vector<16xi32>
        tpu.vector_store_idx %arg13[%broadcast_in_dim3A_432], %broadcast_in_dim3A_433 masked %eq3A_436 : memref<128xf32, #tpu.memory_space<vmem>>[vector<16xi32>], vector<16xf32>, vector<16xi1>
        %add3A_437 = arith.constant 1 : i32
        %add3A_438 = arith.addi %while3A_263, %add3A_437 : i32
        %jit3A_439 = arith.constant 128 : i32
        %eq3A_440 = arith.constant 0 : i32
        %eq3A_441 = arith.cmpi eq, %jit3A_439, %eq3A_440 : i32
        %jit3A_442 = arith.constant 1 : i32
        %select_n3A_443 = arith.select %eq3A_441, %jit3A_442, %jit3A_439 : i32
        %rem3A_444 = arith.remsi %add3A_438, %select_n3A_443 : i32
        %ne3A_445 = arith.constant 0 : i32
        %ne3A_446 = arith.cmpi ne, %rem3A_444, %ne3A_445 : i32
        %lt3A_447 = arith.constant 0 : i32
        %lt3A_448 = arith.cmpi slt, %rem3A_444, %lt3A_447 : i32
        %lt3A_449 = arith.constant 0 : i32
        %lt3A_450 = arith.cmpi slt, %select_n3A_443, %lt3A_449 : i32
        %ne3A_451 = arith.xori %lt3A_448, %lt3A_450 : i1
        %and3A_452 = arith.andi %ne3A_451, %ne3A_446 : i1
        %add3A_453 = arith.addi %rem3A_444, %select_n3A_443 : i32
        %select_n3A_454 = arith.select %and3A_452, %add3A_453, %rem3A_444 : i32
        %eq3A_455 = arith.constant 0 : i32
        %eq3A_456 = arith.cmpi eq, %select_n3A_454, %eq3A_455 : i32
        %convert_element_type3A_457 = arith.extui %eq3A_456 : i1 to i32
        %cond3A_458 = arith.constant 0 : i32
        %cond3A_459 = arith.cmpi ne, %convert_element_type3A_457, %cond3A_458 : i32
        scf.if %cond3A_459 {
          "tpu.region"() ({
            %run_scoped3A = tpu.sem_alloc : memref<!tpu.dma_semaphore, #tpu.memory_space<semaphore_mem>>
            %dma_start3A_460 = arith.constant 0 : i32
            %dma_start3A_461 = tpu.memref_slice %arg6[%dma_start3A_460] : memref<10016xf32, #tpu.memory_space<hbm>> -> memref<10016xf32, #tpu.memory_space<hbm>>
            tpu.enqueue_indirect_dma source(%arg13 : memref<128xf32, #tpu.memory_space<vmem>>) target(%dma_start3A_461 : memref<10016xf32, #tpu.memory_space<hbm>>) offsets(%arg12 : memref<128xi32, #tpu.memory_space<vmem>>) semaphore(%run_scoped3A : memref<!tpu.dma_semaphore, #tpu.memory_space<semaphore_mem>>)
            %dma_wait3A_462 = arith.constant 0 : i32
            %dma_wait3A_463 = tpu.memref_slice %arg6[%dma_wait3A_462] : memref<10016xf32, #tpu.memory_space<hbm>> -> memref<10016xf32, #tpu.memory_space<hbm>>
            tpu.wait_indirect_dma semaphore(%run_scoped3A : memref<!tpu.dma_semaphore, #tpu.memory_space<semaphore_mem>>) src(%arg13 : memref<128xf32, #tpu.memory_space<vmem>>) dst(%dma_wait3A_463 : memref<10016xf32, #tpu.memory_space<hbm>>)
            tpu.yield
          }) : () -> ()
        } else {
        }
        scf.yield %while3A_272#0, %while3A_272#1, %while3A_272#2, %add3A_438 : i32, i32, i32, i32
      }
      %jit3A_238 = arith.constant 128 : i32
      %eq3A_239 = arith.constant 0 : i32
      %eq3A_240 = arith.cmpi eq, %jit3A_238, %eq3A_239 : i32
      %jit3A_241 = arith.constant 1 : i32
      %select_n3A_242 = arith.select %eq3A_240, %jit3A_241, %jit3A_238 : i32
      %rem3A_243 = arith.remsi %while3A_237#3, %select_n3A_242 : i32
      %ne3A_244 = arith.constant 0 : i32
      %ne3A_245 = arith.cmpi ne, %rem3A_243, %ne3A_244 : i32
      %lt3A_246 = arith.constant 0 : i32
      %lt3A_247 = arith.cmpi slt, %rem3A_243, %lt3A_246 : i32
      %lt3A_248 = arith.constant 0 : i32
      %lt3A_249 = arith.cmpi slt, %select_n3A_242, %lt3A_248 : i32
      %ne3A_250 = arith.xori %lt3A_247, %lt3A_249 : i1
      %and3A_251 = arith.andi %ne3A_250, %ne3A_245 : i1
      %add3A_252 = arith.addi %rem3A_243, %select_n3A_242 : i32
      %select_n3A_253 = arith.select %and3A_251, %add3A_252, %rem3A_243 : i32
      %ne3A_254 = arith.constant 0 : i32
      %ne3A_255 = arith.cmpi ne, %select_n3A_253, %ne3A_254 : i32
      %convert_element_type3A_256 = arith.extui %ne3A_255 : i1 to i32
      %cond3A_257 = arith.constant 0 : i32
      %cond3A_258 = arith.cmpi ne, %convert_element_type3A_256, %cond3A_257 : i32
      scf.if %cond3A_258 {
        %scan3A_259 = arith.constant 0 : i32
        %scan3A_260 = arith.constant 0 : i32
        %scan3A_261 = arith.constant 8 : i32
        %scan3A_262 = arith.addi %scan3A_260, %scan3A_261 : i32
        %scan3A_263 = arith.constant 1 : i32
        %scan3A_264 = scf.for %scan3A_266 = %scan3A_260 to %scan3A_262 step %scan3A_263 iter_args(%scan3A_267 = %scan3A_259) -> (i32)  : i32 {
          %mul3A_268 = arith.constant 16 : i32
          %mul3A_269 = arith.muli %scan3A_266, %mul3A_268 : i32
          %add3A_270 = vector.broadcast %mul3A_269 : i32 to vector<16xi32>
          %add3A_271 = arith.addi %add3A_270, %iota3A : vector<16xi32>
          %ge3A = vector.broadcast %select_n3A_253 : i32 to vector<16xi32>
          %ge3A_272 = arith.cmpi sge, %add3A_271, %ge3A : vector<16xi32>
          %lt3A_273 = arith.constant 128 : i32
          %lt3A_274 = vector.broadcast %lt3A_273 : i32 to vector<16xi32>
          %lt3A_275 = arith.cmpi slt, %add3A_271, %lt3A_274 : vector<16xi32>
          %and3A_276 = arith.andi %ge3A_272, %lt3A_275 : vector<16xi1>
          %jit3A_277 = arith.constant 0 : i32
          %broadcast_in_dim3A_278 = vector.broadcast %jit3A_277 : i32 to vector<16xi32>
          %select_n3A_279 = arith.select %and3A_276, %add3A_271, %broadcast_in_dim3A_278 : vector<16xi1>, vector<16xi32>
          %broadcast_in_dim3A_280 = arith.constant 10008 : i32
          %broadcast_in_dim3A_281 = vector.broadcast %broadcast_in_dim3A_280 : i32 to vector<16xi32>
          tpu.vector_store_idx %arg12[%select_n3A_279], %broadcast_in_dim3A_281 masked %and3A_276 : memref<128xi32, #tpu.memory_space<vmem>>[vector<16xi32>], vector<16xi32>, vector<16xi1>
          %scan3A_282 = arith.constant 0 : i32
          scf.yield %scan3A_282 : i32
        }
        %scan3A_265 = arith.constant 8 : i32
        "tpu.region"() ({
          %run_scoped3A = tpu.sem_alloc : memref<!tpu.dma_semaphore, #tpu.memory_space<semaphore_mem>>
          %dma_start3A_266 = arith.constant 0 : i32
          %dma_start3A_267 = tpu.memref_slice %arg6[%dma_start3A_266] : memref<10016xf32, #tpu.memory_space<hbm>> -> memref<10016xf32, #tpu.memory_space<hbm>>
          tpu.enqueue_indirect_dma source(%arg13 : memref<128xf32, #tpu.memory_space<vmem>>) target(%dma_start3A_267 : memref<10016xf32, #tpu.memory_space<hbm>>) offsets(%arg12 : memref<128xi32, #tpu.memory_space<vmem>>) semaphore(%run_scoped3A : memref<!tpu.dma_semaphore, #tpu.memory_space<semaphore_mem>>)
          %dma_wait3A_268 = arith.constant 0 : i32
          %dma_wait3A_269 = tpu.memref_slice %arg6[%dma_wait3A_268] : memref<10016xf32, #tpu.memory_space<hbm>> -> memref<10016xf32, #tpu.memory_space<hbm>>
          tpu.wait_indirect_dma semaphore(%run_scoped3A : memref<!tpu.dma_semaphore, #tpu.memory_space<semaphore_mem>>) src(%arg13 : memref<128xf32, #tpu.memory_space<vmem>>) dst(%dma_wait3A_269 : memref<10016xf32, #tpu.memory_space<hbm>>)
          tpu.yield
        }) : () -> ()
      } else {
      }
    } else {
    }
    return
  }
}

#map = affine_map<(d0, d1) -> (0, 0)>
#map1 = affine_map<(d0, d1) -> (0)>
module attributes {stable_mosaic.version = 14 : i64} {
  func.func @_gate_kernel(%arg0: i32, %arg1: i32, %arg2: memref<10000x128xf32, #tpu.memory_space<hbm>>, %arg3: memref<5120xi32, #tpu.memory_space<hbm>>, %arg4: memref<5120xf32, #tpu.memory_space<hbm>>, %arg5: memref<5120x128xf32, #tpu.memory_space<hbm>>, %arg6: memref<80xi32, #tpu.memory_space<vmem>>, %arg7: memref<80xf32, #tpu.memory_space<vmem>>, %arg8: memref<80x128xf32, #tpu.memory_space<vmem>>, %arg9: memref<!tpu.dma_semaphore, #tpu.memory_space<semaphore_mem>>) attributes {dimension_semantics = [#tpu.dimension_semantics<core_parallel>, #tpu.dimension_semantics<subcore_parallel>], iteration_bounds = array<i64: 2, 16>, scalar_prefetch = 0 : i64, scratch_operands = 4 : i64, tpu.core_type = #tpu.core_type<sc_vector_subcore>, window_params = [{transform_indices = #map}, {transform_indices = #map1}, {transform_indices = #map1}, {transform_indices = #map}]} {
    %mul3A = arith.constant 2 : i32
    %mul3A_0 = arith.muli %arg1, %mul3A : i32
    %add3A = arith.addi %mul3A_0, %arg0 : i32
    %scan3A = arith.constant 0 : i32
    %scan3A_1 = arith.constant 0 : i32
    %scan3A_2 = arith.constant 2 : i32
    %scan3A_3 = arith.addi %scan3A_1, %scan3A_2 : i32
    %scan3A_4 = arith.constant 1 : i32
    %scan3A_5 = scf.for %scan3A_7 = %scan3A_1 to %scan3A_3 step %scan3A_4 iter_args(%scan3A_8 = %scan3A) -> (i32)  : i32 {
      %mul3A_9 = arith.constant 160 : i32
      %mul3A_10 = arith.muli %add3A, %mul3A_9 : i32
      %mul3A_11 = arith.constant 80 : i32
      %mul3A_12 = arith.muli %scan3A_7, %mul3A_11 : i32
      %add3A_13 = arith.addi %mul3A_10, %mul3A_12 : i32
      "tpu.region"() ({
        %run_scoped3A = tpu.sem_alloc : memref<!tpu.dma_semaphore, #tpu.memory_space<semaphore_mem>>
        %dma_start3A_26 = tpu.memref_slice %arg3[%add3A_13] : memref<5120xi32, #tpu.memory_space<hbm>> -> memref<80xi32, #tpu.memory_space<hbm>>
        %dma_start3A_27 = tpu.memref_slice %arg3[%add3A_13] : memref<5120xi32, #tpu.memory_space<hbm>> -> memref<80xi32, #tpu.memory_space<hbm>>
        tpu.enqueue_dma source(%dma_start3A_27 : memref<80xi32, #tpu.memory_space<hbm>>) target(%arg6 : memref<80xi32, #tpu.memory_space<vmem>>) target_semaphore(%run_scoped3A : memref<!tpu.dma_semaphore, #tpu.memory_space<semaphore_mem>>)
        %dma_wait3A_28 = tpu.memref_slice %arg3[%add3A_13] : memref<5120xi32, #tpu.memory_space<hbm>> -> memref<80xi32, #tpu.memory_space<hbm>>
        %dma_wait3A_29 = tpu.memref_slice %arg3[%add3A_13] : memref<5120xi32, #tpu.memory_space<hbm>> -> memref<80xi32, #tpu.memory_space<hbm>>
        tpu.wait_dma2 semaphore(%run_scoped3A : memref<!tpu.dma_semaphore, #tpu.memory_space<semaphore_mem>>) src(%dma_wait3A_29 : memref<80xi32, #tpu.memory_space<hbm>>) dst(%arg6 : memref<80xi32, #tpu.memory_space<vmem>>)
        tpu.yield
      }) : () -> ()
      "tpu.region"() ({
        %run_scoped3A = tpu.sem_alloc : memref<!tpu.dma_semaphore, #tpu.memory_space<semaphore_mem>>
        %dma_start3A_26 = tpu.memref_slice %arg4[%add3A_13] : memref<5120xf32, #tpu.memory_space<hbm>> -> memref<80xf32, #tpu.memory_space<hbm>>
        %dma_start3A_27 = tpu.memref_slice %arg4[%add3A_13] : memref<5120xf32, #tpu.memory_space<hbm>> -> memref<80xf32, #tpu.memory_space<hbm>>
        tpu.enqueue_dma source(%dma_start3A_27 : memref<80xf32, #tpu.memory_space<hbm>>) target(%arg7 : memref<80xf32, #tpu.memory_space<vmem>>) target_semaphore(%run_scoped3A : memref<!tpu.dma_semaphore, #tpu.memory_space<semaphore_mem>>)
        %dma_wait3A_28 = tpu.memref_slice %arg4[%add3A_13] : memref<5120xf32, #tpu.memory_space<hbm>> -> memref<80xf32, #tpu.memory_space<hbm>>
        %dma_wait3A_29 = tpu.memref_slice %arg4[%add3A_13] : memref<5120xf32, #tpu.memory_space<hbm>> -> memref<80xf32, #tpu.memory_space<hbm>>
        tpu.wait_dma2 semaphore(%run_scoped3A : memref<!tpu.dma_semaphore, #tpu.memory_space<semaphore_mem>>) src(%dma_wait3A_29 : memref<80xf32, #tpu.memory_space<hbm>>) dst(%arg7 : memref<80xf32, #tpu.memory_space<vmem>>)
        tpu.yield
      }) : () -> ()
      %dma_start3A = arith.constant 0 : i32
      %dma_start3A_14 = arith.constant 0 : i32
      %dma_start3A_15 = tpu.memref_slice %arg2[%dma_start3A, %dma_start3A_14] : memref<10000x128xf32, #tpu.memory_space<hbm>> -> memref<10000x128xf32, #tpu.memory_space<hbm>>
      tpu.enqueue_indirect_dma source(%dma_start3A_15 : memref<10000x128xf32, #tpu.memory_space<hbm>>) target(%arg8 : memref<80x128xf32, #tpu.memory_space<vmem>>) offsets(%arg6 : memref<80xi32, #tpu.memory_space<vmem>>) semaphore(%arg9 : memref<!tpu.dma_semaphore, #tpu.memory_space<semaphore_mem>>)
      %dma_wait3A = arith.constant 0 : i32
      %dma_wait3A_16 = arith.constant 0 : i32
      %dma_wait3A_17 = tpu.memref_slice %arg2[%dma_wait3A, %dma_wait3A_16] : memref<10000x128xf32, #tpu.memory_space<hbm>> -> memref<10000x128xf32, #tpu.memory_space<hbm>>
      tpu.wait_indirect_dma semaphore(%arg9 : memref<!tpu.dma_semaphore, #tpu.memory_space<semaphore_mem>>) src(%dma_wait3A_17 : memref<10000x128xf32, #tpu.memory_space<hbm>>) dst(%arg8 : memref<80x128xf32, #tpu.memory_space<vmem>>)
      %scan3A_18 = arith.constant 0 : i32
      %scan3A_19 = arith.constant 0 : i32
      %scan3A_20 = arith.constant 5 : i32
      %scan3A_21 = arith.addi %scan3A_19, %scan3A_20 : i32
      %scan3A_22 = arith.constant 1 : i32
      %scan3A_23 = scf.for %scan3A_26 = %scan3A_19 to %scan3A_21 step %scan3A_22 iter_args(%scan3A_27 = %scan3A_18) -> (i32)  : i32 {
        %mul3A_28 = arith.constant 16 : i32
        %mul3A_29 = arith.muli %scan3A_26, %mul3A_28 : i32
        %get3A = arith.index_cast %mul3A_29 : i32 to index
        %get3A_30 = tpu.vector_load %arg7[%get3A] {strides = array<i32>} : memref<80xf32, #tpu.memory_space<vmem>>, vector<16xf32>,
        %neg3A = arith.constant 0.000000e+00 : f32
        %neg3A_31 = vector.broadcast %neg3A : f32 to vector<16xf32>
        %neg3A_32 = arith.subf %neg3A_31, %get3A_30 : vector<16xf32>
        %exp3A = math.exp %neg3A_32 : vector<16xf32>
        %add3A_33 = arith.constant 1.000000e+00 : f32
        %add3A_34 = vector.broadcast %add3A_33 : f32 to vector<16xf32>
        %add3A_35 = arith.addf %add3A_34, %exp3A : vector<16xf32>
        %div3A = arith.constant 1.000000e+00 : f32
        %div3A_36 = vector.broadcast %div3A : f32 to vector<16xf32>
        %div3A_37 = arith.divf %div3A_36, %add3A_35 : vector<16xf32>
        %scan3A_38 = arith.constant 0 : i32
        %scan3A_39 = arith.constant 0 : i32
        %scan3A_40 = arith.constant 16 : i32
        %scan3A_41 = arith.addi %scan3A_39, %scan3A_40 : i32
        %scan3A_42 = arith.constant 1 : i32
        %scan3A_43 = scf.for %scan3A_46 = %scan3A_39 to %scan3A_41 step %scan3A_42 iter_args(%scan3A_47 = %scan3A_38) -> (i32)  : i32 {
          %iota3A = tpu.iota {dimensions = array<i32: 0>} : vector<16xi32>
          %eq3A = vector.broadcast %scan3A_46 : i32 to vector<16xi32>
          %eq3A_48 = arith.cmpi eq, %iota3A, %eq3A : vector<16xi32>
          %jit3A = arith.constant 0.000000e+00 : f32
          %broadcast_in_dim3A = vector.broadcast %jit3A : f32 to vector<16xf32>
          %select_n3A = arith.select %eq3A_48, %div3A_37, %broadcast_in_dim3A : vector<16xi1>, vector<16xf32>
          %reduce_sum3A = arith.constant true
          %reduce_sum3A_49 = vector.broadcast %reduce_sum3A : i1 to vector<16xi1>
          %reduce_sum3A_50 = tpu.scan <sum>, %select_n3A masked %reduce_sum3A_49 : vector<16xf32>, vector<16xi1> -> vector<16xf32>
          %reduce_sum3A_51 = vector.extract %reduce_sum3A_50[15] : f32 from vector<16xf32>
          %mul3A_52 = arith.constant 16 : i32
          %mul3A_53 = arith.muli %scan3A_26, %mul3A_52 : i32
          %add3A_54 = arith.addi %mul3A_53, %scan3A_46 : i32
          %get3A_55 = arith.constant 0 : i32
          %get3A_56 = tpu.memref_slice %arg8[%add3A_54, %get3A_55] : memref<80x128xf32, #tpu.memory_space<vmem>> -> memref<1x128xf32, #tpu.memory_space<vmem>>
          %get3A_57 = tpu.memref_squeeze %get3A_56 : memref<1x128xf32, #tpu.memory_space<vmem>> -> memref<128xf32, #tpu.memory_space<vmem>>
          %get3A_58 = arith.constant 0 : index
          %get3A_59 = tpu.vector_load %get3A_57[%get3A_58] {strides = array<i32>} : memref<128xf32, #tpu.memory_space<vmem>>, vector<16xf32>,
          %mul3A_60 = vector.broadcast %reduce_sum3A_51 : f32 to vector<16xf32>
          %mul3A_61 = arith.mulf %get3A_59, %mul3A_60 : vector<16xf32>
          %swap3A = arith.constant 0 : i32
          %swap3A_62 = tpu.memref_slice %arg8[%add3A_54, %swap3A] : memref<80x128xf32, #tpu.memory_space<vmem>> -> memref<1x128xf32, #tpu.memory_space<vmem>>
          %swap3A_63 = tpu.memref_squeeze %swap3A_62 : memref<1x128xf32, #tpu.memory_space<vmem>> -> memref<128xf32, #tpu.memory_space<vmem>>
          %swap3A_64 = arith.constant 0 : index
          %swap3A_65 = tpu.vector_load %swap3A_63[%swap3A_64] {strides = array<i32>} : memref<128xf32, #tpu.memory_space<vmem>>, vector<16xf32>,
          tpu.vector_store %swap3A_63[%swap3A_64], %mul3A_61 {strides = array<i32>} : memref<128xf32, #tpu.memory_space<vmem>>, vector<16xf32>,
          %get3A_66 = arith.constant 0 : i32
          %get3A_67 = tpu.memref_slice %arg8[%add3A_54, %get3A_66] : memref<80x128xf32, #tpu.memory_space<vmem>> -> memref<1x128xf32, #tpu.memory_space<vmem>>
          %get3A_68 = tpu.memref_squeeze %get3A_67 : memref<1x128xf32, #tpu.memory_space<vmem>> -> memref<128xf32, #tpu.memory_space<vmem>>
          %get3A_69 = arith.constant 16 : index
          %get3A_70 = tpu.vector_load %get3A_68[%get3A_69] {strides = array<i32>} : memref<128xf32, #tpu.memory_space<vmem>>, vector<16xf32>,
          %mul3A_71 = vector.broadcast %reduce_sum3A_51 : f32 to vector<16xf32>
          %mul3A_72 = arith.mulf %get3A_70, %mul3A_71 : vector<16xf32>
          %swap3A_73 = arith.constant 0 : i32
          %swap3A_74 = tpu.memref_slice %arg8[%add3A_54, %swap3A_73] : memref<80x128xf32, #tpu.memory_space<vmem>> -> memref<1x128xf32, #tpu.memory_space<vmem>>
          %swap3A_75 = tpu.memref_squeeze %swap3A_74 : memref<1x128xf32, #tpu.memory_space<vmem>> -> memref<128xf32, #tpu.memory_space<vmem>>
          %swap3A_76 = arith.constant 16 : index
          %swap3A_77 = tpu.vector_load %swap3A_75[%swap3A_76] {strides = array<i32>} : memref<128xf32, #tpu.memory_space<vmem>>, vector<16xf32>,
          tpu.vector_store %swap3A_75[%swap3A_76], %mul3A_72 {strides = array<i32>} : memref<128xf32, #tpu.memory_space<vmem>>, vector<16xf32>,
          %get3A_78 = arith.constant 0 : i32
          %get3A_79 = tpu.memref_slice %arg8[%add3A_54, %get3A_78] : memref<80x128xf32, #tpu.memory_space<vmem>> -> memref<1x128xf32, #tpu.memory_space<vmem>>
          %get3A_80 = tpu.memref_squeeze %get3A_79 : memref<1x128xf32, #tpu.memory_space<vmem>> -> memref<128xf32, #tpu.memory_space<vmem>>
          %get3A_81 = arith.constant 32 : index
          %get3A_82 = tpu.vector_load %get3A_80[%get3A_81] {strides = array<i32>} : memref<128xf32, #tpu.memory_space<vmem>>, vector<16xf32>,
          %mul3A_83 = vector.broadcast %reduce_sum3A_51 : f32 to vector<16xf32>
          %mul3A_84 = arith.mulf %get3A_82, %mul3A_83 : vector<16xf32>
          %swap3A_85 = arith.constant 0 : i32
          %swap3A_86 = tpu.memref_slice %arg8[%add3A_54, %swap3A_85] : memref<80x128xf32, #tpu.memory_space<vmem>> -> memref<1x128xf32, #tpu.memory_space<vmem>>
          %swap3A_87 = tpu.memref_squeeze %swap3A_86 : memref<1x128xf32, #tpu.memory_space<vmem>> -> memref<128xf32, #tpu.memory_space<vmem>>
          %swap3A_88 = arith.constant 32 : index
          %swap3A_89 = tpu.vector_load %swap3A_87[%swap3A_88] {strides = array<i32>} : memref<128xf32, #tpu.memory_space<vmem>>, vector<16xf32>,
          tpu.vector_store %swap3A_87[%swap3A_88], %mul3A_84 {strides = array<i32>} : memref<128xf32, #tpu.memory_space<vmem>>, vector<16xf32>,
          %get3A_90 = arith.constant 0 : i32
          %get3A_91 = tpu.memref_slice %arg8[%add3A_54, %get3A_90] : memref<80x128xf32, #tpu.memory_space<vmem>> -> memref<1x128xf32, #tpu.memory_space<vmem>>
          %get3A_92 = tpu.memref_squeeze %get3A_91 : memref<1x128xf32, #tpu.memory_space<vmem>> -> memref<128xf32, #tpu.memory_space<vmem>>
          %get3A_93 = arith.constant 48 : index
          %get3A_94 = tpu.vector_load %get3A_92[%get3A_93] {strides = array<i32>} : memref<128xf32, #tpu.memory_space<vmem>>, vector<16xf32>,
          %mul3A_95 = vector.broadcast %reduce_sum3A_51 : f32 to vector<16xf32>
          %mul3A_96 = arith.mulf %get3A_94, %mul3A_95 : vector<16xf32>
          %swap3A_97 = arith.constant 0 : i32
          %swap3A_98 = tpu.memref_slice %arg8[%add3A_54, %swap3A_97] : memref<80x128xf32, #tpu.memory_space<vmem>> -> memref<1x128xf32, #tpu.memory_space<vmem>>
          %swap3A_99 = tpu.memref_squeeze %swap3A_98 : memref<1x128xf32, #tpu.memory_space<vmem>> -> memref<128xf32, #tpu.memory_space<vmem>>
          %swap3A_100 = arith.constant 48 : index
          %swap3A_101 = tpu.vector_load %swap3A_99[%swap3A_100] {strides = array<i32>} : memref<128xf32, #tpu.memory_space<vmem>>, vector<16xf32>,
          tpu.vector_store %swap3A_99[%swap3A_100], %mul3A_96 {strides = array<i32>} : memref<128xf32, #tpu.memory_space<vmem>>, vector<16xf32>,
          %get3A_102 = arith.constant 0 : i32
          %get3A_103 = tpu.memref_slice %arg8[%add3A_54, %get3A_102] : memref<80x128xf32, #tpu.memory_space<vmem>> -> memref<1x128xf32, #tpu.memory_space<vmem>>
          %get3A_104 = tpu.memref_squeeze %get3A_103 : memref<1x128xf32, #tpu.memory_space<vmem>> -> memref<128xf32, #tpu.memory_space<vmem>>
          %get3A_105 = arith.constant 64 : index
          %get3A_106 = tpu.vector_load %get3A_104[%get3A_105] {strides = array<i32>} : memref<128xf32, #tpu.memory_space<vmem>>, vector<16xf32>,
          %mul3A_107 = vector.broadcast %reduce_sum3A_51 : f32 to vector<16xf32>
          %mul3A_108 = arith.mulf %get3A_106, %mul3A_107 : vector<16xf32>
          %swap3A_109 = arith.constant 0 : i32
          %swap3A_110 = tpu.memref_slice %arg8[%add3A_54, %swap3A_109] : memref<80x128xf32, #tpu.memory_space<vmem>> -> memref<1x128xf32, #tpu.memory_space<vmem>>
          %swap3A_111 = tpu.memref_squeeze %swap3A_110 : memref<1x128xf32, #tpu.memory_space<vmem>> -> memref<128xf32, #tpu.memory_space<vmem>>
          %swap3A_112 = arith.constant 64 : index
          %swap3A_113 = tpu.vector_load %swap3A_111[%swap3A_112] {strides = array<i32>} : memref<128xf32, #tpu.memory_space<vmem>>, vector<16xf32>,
          tpu.vector_store %swap3A_111[%swap3A_112], %mul3A_108 {strides = array<i32>} : memref<128xf32, #tpu.memory_space<vmem>>, vector<16xf32>,
          %get3A_114 = arith.constant 0 : i32
          %get3A_115 = tpu.memref_slice %arg8[%add3A_54, %get3A_114] : memref<80x128xf32, #tpu.memory_space<vmem>> -> memref<1x128xf32, #tpu.memory_space<vmem>>
          %get3A_116 = tpu.memref_squeeze %get3A_115 : memref<1x128xf32, #tpu.memory_space<vmem>> -> memref<128xf32, #tpu.memory_space<vmem>>
          %get3A_117 = arith.constant 80 : index
          %get3A_118 = tpu.vector_load %get3A_116[%get3A_117] {strides = array<i32>} : memref<128xf32, #tpu.memory_space<vmem>>, vector<16xf32>,
          %mul3A_119 = vector.broadcast %reduce_sum3A_51 : f32 to vector<16xf32>
          %mul3A_120 = arith.mulf %get3A_118, %mul3A_119 : vector<16xf32>
          %swap3A_121 = arith.constant 0 : i32
          %swap3A_122 = tpu.memref_slice %arg8[%add3A_54, %swap3A_121] : memref<80x128xf32, #tpu.memory_space<vmem>> -> memref<1x128xf32, #tpu.memory_space<vmem>>
          %swap3A_123 = tpu.memref_squeeze %swap3A_122 : memref<1x128xf32, #tpu.memory_space<vmem>> -> memref<128xf32, #tpu.memory_space<vmem>>
          %swap3A_124 = arith.constant 80 : index
          %swap3A_125 = tpu.vector_load %swap3A_123[%swap3A_124] {strides = array<i32>} : memref<128xf32, #tpu.memory_space<vmem>>, vector<16xf32>,
          tpu.vector_store %swap3A_123[%swap3A_124], %mul3A_120 {strides = array<i32>} : memref<128xf32, #tpu.memory_space<vmem>>, vector<16xf32>,
          %get3A_126 = arith.constant 0 : i32
          %get3A_127 = tpu.memref_slice %arg8[%add3A_54, %get3A_126] : memref<80x128xf32, #tpu.memory_space<vmem>> -> memref<1x128xf32, #tpu.memory_space<vmem>>
          %get3A_128 = tpu.memref_squeeze %get3A_127 : memref<1x128xf32, #tpu.memory_space<vmem>> -> memref<128xf32, #tpu.memory_space<vmem>>
          %get3A_129 = arith.constant 96 : index
          %get3A_130 = tpu.vector_load %get3A_128[%get3A_129] {strides = array<i32>} : memref<128xf32, #tpu.memory_space<vmem>>, vector<16xf32>,
          %mul3A_131 = vector.broadcast %reduce_sum3A_51 : f32 to vector<16xf32>
          %mul3A_132 = arith.mulf %get3A_130, %mul3A_131 : vector<16xf32>
          %swap3A_133 = arith.constant 0 : i32
          %swap3A_134 = tpu.memref_slice %arg8[%add3A_54, %swap3A_133] : memref<80x128xf32, #tpu.memory_space<vmem>> -> memref<1x128xf32, #tpu.memory_space<vmem>>
          %swap3A_135 = tpu.memref_squeeze %swap3A_134 : memref<1x128xf32, #tpu.memory_space<vmem>> -> memref<128xf32, #tpu.memory_space<vmem>>
          %swap3A_136 = arith.constant 96 : index
          %swap3A_137 = tpu.vector_load %swap3A_135[%swap3A_136] {strides = array<i32>} : memref<128xf32, #tpu.memory_space<vmem>>, vector<16xf32>,
          tpu.vector_store %swap3A_135[%swap3A_136], %mul3A_132 {strides = array<i32>} : memref<128xf32, #tpu.memory_space<vmem>>, vector<16xf32>,
          %get3A_138 = arith.constant 0 : i32
          %get3A_139 = tpu.memref_slice %arg8[%add3A_54, %get3A_138] : memref<80x128xf32, #tpu.memory_space<vmem>> -> memref<1x128xf32, #tpu.memory_space<vmem>>
          %get3A_140 = tpu.memref_squeeze %get3A_139 : memref<1x128xf32, #tpu.memory_space<vmem>> -> memref<128xf32, #tpu.memory_space<vmem>>
          %get3A_141 = arith.constant 112 : index
          %get3A_142 = tpu.vector_load %get3A_140[%get3A_141] {strides = array<i32>} : memref<128xf32, #tpu.memory_space<vmem>>, vector<16xf32>,
          %mul3A_143 = vector.broadcast %reduce_sum3A_51 : f32 to vector<16xf32>
          %mul3A_144 = arith.mulf %get3A_142, %mul3A_143 : vector<16xf32>
          %swap3A_145 = arith.constant 0 : i32
          %swap3A_146 = tpu.memref_slice %arg8[%add3A_54, %swap3A_145] : memref<80x128xf32, #tpu.memory_space<vmem>> -> memref<1x128xf32, #tpu.memory_space<vmem>>
          %swap3A_147 = tpu.memref_squeeze %swap3A_146 : memref<1x128xf32, #tpu.memory_space<vmem>> -> memref<128xf32, #tpu.memory_space<vmem>>
          %swap3A_148 = arith.constant 112 : index
          %swap3A_149 = tpu.vector_load %swap3A_147[%swap3A_148] {strides = array<i32>} : memref<128xf32, #tpu.memory_space<vmem>>, vector<16xf32>,
          tpu.vector_store %swap3A_147[%swap3A_148], %mul3A_144 {strides = array<i32>} : memref<128xf32, #tpu.memory_space<vmem>>, vector<16xf32>,
          %scan3A_150 = arith.constant 0 : i32
          scf.yield %scan3A_150 : i32
        }
        %scan3A_44 = arith.constant 16 : i32
        %scan3A_45 = arith.constant 0 : i32
        scf.yield %scan3A_45 : i32
      }
      %scan3A_24 = arith.constant 5 : i32
      "tpu.region"() ({
        %run_scoped3A = tpu.sem_alloc : memref<!tpu.dma_semaphore, #tpu.memory_space<semaphore_mem>>
        %dma_start3A_26 = arith.constant 0 : i32
        %dma_start3A_27 = tpu.memref_slice %arg5[%add3A_13, %dma_start3A_26] : memref<5120x128xf32, #tpu.memory_space<hbm>> -> memref<80x128xf32, #tpu.memory_space<hbm>>
        %dma_start3A_28 = arith.constant 0 : i32
        %dma_start3A_29 = tpu.memref_slice %arg5[%add3A_13, %dma_start3A_28] : memref<5120x128xf32, #tpu.memory_space<hbm>> -> memref<80x128xf32, #tpu.memory_space<hbm>>
        tpu.enqueue_dma source(%arg8 : memref<80x128xf32, #tpu.memory_space<vmem>>) target(%dma_start3A_29 : memref<80x128xf32, #tpu.memory_space<hbm>>) target_semaphore(%run_scoped3A : memref<!tpu.dma_semaphore, #tpu.memory_space<semaphore_mem>>)
        %dma_wait3A_30 = arith.constant 0 : i32
        %dma_wait3A_31 = tpu.memref_slice %arg5[%add3A_13, %dma_wait3A_30] : memref<5120x128xf32, #tpu.memory_space<hbm>> -> memref<80x128xf32, #tpu.memory_space<hbm>>
        %dma_wait3A_32 = arith.constant 0 : i32
        %dma_wait3A_33 = tpu.memref_slice %arg5[%add3A_13, %dma_wait3A_32] : memref<5120x128xf32, #tpu.memory_space<hbm>> -> memref<80x128xf32, #tpu.memory_space<hbm>>
        tpu.wait_dma2 semaphore(%run_scoped3A : memref<!tpu.dma_semaphore, #tpu.memory_space<semaphore_mem>>) src(%arg8 : memref<80x128xf32, #tpu.memory_space<vmem>>) dst(%dma_wait3A_33 : memref<80x128xf32, #tpu.memory_space<hbm>>)
        tpu.yield
      }) : () -> ()
      %scan3A_25 = arith.constant 0 : i32
      scf.yield %scan3A_25 : i32
    }
    %scan3A_6 = arith.constant 2 : i32
    return
  }
}

module attributes {stable_mosaic.version = 14 : i64} {
  func.func @_mm_body(%arg0: i32, %arg1: memref<1000x128xf32, #tpu.memory_space<vmem>>, %arg2: memref<128x128xf32, #tpu.memory_space<vmem>>, %arg3: memref<1000x128xf32, #tpu.memory_space<vmem>>) attributes {dimension_semantics = [#tpu.dimension_semantics<arbitrary>], iteration_bounds = array<i64: 10>, scalar_prefetch = 0 : i64, scratch_operands = 0 : i64, tpu.core_type = #tpu.core_type<tc>, window_params = [{transform_indices = @transform_0, window_bounds = array<i64: 1000, 128>}, {pipeline_mode = #tpu.pipeline_mode<synchronous>, transform_indices = @transform_1, window_bounds = array<i64: 128, 128>}, {transform_indices = @transform_2, window_bounds = array<i64: 1000, 128>}]} {
    %get3A = arith.constant 0 : index
    %get3A_0 = arith.constant 0 : index
    %get3A_1 = vector.load %arg1[%get3A, %get3A_0] : memref<1000x128xf32, #tpu.memory_space<vmem>>, vector<1000x128xf32>
    %get3A_2 = arith.constant 0 : index
    %get3A_3 = arith.constant 0 : index
    %get3A_4 = vector.load %arg2[%get3A_2, %get3A_3] : memref<128x128xf32, #tpu.memory_space<vmem>>, vector<128x128xf32>
    %dot_general3A = arith.constant dense<0.000000e+00> : vector<1000x128xf32>
    %dot_general3A_5 = tpu.matmul %get3A_1, %get3A_4, %dot_general3A {dimension_numbers = #tpu.dot_dimension_numbers<[1], [0], [0], [1], [0, 0, 1, 1], [], []>, transpose_lhs_hint = false} : vector<1000x128xf32>, vector<128x128xf32>, vector<1000x128xf32> -> vector<1000x128xf32>
    %swap3A = arith.constant 0 : index
    %swap3A_6 = arith.constant 0 : index
    %swap3A_7 = vector.load %arg3[%swap3A, %swap3A_6] : memref<1000x128xf32, #tpu.memory_space<vmem>>, vector<1000x128xf32>
    tpu.vector_store %arg3[%swap3A, %swap3A_6], %dot_general3A_5 {strides = array<i32>} : memref<1000x128xf32, #tpu.memory_space<vmem>>, vector<1000x128xf32>,
    return
  }
  func.func @transform_0(%arg0: i32) -> (i32, i32) {
    %c0_i32 = arith.constant 0 : i32
    %c0_i32_0 = arith.constant 0 : i32
    return %arg0, %c0_i32 : i32, i32
  }
  func.func @transform_1(%arg0: i32) -> (i32, i32) {
    %c0_i32 = arith.constant 0 : i32
    %c0_i32_0 = arith.constant 0 : i32
    %c0_i32_1 = arith.constant 0 : i32
    return %c0_i32, %c0_i32_0 : i32, i32
  }
  func.func @transform_2(%arg0: i32) -> (i32, i32) {
    %c0_i32 = arith.constant 0 : i32
    %c0_i32_0 = arith.constant 0 : i32
    return %arg0, %c0_i32 : i32, i32
  }
}

</mosaic_0001>

<sc_bundles>
// kernel: gather_offload_async_start
scs
__scs_entry_jumppad:
0x0: {  	(pc) =	sbr.rel $0x88, $3  }
0x1: {  	(tag) =	ssettag $0x0;
	lr =	simm.s32 $0x1  }
0x2: {  	[smem:$0x3F9D] =	sst lr;
	_ =	strace $0xD0000000  }
0x3: {  	_ = 	snop  }
0x4: {  	_ = 	snop  }
0x5: {  	_ = 	snop  }
0x6: {  	_ = 	snop  }
0x7: {  	_ = 	snop  }
__scs_overlays_trampoline_lowered:
0x8: {  	[smem:$0x3FAC] =	sst s0  }
0x9: {  	[smem:$0x3FAD] =	sst s1  }
0xa: {  	[smem:$0x3FAE] =	sst s2  }
0xb: {  	[smem:$0x3FAF] =	sst s3  }
0xc: {  	[smem:$0x3FB0] =	sst s4  }
0xd: {  	[smem:$0x3FB1] =	sst s5  }
0xe: {  	[smem:$0x3FB2] =	sst s6  }
0xf: {  	[smem:$0x3FB3] =	sst s7  }
0x10: {  	[smem:$0x3FB4] =	sst s8  }
0x11: {  	[smem:$0x3FB5] =	sst s9;
	s0 =	simm.s32 @!p0 $0x0  }
0x12: {  	s1 =	sld [smem:$0x3F9B];
	s0 =	simm.s32 @p0 $0x1  }
0x13: {  	[smem:$0x3FB6] =	sst s0;
	s0 =	simm.s32 @!p1 $0x0  }
0x14: {  	s2 =	sld [smem:$0x3F9A];
	s0 =	simm.s32 @p1 $0x1  }
0x15: {  	[smem:$0x3FB7] =	sst s0;
	s0 =	simm.s32 @!p2 $0x0  }
0x16: {  	s3 =	sld [smem:$0x3FDB];
	s0 =	simm.s32 @p2 $0x1  }
0x17: {  	s4 =	simm.s32 $0x1BF5;
	[smem:$0x3FB9] =	sst s0  }
0x18: {  	s0 =	sld [smem:$0x3F9C];
	_ =	swait.ge [sflag:s4], $0x0  }
0x19: {  	s7 =	sld [smem:$0x3F9D]  }
0x1a: {  	s8 =	sadd.s32 $0xFFFFE003, lr  }
0x1b: {  	s9 =	sadd.s32 $0xFFFFFEF7, lr;
	s5 =	simm.s32 $0xFFFFFFFF;
	p2 =	slt.u32 s8, $0xFFFFF086  }
0x1c: {  	p1 =	slt.u32 s9, $0xF7A;
	s5 =	simm.s32 @!p2 $0x0  }
0x1d: {  	s5 =	simm.s32 @p1 $0x1;
	p0 =	seq.s32 s7, s2  }
0x1e: {  	s7 =	smul.u32 @!p0 $0xF7A, s2;
	p2 =	seq.s32 @!p0 s5, $0x0  }
0x1f: {  	s9 =	smul.u32 $0xF7A, s1;
	s8 =	simm.s32 @!p0 $0x1BF5;
	p2 =	por !p2, p0  }
0x20: {  	[sflag:s8] =	ssyncset.s32 @!p0 $0xFFFFF086;
	s6 =	sadd.s32 @!p0 s3, s7;
	s7 =	simm.s32 @!p0 $0x108  }
0x21: {  	s3 =	sadd.s32 s3, s9;
	s6 =	sadd.s32 @!p0 $0x88, s6;
	s7 =	simm.s32 @p2 $0x1082  }
0x22: {  	[simem:s7], [sflag:s8] =	dma.local @!p0 [hbm:s6], $0xF7A  }
0x23: {  	s9 =	sor.u32 $0xD0000000, s2;
	s6 =	simm.s32 $0x108;
	_ =	swait.ge @!p0 [sflag:s8], $0x0  }
0x24: {  	s3 =	sadd.s32 $0x88, s3;
	s6 =	simm.s32 @!p1 $0x1082;
	[sflag:s4] =	ssyncset.s32 $0xFFFFF086  }
0x25: {  	[simem:s6], [sflag:s4] =	dma.local [hbm:s3], $0xF7A  }
0x26: {  	[smem:$0x3F9D] =	sst s1;
	(tag) =	ssettag s2;
	_ =	strace s9  }
0x27: {  	s1 =	sld [smem:$0x3FAD]  }
0x28: {  	s2 =	sld [smem:$0x3FAE]  }
0x29: {  	s4 =	sld [smem:$0x3FB0]  }
0x2a: {  	p0 =	seq.s32 s5, $0x0;
	s5 =	sld [smem:$0x3FB1]  }
0x2b: {  	s6 =	sld [smem:$0x3FB2]  }
0x2c: {  	s7 =	sld [smem:$0x3FB3]  }
0x2d: {  	s3 =	simm.s32 $0x108;
	s8 =	sld [smem:$0x3FB4]  }
0x2e: {  	s3 =	simm.s32 @!p0 $0x1082;
	s9 =	sld [smem:$0x3FB5]  }
0x2f: {  	lr =	sadd.s32 s0, s3;
	s0 =	sld [smem:$0x3FAC]  }
0x30: {  	s3 =	sld [smem:$0x3FAF]  }
0x31: {  	[smem:$0x3FB8] =	sst s10  }
0x32: {  	s10 =	sld [smem:$0x3FB6];
	_ =	sdelay $0x3  }
0x33: {  	p0 =	seq.s32 s10, $0x1;
	s10 =	sld [smem:$0x3FB8];
	_ =	sdelay $0x3  }
0x34: {  	[smem:$0x3FB8] =	sst s10  }
0x35: {  	s10 =	sld [smem:$0x3FB7];
	_ =	sdelay $0x3  }
0x36: {  	p1 =	seq.s32 s10, $0x1;
	s10 =	sld [smem:$0x3FB8];
	_ =	sdelay $0x3  }
0x37: {  	[smem:$0x3FB8] =	sst s10  }
0x38: {  	s10 =	sld [smem:$0x3FB9]  }
0x39: {  	_ = 	snop;
	(pc) =	sbr.ind lr, $3  }
0x3a: {  	_ = 	snop  }
0x3b: {  	_ = 	snop  }
0x3c: {  	p2 =	seq.s32 s10, $0x1;
	s10 =	sld [smem:$0x3FB8]  }
0x3d: {  	_ =	shalt  }
0x3e: {  	_ =	shalt  }
0x3f: {  	_ =	shalt  }
0x40: {  	_ =	shalt  }
0x41: {  	_ =	shalt  }
0x42: {  	_ =	shalt  }
0x43: {  	_ =	shalt  }
0x44: {  	_ =	shalt  }
0x45: {  	_ =	shalt  }
0x46: {  	_ =	shalt  }
0x47: {  	_ =	shalt  }
0x48: {  	_ =	shalt  }
0x49: {  	_ =	shalt  }
0x4a: {  	_ =	shalt  }
0x4b: {  	_ =	shalt  }
0x4c: {  	_ =	shalt  }
0x4d: {  	_ =	shalt  }
0x4e: {  	_ =	shalt  }
0x4f: {  	_ =	shalt  }
0x50: {  	_ =	shalt  }
0x51: {  	_ =	shalt  }
0x52: {  	_ =	shalt  }
0x53: {  	_ =	shalt  }
0x54: {  	_ =	shalt  }
0x55: {  	_ =	shalt  }
0x56: {  	_ =	shalt  }
0x57: {  	_ =	shalt  }
0x58: {  	_ =	shalt  }
0x59: {  	_ =	shalt  }
0x5a: {  	_ =	shalt  }
0x5b: {  	_ =	shalt  }
0x5c: {  	_ =	shalt  }
0x5d: {  	_ =	shalt  }
0x5e: {  	_ =	shalt  }
0x5f: {  	_ =	shalt  }
0x60: {  	_ =	shalt  }
0x61: {  	_ =	shalt  }
0x62: {  	_ =	shalt  }
0x63: {  	_ =	shalt  }
0x64: {  	_ =	shalt  }
0x65: {  	_ =	shalt  }
0x66: {  	_ =	shalt  }
0x67: {  	_ =	shalt  }
0x68: {  	_ =	shalt  }
0x69: {  	_ =	shalt  }
0x6a: {  	_ =	shalt  }
0x6b: {  	_ =	shalt  }
0x6c: {  	_ =	shalt  }
0x6d: {  	_ =	shalt  }
0x6e: {  	_ =	shalt  }
0x6f: {  	_ =	shalt  }
0x70: {  	_ =	shalt  }
0x71: {  	_ =	shalt  }
0x72: {  	_ =	shalt  }
0x73: {  	_ =	shalt  }
0x74: {  	_ =	shalt  }
0x75: {  	_ =	shalt  }
0x76: {  	_ =	shalt  }
0x77: {  	_ =	shalt  }
0x78: {  	_ =	shalt  }
0x79: {  	_ =	shalt  }
0x7a: {  	_ =	shalt  }
0x7b: {  	_ =	shalt  }
0x7c: {  	_ =	shalt  }
0x7d: {  	_ =	shalt  }
0x7e: {  	_ =	shalt  }
0x7f: {  	_ =	shalt  }
0x80: {  	_ =	shalt  }
0x81: {  	_ =	shalt  }
0x82: {  	_ =	shalt  }
0x83: {  	_ =	shalt  }
0x84: {  	_ =	shalt  }
0x85: {  	_ =	shalt  }
0x86: {  	_ =	shalt  }
0x87: {  	_ =	shalt  }
.Lfunc_end0:
.L_simem_size_0:
called_computation.2_lowered:
.L_overlay_start_0:
0x88: {  	s0 =	sld [smem:$0x3FD9]  }
0x89: {  	s1 =	sld [smem:$0x3FFE];
	_ =	sdelay $0x3  }
0x8a: {  	s0 =	sadd.s32 s1, s0  }
0x8b: {  	[smem:$0x3FC4] =	sst s0  }
0x8c: {  	_ = 	snop  }
0x8d: {  	s0 =	sld [smem:$0x3FD0];
	(tm) =	ssettm $0x1  }
0x8e: {  	s16 =	sld [smem:$0x3FFB];
	_ =	sdelay $0x3  }
0x8f: {  	_ =	strace s16  }
0x90: {  	s1 =	sld [smem:$0x3FFC];
	_ =	sdelay $0x3  }
0x91: {  	_ =	strace s1  }
0x92: {  	s1 =	sld [smem:$0x3FFD];
	_ =	sdelay $0x3  }
0x93: {  	_ =	strace s1  }
0x94: {  	_ =	strace $0x8FFFFFFF  }
0x95: {  	s17 =	sld [smem:$0x3FDB];
	_ =	sdelay $0x1  }
0x96: {  	s2 =	simm.s32 $_scs_section_size  }
0x97: {  	s3 =	simm.s32 $_size__tile_overlayer_lowered;
	s4 =	simm.s32 $_tile_overlayer_lowered  }
0x98: {  	s20 =	simm.s32 $0x1BFF;
	s19 =	sshll.u32 s4, $0x1;
	s1 =	sadd.s32 s2, s17  }
0x99: {  	s5 =	simm.s32 $0x0;
	s18 =	sshll.u32 s3, $0x1;
	s3 =	sadd.s32 s19, s1  }
0x9a: {  	[timem:s5], [sflag:s20] =	dma.local [hbm:s3], s18  }
0x9b: {  	_ =	swait.ge [sflag:s20], s18  }
0x9c: {  	s2 =	ssub.s32 $0x0, s18;
	[sflag:s20] =	ssyncset.done $0x0  }
0x9d: {  	[sflag:s20] =	ssyncadd.s32 s2;
	_ =	sdelay $0x1  }
0x9e: {  	s21 =	simm.s32 $0x1B8B  }
0x9f: {  	_ =	swait.ge [sflag:s21], $0x1  }
0xa0: {  	[sflag:s21] =	ssyncset.done $0x0  }
0xa1: {  	s23 =	simm.s32 $0x1B8E;
	s22 =	sld [smem:$0x3FFE];
	[sflag:s21] =	ssyncadd.s32 $0xFFFFFFFF  }
0xa2: {  	s24 =	simm.s32 $execute0_lowered;
	[smem:$0x3FD2] =	sst s23  }
0xa3: {  	s3 =	sshll.u32 s24, $0x1;
	_ =	strace $0x8000004C;
	[dreg:$0x1] =	wrdreg $0xFFFFFFFF  }
0xa4: {  	s25 =	simm.s32 $_size_execute0_lowered;
	s1 =	sadd.s32 s1, s3;
	[dreg:$0x0] =	wrdreg $0x0  }
0xa5: {  	s3 =	sshll.u32 s25, $0x1;
	[dreg:$0x2] =	wrdreg s1  }
0xa6: {  	[dreg:$0x3] =	wrdreg s3  }
0xa7: {  	[dreg:$0x4] =	wrdreg $0xC0  }
0xa8: {  	_ =	task [dreg:s5], $0x5FFFF  }
0xa9: {  	[dreg:$0x1] =	wrdreg $0xFFFFFFFF  }
0xaa: {  	[dreg:$0x0] =	wrdreg $0x60  }
0xab: {  	[dreg:$0x2] =	wrdreg s0  }
0xac: {  	[dreg:$0x3] =	wrdreg s22  }
0xad: {  	[dreg:$0x4] =	wrdreg $0x9  }
0xae: {  	_ =	task.clear_ibuf [dreg:s5], $0x5FFFF;
	_ =	strace $0x9000004C  }
0xaf: {  	s26 =	simm.s32 $0x9;
	_ =	strace $0x8000004E  }
0xb0: {  	_ =	swait.ge [sflag:s26], $0x1  }
0xb1: {  	[sflag:s26] =	ssyncadd.s32 $0xFFFFFFFF  }
0xb2: {  	_ =	strace $0x9000004E  }
0xb3: {  	_ =	sfence  }
0xb4: {  	s28 =	sld [smem:$0x0];
	_ =	sdelay $0x1  }
0xb5: {  	s29 =	srdreg.scid  }
0xb6: {  	s30 =	sshll.u32 s29, $0xD;
	s31 =	sshrl.u32 s29, $0x2  }
0xb7: {  	s2 =	sand.u32 $0x4000, s30;
	s1 =	sand.u32 $0x1, s29;
	s0 =	sadd.s32 s31, s28  }
0xb8: {  	s1 =	sor.u32 s2, s1;
	s0 =	sshll.u32 s0, $0x11  }
0xb9: {  	s0 =	sor.u32 s0, s1  }
0xba: {  	s0 =	sadd.s32 $0x8F2B, s0  }
0xbb: {  	[sflag:s0] =	ssyncadd.remote.s32 $0x1  }
0xbc: {  	_ =	sfence.sel $0xFFFF  }
0xbd: {  	[dreg:$0x0] =	wrdreg $0xFFFFFFFF;
	(pc) =	sbr.abs _section_cstart, $3  }
0xbe: {  	[dreg:$0x1] =	wrdreg $0xFFFFFFFF  }
0xbf: {  	_ =	task.clear_ibuf [dreg:s5], $0x2FFFF;
	_ =	strace $0x9FFFFFFF  }
0xc0: {  	(tm) =	ssettm $0x7FFFFFFF  }
0xc1: {  	_ =	shalt  }
tec
execute0_lowered:
.L_overlay_start_1:
0x0: {  	(tag) =	ssettag $0x1  }
0x1: {  	s2 =	rddreg [dreg:$0x0]  }
0x2: {  	s3 =	rddreg [dreg:$0x1]  }
0x3: {  	s0 =	rddreg [dreg:$0x2];
	_ =	strace $0x8000004D;
	s4 =	simm.s32 $0x1  }
0x4: {  	s1 =	stileid.u32;
	s7 =	simm.s32 $0x1;
	s8 =	simm.s32 $0x1  }
0x5: {  	s6 =	simm.s32 $0x2;
	s9 =	simm.s32 $0x3;
	s10 =	simm.s32 $0x0  }
.Ltmp0:
0x6: {  	s13 =	simm.s32 $0x0;
	p0 =	slt.u32 s1, $0xA;
	(pc) =	sbr.rel .LBB2_1-.Ltmp0, $4  }
0x7: {  	[sflag:s4] =	ssyncpa.u1 $0x0;
	s7 =	simm.s32 @!p0 $0x0;
	p0 =	sne.s32 s1, $0x9  }
0x8: {  	s5 =	smul.u32 $0x3390, s1;
	[sflag:s6] =	ssyncpa.u1 $0x0;
	s8 =	simm.s32 @!p0 $0x0  }
0x9: {  	s12 =	simm.s32 $0x0;
	[sflag:s9] =	ssyncpa.u1 $0x0;
	s7 =	sadd.s32 s8, s7  }
0xa: {  	vm0 =	vmmov $0xffff;
	s11 =	smov.u32 s5;
	s8 =	sadd.s32 $0x14A00, s3;
	s9 =	sadd.s32 $0x1, s7  }
.LBB2_4:
0xb: {  	v2 =	vnsel vm1, $0x0, v2  }
0xc: {  	vm1 =	vgt.s32 v0, $0x0;
	v2 =	vmin.u32 v2, $0x5090F  }
0xd: {  	v0 =	vnsel vm1, $0x0, v0  }
0xe: {  	v0 =	vmin.u32 v0, $0x5090F  }
0xf: {  	[tilespmem:s18], [sflag:$0x1] =	stream.indirect_vreg.gather [hbm4b:s2+s10], $0x1, v1, vm0, $0x4038;
	[tilespmem:$0xCE40] =	vst v63  }
0x10: {  	(ifvalue) =	ssetifvalue $0x7FFFFFFF  }
0x11: {  	[tilespmem:s15], [sflag:$0x1] =	stream.indirect_vreg.gather [hbm4b:s2+s10], $0x1, v2, vm0, $0x4038;
	[tilespmem:$0xCE40] =	vst v63  }
0x12: {  	s29 =	sadd.s32 $0x10, s15;
	(ifvalue) =	ssetifvalue $0x7FFFFFFF  }
0x13: {  	[tilespmem:s29], [sflag:$0x1] =	stream.indirect_vreg.gather [hbm4b:s2+s10], $0x1, v0, vm0, $0x4038;
	[tilespmem:$0xCE40] =	vst v63  }
0x14: {  	_ =	swait.ge [sflag:s4], $0x3390  }
0x15: {  	s30 =	sshrl.u32 s13, $0x3;
	[sflag:s4] =	ssyncset.done $0x0  }
0x16: {  	s31 =	sand.u32 $0x7, s13;
	s15 =	sadd.s32 s8, s30;
	[sflag:s4] =	ssyncadd.s32 $0xFFFFCC70  }
0x17: {  	[hbm4b:s15+s31] =	stream.linear.scatter [tilespmem:s14], [sflag:$0x3], $0x3390, $0x38;
	[tilespmem:$0xCE40] =	vst v63  }
.LBB2_5:
0x18: {  	s15 =	sadd.s32 $0x33900, s11  }
0x19: {  	p1 =	sgt.s32 s15, $0x5090F  }
0x1a: {  	s15 =	smov.u32 @p1 s5;
	p1 =	sne.s32 s12, s9  }
.Ltmp1:
0x1b: {  	p0 =	slt.u32 s12, $0x2;
	(pc) =	sbr.rel @!p1 .LBB2_6-.Ltmp1, $4  }
0x1c: {  	s14 =	simm.s32 @!p0 $0x3  }
0x1d: {  	_ =	swait.ge @!p0 [sflag:s14], $0x3390  }
0x1e: {  	s16 =	sadd.s32 $0x1, s12;
	s13 =	smov.u32 s11;
	[sflag:s14] =	ssyncset.done @!p0 $0x0  }
0x1f: {  	s12 =	smov.u32 s16;
	s11 =	smov.u32 s15;
	[sflag:s14] =	ssyncadd.s32 @!p0 $0xFFFFCC70  }
.LBB2_1:
0x20: {  	p0 =	sge.u32 s12, s7  }
0x21: {  	s14 =	sxor.u32 @!p0 $0x1, s12  }
0x22: {  	s14 =	smul.u32 @!p0 $0xCE40, s14  }
0x23: {  	s31 =	sadd.s32 $0xFFFFFFFF, s12;
	s15 =	sshrl.u32 @!p0 s11, $0x3  }
0x24: {  	s16 =	sand.u32 @!p0 $0x7, s11;
	s15 =	sadd.s32 @!p0 s3, s15;
	s14 =	sshra.s32 @!p0 s14, $0x2  }
0x25: {  	[tilespmem:s14], [sflag:$0x2] =	stream.linear.gather @!p0 [hbm4b:s15+s16], $0x3390, $0x38;
	[tilespmem:$0xCE40] =	vst v63  }
0x26: {  	p0 =	sge.u32 s31, s7  }
.Ltmp2:
0x27: {  	_ = 	snop;
	(pc) =	sbr.rel @p0 .LBB2_5-.Ltmp2, $1  }
0x28: {  	_ =	sdelay $0x3  }
0x29: {  	s14 =	sand.u32 $0x1, s12  }
0x2a: {  	_ =	swait.ge [sflag:s6], $0x3390;
	p0 =	seq.s32 s14, $0x1;
	s14 =	simm.s32 $0x3390  }
0x2b: {  	[sflag:s6] =	ssyncset.done $0x0;
	s14 =	simm.s32 @!p0 $0x0  }
0x2c: {  	[sflag:s6] =	ssyncadd.s32 $0xFFFFCC70;
	(ifvalue) =	ssetifvalue $0x7FFFFFFF;
	v0 =	vld.msk [tilespmem:s14+$0x0 ss:$0x1], $0xffff;
	_ =	sdelay $0x4  }
0x2d: {  	s15 =	sadd.s32 $0x10, s14;
	vm1 =	vgt.s32 v0, $0x0  }
0x2e: {  	v2 =	vld.msk [tilespmem:s15+$0x0 ss:$0x1], $0xffff;
	v1 =	vnsel vm1, $0x0, v0  }
0x2f: {  	v1 =	vmin.u32 v1, $0x5090F;
	_ =	sdelay $0x2  }
0x30: {  	s17 =	simm.s32 $0x20;
	s14 =	sadd.s32 $0x6720, s14;
	s16 =	sadd.s32 $0x10, s15  }
0x31: {  	s15 =	sadd.s32 $0x10, s14;
	s18 =	smov.u32 s14;
	v0 =	vld.msk [tilespmem:s16+$0x0 ss:$0x1], $0xffff;
	vm1 =	vgt.s32 v2, $0x0;
	(ifvalue) =	ssetifvalue $0x7FFFFFFF  }
.LBB2_3:
0x32: {  	[tilespmem:s18], [sflag:$0x1] =	stream.indirect_vreg.gather [hbm4b:s2+s10], $0x1, v1, vm0, $0x4038;
	[tilespmem:$0xCE40] =	vst v63  }
0x33: {  	s17 =	sadd.s32 $0x10, s17  }
0x34: {  	v2 =	vnsel vm1, $0x0, v2;
	p0 =	slt.u32 s17, $0x3380  }
.Ltmp3:
0x35: {  	s18 =	smov.u32 s15;
	v1 =	vmin.u32 v2, $0x5090F;
	(pc) =	sbr.rel @p0 .LBB2_3-.Ltmp3, $3  }
0x36: {  	_ =	sdelay $0x1  }
0x37: {  	s16 =	sadd.s32 $0x10, s16  }
0x38: {  	vm1 =	vgt.s32 v0, $0x0;
	s15 =	sadd.s32 $0x10, s15;
	v2 =	vmov v0;
	(ifvalue) =	ssetifvalue $0x7FFFFFFF;
	v0 =	vld.msk [tilespmem:s16+$0x0 ss:$0x1], $0xffff  }
.Ltmp4:
0x39: {  	_ = 	snop;
	(pc) =	sbr.rel .LBB2_4-.Ltmp4, $1  }
0x3a: {  	_ =	sdelay $0x3  }
.LBB2_6:
0x3b: {  	_ =	sfence.sel $0x180000  }
0x3c: {  	s2 =	simm.s32 $0x2;
	[bflag:$0x0] =	sbarrier.arrive $0xFFFF  }
0x3d: {  	s30 =	simm.s32 $0x3;
	[sflag:s2] =	ssyncpa.u1 $0x1  }
0x3e: {  	s31 =	simm.s32 $0x1;
	[sflag:s30] =	ssyncpa.u1 $0x1  }
0x3f: {  	[sflag:s31] =	ssyncpa.u1 $0x1  }
0x40: {  	p0 =	sne.s32 s1, $0x0;
	_ =	strace $0x9000004D  }
0x41: {  	s0 =	sadd.s32 @!p0 $0x100000, s0;
	[bflag:$0x2] =	sbarrier.arrive $0xFFFF  }
0x42: {  	[sflag:s0] =	ssyncadd.tile.s32 @!p0 $0x1;
	_ =	shalt  }
.Lfunc_end2:
_tile_overlayer_lowered:
.L_overlay_start_2:
0x43: {  	(tag) =	ssettag $0x2  }
0x44: {  	s0 =	rddreg [dreg:$0x0];
	s2 =	stileid.u32  }
0x45: {  	s1 =	rddreg [dreg:$0x1];
	p0 =	sne.s32 s2, $0x0  }
0x46: {  	s3 =	rddreg [dreg:$0x2];
	[bflag:$0x3] =	sbarrier.arrive $0xFFFF;
	s2 =	simm.s32 @!p0 $0x1C01  }
0x47: {  	[timem:s3], [sflag:s2] =	dma.local @!p0 [hbm:s0], s1  }
0x48: {  	s0 =	simm.s32 @!p0 $0x1  }
0x49: {  	_ =	swait.ge @!p0 [sflag:s0], s1  }
0x4a: {  	s1 =	ssub.s32 @!p0 $0x0, s1;
	[sflag:s0] =	ssyncset.done @!p0 $0x0  }
0x4b: {  	[sflag:s0] =	ssyncadd.s32 @!p0 s1  }
0x4c: {  	[bflag:$0x3] =	sbarrier.arrive $0xFFFF  }
0x4d: {  	_ =	shalt  }

// kernel: kernel.5.cloned.1.call-start
scs
__scs_entry_jumppad:
0x0: {  	(pc) =	sbr.rel $0x88, $3  }
0x1: {  	(tag) =	ssettag $0x0;
	lr =	simm.s32 $0x1  }
0x2: {  	[smem:$0x3F9D] =	sst lr;
	_ =	strace $0xD0000000  }
0x3: {  	_ = 	snop  }
0x4: {  	_ = 	snop  }
0x5: {  	_ = 	snop  }
0x6: {  	_ = 	snop  }
0x7: {  	_ = 	snop  }
__scs_overlays_trampoline_lowered:
0x8: {  	[smem:$0x3FAC] =	sst s0  }
0x9: {  	[smem:$0x3FAD] =	sst s1  }
0xa: {  	[smem:$0x3FAE] =	sst s2  }
0xb: {  	[smem:$0x3FAF] =	sst s3  }
0xc: {  	[smem:$0x3FB0] =	sst s4  }
0xd: {  	[smem:$0x3FB1] =	sst s5  }
0xe: {  	[smem:$0x3FB2] =	sst s6  }
0xf: {  	[smem:$0x3FB3] =	sst s7  }
0x10: {  	[smem:$0x3FB4] =	sst s8  }
0x11: {  	[smem:$0x3FB5] =	sst s9;
	s0 =	simm.s32 @!p0 $0x0  }
0x12: {  	s1 =	sld [smem:$0x3F9B];
	s0 =	simm.s32 @p0 $0x1  }
0x13: {  	[smem:$0x3FB6] =	sst s0;
	s0 =	simm.s32 @!p1 $0x0  }
0x14: {  	s2 =	sld [smem:$0x3F9A];
	s0 =	simm.s32 @p1 $0x1  }
0x15: {  	[smem:$0x3FB7] =	sst s0;
	s0 =	simm.s32 @!p2 $0x0  }
0x16: {  	s3 =	sld [smem:$0x3FDB];
	s0 =	simm.s32 @p2 $0x1  }
0x17: {  	s4 =	simm.s32 $0x1BF5;
	[smem:$0x3FB9] =	sst s0  }
0x18: {  	s0 =	sld [smem:$0x3F9C];
	_ =	swait.ge [sflag:s4], $0x0  }
0x19: {  	s7 =	sld [smem:$0x3F9D]  }
0x1a: {  	s8 =	sadd.s32 $0xFFFFE003, lr  }
0x1b: {  	s9 =	sadd.s32 $0xFFFFFEF7, lr;
	s5 =	simm.s32 $0xFFFFFFFF;
	p2 =	slt.u32 s8, $0xFFFFF086  }
0x1c: {  	p1 =	slt.u32 s9, $0xF7A;
	s5 =	simm.s32 @!p2 $0x0  }
0x1d: {  	s5 =	simm.s32 @p1 $0x1;
	p0 =	seq.s32 s7, s2  }
0x1e: {  	s7 =	smul.u32 @!p0 $0xF7A, s2;
	p2 =	seq.s32 @!p0 s5, $0x0  }
0x1f: {  	s9 =	smul.u32 $0xF7A, s1;
	s8 =	simm.s32 @!p0 $0x1BF5;
	p2 =	por !p2, p0  }
0x20: {  	[sflag:s8] =	ssyncset.s32 @!p0 $0xFFFFF086;
	s6 =	sadd.s32 @!p0 s3, s7;
	s7 =	simm.s32 @!p0 $0x108  }
0x21: {  	s3 =	sadd.s32 s3, s9;
	s6 =	sadd.s32 @!p0 $0x88, s6;
	s7 =	simm.s32 @p2 $0x1082  }
0x22: {  	[simem:s7], [sflag:s8] =	dma.local @!p0 [hbm:s6], $0xF7A  }
0x23: {  	s9 =	sor.u32 $0xD0000000, s2;
	s6 =	simm.s32 $0x108;
	_ =	swait.ge @!p0 [sflag:s8], $0x0  }
0x24: {  	s3 =	sadd.s32 $0x88, s3;
	s6 =	simm.s32 @!p1 $0x1082;
	[sflag:s4] =	ssyncset.s32 $0xFFFFF086  }
0x25: {  	[simem:s6], [sflag:s4] =	dma.local [hbm:s3], $0xF7A  }
0x26: {  	[smem:$0x3F9D] =	sst s1;
	(tag) =	ssettag s2;
	_ =	strace s9  }
0x27: {  	s1 =	sld [smem:$0x3FAD]  }
0x28: {  	s2 =	sld [smem:$0x3FAE]  }
0x29: {  	s4 =	sld [smem:$0x3FB0]  }
0x2a: {  	p0 =	seq.s32 s5, $0x0;
	s5 =	sld [smem:$0x3FB1]  }
0x2b: {  	s6 =	sld [smem:$0x3FB2]  }
0x2c: {  	s7 =	sld [smem:$0x3FB3]  }
0x2d: {  	s3 =	simm.s32 $0x108;
	s8 =	sld [smem:$0x3FB4]  }
0x2e: {  	s3 =	simm.s32 @!p0 $0x1082;
	s9 =	sld [smem:$0x3FB5]  }
0x2f: {  	lr =	sadd.s32 s0, s3;
	s0 =	sld [smem:$0x3FAC]  }
0x30: {  	s3 =	sld [smem:$0x3FAF]  }
0x31: {  	[smem:$0x3FB8] =	sst s10  }
0x32: {  	s10 =	sld [smem:$0x3FB6];
	_ =	sdelay $0x3  }
0x33: {  	p0 =	seq.s32 s10, $0x1;
	s10 =	sld [smem:$0x3FB8];
	_ =	sdelay $0x3  }
0x34: {  	[smem:$0x3FB8] =	sst s10  }
0x35: {  	s10 =	sld [smem:$0x3FB7];
	_ =	sdelay $0x3  }
0x36: {  	p1 =	seq.s32 s10, $0x1;
	s10 =	sld [smem:$0x3FB8];
	_ =	sdelay $0x3  }
0x37: {  	[smem:$0x3FB8] =	sst s10  }
0x38: {  	s10 =	sld [smem:$0x3FB9]  }
0x39: {  	_ = 	snop;
	(pc) =	sbr.ind lr, $3  }
0x3a: {  	_ = 	snop  }
0x3b: {  	_ = 	snop  }
0x3c: {  	p2 =	seq.s32 s10, $0x1;
	s10 =	sld [smem:$0x3FB8]  }
0x3d: {  	_ =	shalt  }
0x3e: {  	_ =	shalt  }
0x3f: {  	_ =	shalt  }
0x40: {  	_ =	shalt  }
0x41: {  	_ =	shalt  }
0x42: {  	_ =	shalt  }
0x43: {  	_ =	shalt  }
0x44: {  	_ =	shalt  }
0x45: {  	_ =	shalt  }
0x46: {  	_ =	shalt  }
0x47: {  	_ =	shalt  }
0x48: {  	_ =	shalt  }
0x49: {  	_ =	shalt  }
0x4a: {  	_ =	shalt  }
0x4b: {  	_ =	shalt  }
0x4c: {  	_ =	shalt  }
0x4d: {  	_ =	shalt  }
0x4e: {  	_ =	shalt  }
0x4f: {  	_ =	shalt  }
0x50: {  	_ =	shalt  }
0x51: {  	_ =	shalt  }
0x52: {  	_ =	shalt  }
0x53: {  	_ =	shalt  }
0x54: {  	_ =	shalt  }
0x55: {  	_ =	shalt  }
0x56: {  	_ =	shalt  }
0x57: {  	_ =	shalt  }
0x58: {  	_ =	shalt  }
0x59: {  	_ =	shalt  }
0x5a: {  	_ =	shalt  }
0x5b: {  	_ =	shalt  }
0x5c: {  	_ =	shalt  }
0x5d: {  	_ =	shalt  }
0x5e: {  	_ =	shalt  }
0x5f: {  	_ =	shalt  }
0x60: {  	_ =	shalt  }
0x61: {  	_ =	shalt  }
0x62: {  	_ =	shalt  }
0x63: {  	_ =	shalt  }
0x64: {  	_ =	shalt  }
0x65: {  	_ =	shalt  }
0x66: {  	_ =	shalt  }
0x67: {  	_ =	shalt  }
0x68: {  	_ =	shalt  }
0x69: {  	_ =	shalt  }
0x6a: {  	_ =	shalt  }
0x6b: {  	_ =	shalt  }
0x6c: {  	_ =	shalt  }
0x6d: {  	_ =	shalt  }
0x6e: {  	_ =	shalt  }
0x6f: {  	_ =	shalt  }
0x70: {  	_ =	shalt  }
0x71: {  	_ =	shalt  }
0x72: {  	_ =	shalt  }
0x73: {  	_ =	shalt  }
0x74: {  	_ =	shalt  }
0x75: {  	_ =	shalt  }
0x76: {  	_ =	shalt  }
0x77: {  	_ =	shalt  }
0x78: {  	_ =	shalt  }
0x79: {  	_ =	shalt  }
0x7a: {  	_ =	shalt  }
0x7b: {  	_ =	shalt  }
0x7c: {  	_ =	shalt  }
0x7d: {  	_ =	shalt  }
0x7e: {  	_ =	shalt  }
0x7f: {  	_ =	shalt  }
0x80: {  	_ =	shalt  }
0x81: {  	_ =	shalt  }
0x82: {  	_ =	shalt  }
0x83: {  	_ =	shalt  }
0x84: {  	_ =	shalt  }
0x85: {  	_ =	shalt  }
0x86: {  	_ =	shalt  }
0x87: {  	_ =	shalt  }
.Lfunc_end0:
.L_simem_size_0:
called_computation.3_lowered:
.L_overlay_start_0:
0x88: {  	s2 =	sld [smem:$0x3FD9]  }
0x89: {  	s3 =	sld [smem:$0x3FFE];
	_ =	sdelay $0x1  }
0x8a: {  	s1 =	srdreg.scid  }
0x8b: {  	s0 =	sand.u32 $0x1, s1  }
0x8c: {  	s17 =	sshll.u32 s0, $0xA;
	s2 =	sadd.s32 s3, s2  }
0x8d: {  	s2 =	sadd.s32 s2, s17  }
0x8e: {  	[smem:$0x3FC4] =	sst s2  }
0x8f: {  	_ = 	snop  }
0x90: {  	s2 =	sld [smem:$0x3FD0];
	(tm) =	ssettm $0x1  }
0x91: {  	s18 =	sld [smem:$0x3FFB];
	_ =	sdelay $0x3  }
0x92: {  	_ =	strace s18  }
0x93: {  	s3 =	sld [smem:$0x3FFC];
	_ =	sdelay $0x3  }
0x94: {  	_ =	strace s3  }
0x95: {  	s3 =	sld [smem:$0x3FFD];
	_ =	sdelay $0x3  }
0x96: {  	_ =	strace s3  }
0x97: {  	_ =	strace $0x8FFFFFFF  }
0x98: {  	s19 =	sld [smem:$0x3FDB];
	_ =	sdelay $0x1  }
0x99: {  	s4 =	simm.s32 $_scs_section_size  }
0x9a: {  	s5 =	simm.s32 $_size__tile_overlayer_lowered;
	s6 =	simm.s32 $_tile_overlayer_lowered  }
0x9b: {  	s22 =	simm.s32 $0x1BFF;
	s21 =	sshll.u32 s6, $0x1;
	s3 =	sadd.s32 s4, s19  }
0x9c: {  	s7 =	simm.s32 $0x0;
	s20 =	sshll.u32 s5, $0x1;
	s5 =	sadd.s32 s21, s3  }
0x9d: {  	[timem:s7], [sflag:s22] =	dma.local [hbm:s5], s20  }
0x9e: {  	_ =	swait.ge [sflag:s22], s20  }
0x9f: {  	s4 =	ssub.s32 $0x0, s20;
	[sflag:s22] =	ssyncset.done $0x0  }
0xa0: {  	[sflag:s22] =	ssyncadd.s32 s4;
	_ =	sdelay $0x1  }
0xa1: {  	s23 =	simm.s32 $0x1B8B  }
0xa2: {  	_ =	swait.ge [sflag:s23], $0x1  }
0xa3: {  	[sflag:s23] =	ssyncset.done $0x0  }
0xa4: {  	s25 =	simm.s32 $0x1B8E;
	s24 =	sld [smem:$0x3FFE];
	[sflag:s23] =	ssyncadd.s32 $0xFFFFFFFF  }
0xa5: {  	s26 =	simm.s32 $execute0_lowered;
	[smem:$0x3FD2] =	sst s25  }
0xa6: {  	s5 =	sshll.u32 s26, $0x1;
	_ =	strace $0x8000004F;
	[dreg:$0x1] =	wrdreg $0xFFFFFFFF  }
0xa7: {  	s28 =	simm.s32 $_size_execute0_lowered;
	s3 =	sadd.s32 s3, s5;
	[dreg:$0x0] =	wrdreg $0x0  }
0xa8: {  	s5 =	sshll.u32 s28, $0x1;
	[dreg:$0x2] =	wrdreg s3  }
0xa9: {  	[dreg:$0x3] =	wrdreg s5  }
0xaa: {  	[dreg:$0x4] =	wrdreg $0xC0  }
0xab: {  	_ =	task [dreg:s7], $0x5FFFF  }
0xac: {  	[dreg:$0x1] =	wrdreg $0xFFFFFFFF  }
0xad: {  	[dreg:$0x0] =	wrdreg $0x60  }
0xae: {  	[dreg:$0x2] =	wrdreg s24  }
0xaf: {  	[dreg:$0x3] =	wrdreg s2  }
0xb0: {  	[dreg:$0x4] =	wrdreg $0x9  }
0xb1: {  	_ =	task.clear_ibuf [dreg:s7], $0x5FFFF;
	_ =	strace $0x9000004F  }
0xb2: {  	s29 =	simm.s32 $0x9;
	_ =	strace $0x80000051  }
0xb3: {  	_ =	swait.ge [sflag:s29], $0x1  }
0xb4: {  	[sflag:s29] =	ssyncadd.s32 $0xFFFFFFFF  }
0xb5: {  	_ =	strace $0x90000051  }
0xb6: {  	_ =	sfence  }
0xb7: {  	s30 =	sld [smem:$0x0];
	_ =	sdelay $0x2  }
0xb8: {  	s31 =	sshll.u32 s1, $0xD;
	s1 =	sshrl.u32 s1, $0x2  }
0xb9: {  	s3 =	sand.u32 $0x4000, s31;
	s1 =	sadd.s32 s1, s30  }
0xba: {  	s0 =	sor.u32 s3, s0;
	s1 =	sshll.u32 s1, $0x11  }
0xbb: {  	s0 =	sor.u32 s1, s0  }
0xbc: {  	s0 =	sadd.s32 $0x8F2B, s0  }
0xbd: {  	[sflag:s0] =	ssyncadd.remote.s32 $0x1  }
0xbe: {  	_ =	sfence.sel $0xFFFF  }
0xbf: {  	[dreg:$0x0] =	wrdreg $0xFFFFFFFF;
	(pc) =	sbr.abs _section_cstart, $3  }
0xc0: {  	[dreg:$0x1] =	wrdreg $0xFFFFFFFF  }
0xc1: {  	_ =	task.clear_ibuf [dreg:s7], $0x2FFFF;
	_ =	strace $0x9FFFFFFF  }
0xc2: {  	(tm) =	ssettm $0x7FFFFFFF  }
0xc3: {  	_ =	shalt  }
tec
execute0_lowered:
.L_overlay_start_1:
0x0: {  	(tag) =	ssettag $0x1  }
0x1: {  	v0 =	vimm.s32 $0xBA987654;
	v3 =	vimm.s32 $0xFEDCBA98  }
0x2: {  	s1 =	srdreg.scid;
	v4 =	vimm.s32 $0xF0E0D0C;
	vm0 =	vcmask $0x1F00;
	v2 =	vunpack.c.l.s4.s8 v0  }
0x3: {  	s0 =	stileid.u32;
	s7 =	rddreg [dreg:$0x0];
	vm1 =	vcmask $0x2F20;
	v6 =	vimm.s32 $0xFFEDCBA9;
	v7 =	vimm.s32 $0x87654321  }
0x4: {  	s3 =	simm.s32 $0x0;
	s9 =	simm.s32 $0x3;
	s10 =	simm.s32 $0x2780;
	v6 =	vunpack.c.l.s4.s8 v6;
	v7 =	vunpack.c.l.s4.s8 v7;
	v2 =	vunpack.c.0.s8.s32 v2  }
0x5: {  	v5 =	vimm.s32 $0xFFFEDCBA;
	s11 =	simm.s32 $0x15380;
	s4 =	sand.u32 $0x1, s1;
	s31 =	sshll.u32 s0, $0x1;
	v3 =	vunpack.c.l.s4.s8 v3;
	v4 =	vunpack.c.0.s8.s32 v4  }
0x6: {  	s12 =	simm.s32 $0x15400;
	s13 =	simm.s32 $0x80;
	s1 =	sor.u32 s4, s31;
	v6 =	vunpack.c.0.s8.s32 v6;
	v7 =	vunpack.c.0.s8.s32 v7;
	v2 =	vnsel vm0, $0xF, v2  }
0x7: {  	s14 =	simm.s32 $0x0;
	[smem:$0x7FF] =	sst s3;
	s1 =	smul.u32 $0x50910, s1;
	v2 =	vsel vm1, v4, v2;
	v4 =	vunpack.c.l.s4.s8 v5;
	v5 =	vimm.s32 $0x98765432  }
.Ltmp0:
0x8: {  	s5 =	sadd.s32 $0x14400, s7;
	s6 =	ssub.s32 $0x2, s4;
	v8 =	vunpack.c.0.s8.s32 v3;
	v5 =	vunpack.c.l.s4.s8 v5;
	(pc) =	sbr.rel .LBB2_1-.Ltmp0, $4  }
0x9: {  	s8 =	sshrl.u32 s6, $0x1;
	v3 =	vimm.s32 $0x0;
	s2 =	sadd.s32 $0x50910, s1;
	s1 =	sshrl.u32 s1, $0x5;
	v6 =	vcombine.low v7, v6;
	v7 =	vlaneseq.u32  }
0xa: {  	s4 =	sadd.s32 $0x28E00, s7;
	s8 =	ssub.s32 s6, s8;
	s2 =	sshrl.u32 s2, $0x5;
	v0 =	vmov s1;
	v9 =	vunpack.c.0.s8.s32 v4;
	v5 =	vunpack.c.0.s8.s32 v5  }
0xb: {  	s6 =	sadd.s32 $0x1EC00, s7;
	s7 =	sadd.s32 $0x1F200, s7;
	s1 =	rddreg [dreg:$0x2];
	v1 =	vmov s2;
	v4 =	vand.u32 $0xF, v8;
	v8 =	vimm.s32 $0x2718  }
0xc: {  	s8 =	smax.u32 s8, $0x1;
	s2 =	rddreg [dreg:$0x1];
	_ =	strace $0x80000050;
	v4 =	vnsel vm0, $0xF, v4;
	vm0 =	vmmov $0x1;
	v5 =	vcombine.low v5, v9  }
.LBB2_28:
0xd: {  	s14 =	sadd.s32 $0x1, s14  }
0xe: {  	p0 =	sne.s32 s14, s8  }
.Ltmp1:
0xf: {  	_ = 	snop;
	(pc) =	sbr.rel @!p0 .LBB2_29-.Ltmp1, $1  }
0x10: {  	_ =	sdelay $0x3  }
.LBB2_1:
0x11: {  	[tilespmem:s3], [sflag:$0x3] =	stream.linear.gather [hbm4b:s5+s3], $0x2780, $0x38;
	[tilespmem:$0x15480] =	vst v63  }
0x12: {  	_ =	swait.ge [sflag:s9], $0x2780  }
0x13: {  	[sflag:s9] =	ssyncset.done $0x0  }
0x14: {  	[sflag:s9] =	ssyncadd.s32 $0xFFFFD880  }
0x15: {  	[tilespmem:s10], [sflag:$0x3] =	stream.linear.gather [hbm4b:s6+s3], $0x2780, $0x38;
	[tilespmem:$0x15480] =	vst v63  }
0x16: {  	_ =	swait.ge [sflag:s9], $0x2780  }
0x17: {  	[sflag:s9] =	ssyncset.done $0x0  }
0x18: {  	s16 =	simm.s32 $0x0;
	[sflag:s9] =	ssyncadd.s32 $0xFFFFD880  }
0x19: {  	v10 =	vld [tilespmem:s16+$0x2780]  }
0x1a: {  	s15 =	simm.s32 $0x40;
	v9 =	vimm.s32 $0x0  }
.LBB2_2:
0x1b: {  	p0 =	sne.s32 s15, $0x9C40  }
.Ltmp2:
0x1c: {  	_ = 	snop;
	(pc) =	sbr.rel @p0 .LBB2_2-.Ltmp2, $4  }
0x1d: {  	_ = 	snop  }
0x1e: {  	s16 =	sshra.s32 s15, $0x2;
	s15 =	sadd.s32 $0x40, s15;
	vm1 =	vlt.s32 v10, v0  }
0x1f: {  	v10 =	vld [tilespmem:s16+$0x2780];
	v11 =	vsel vm1, $0x1, v3  }
0x20: {  	v9 =	vadd.s32 v11, v9  }
0x21: {  	_ =	sdelay $0x2  }
0x22: {  	s16 =	simm.s32 $0x0;
	vm1 =	vlt.s32 v10, v0  }
0x23: {  	v11 =	vld [tilespmem:s16+$0x2780];
	v10 =	vsel vm1, $0x1, v3  }
0x24: {  	s15 =	simm.s32 $0x40;
	v9 =	vadd.s32 v10, v9;
	v10 =	vimm.s32 $0x0  }
.LBB2_4:
0x25: {  	p0 =	sne.s32 s15, $0x9C40  }
.Ltmp3:
0x26: {  	_ = 	snop;
	(pc) =	sbr.rel @p0 .LBB2_4-.Ltmp3, $4  }
0x27: {  	_ = 	snop  }
0x28: {  	s16 =	sshra.s32 s15, $0x2;
	s15 =	sadd.s32 $0x40, s15;
	vm1 =	vlt.s32 v11, v1  }
0x29: {  	v11 =	vld [tilespmem:s16+$0x2780];
	v12 =	vsel vm1, $0x1, v3  }
0x2a: {  	v10 =	vadd.s32 v12, v10  }
0x2b: {  	_ =	sdelay $0x2  }
0x2c: {  	vm1 =	vlt.s32 v11, v1  }
0x2d: {  	v11 =	vsel vm1, $0x1, v3  }
0x2e: {  	(xrf0) =	vadd.scan.msk.s32 $0xffff, v9;
	v10 =	vadd.s32 v11, v10  }
0x2f: {  	(xrf0) =	vadd.scan.msk.s32 $0xffff, v10;
	_ =	sdelay $0x4  }
0x30: {  	v9, _, _ =	vpop (xrf0)  }
0x31: {  	(v2sf) =	vpush v9, $0xF;
	v9, _, _ =	vpop (xrf0)  }
0x32: {  	(v2sf) =	vpush v9, $0xF;
	_ =	sdelay $0xd  }
0x33: {  	s15 =	spop (v2sf)  }
0x34: {  	v9 =	vld [tilespmem:s15+$0x2780];
	s18 =	spop (v2sf)  }
0x35: {  	v10 =	vld [tilespmem:s18+$0x2780];
	_ =	sdelay $0x3  }
0x36: {  	v9 =	vnsel vm0, $0x0, v9  }
0x37: {  	(xrf0) =	vadd.scan.msk.s32 $0xffff, v9;
	v9 =	vnsel vm0, $0x0, v10  }
0x38: {  	(xrf0) =	vadd.scan.msk.s32 $0xffff, v9;
	_ =	sdelay $0x4  }
0x39: {  	v9, _, _ =	vpop (xrf0)  }
0x3a: {  	(v2sf) =	vpush v9, $0xF;
	v9, _, _ =	vpop (xrf0)  }
0x3b: {  	(v2sf) =	vpush v9, $0xF;
	_ =	sdelay $0xd  }
0x3c: {  	s16 =	spop (v2sf)  }
0x3d: {  	s17 =	spop (v2sf)  }
0x3e: {  	p0 =	slt.s32 s17, $0x50910  }
0x3f: {  	s17 =	simm.s32 @!p0 $0x50910  }
0x40: {  	p0 =	sge.s32 s16, s17  }
0x41: {  	s17 =	sand.u32 @!p0 $0x7, s16  }
0x42: {  	p1 =	slt.s32 @!p0 s16, $0x1;
	p2 =	sne.s32 @!p0 s17, $0x0  }
0x43: {  	s17 =	sshra.s32 @!p0 s16, $0x1F;
	p1 =	por @!p0 !p1, !p2  }
0x44: {  	s17 =	sshrl.u32 @!p0 s17, $0x1D;
	p1 =	por @!p0 !p1, !p1  }
0x45: {  	s19 =	simm.s32 @!p0 $0x1;
	s17 =	sadd.s32 @!p0 s17, s16;
	p1 =	por !p1, p0  }
0x46: {  	s17 =	sshra.s32 @!p0 s17, $0x3;
	s19 =	simm.s32 @p1 $0x0  }
0x47: {  	s19 =	ssub.s32 @!p0 s17, s19  }
0x48: {  	s17 =	sand.u32 @!p0 $0x1FFFFFFF, s19  }
0x49: {  	s20 =	simm.s32 @!p0 $0x0;
	s21 =	simm.s32 @!p0 $0x4F00;
	s17 =	sadd.s32 @!p0 s2, s17  }
0x4a: {  	[tilespmem:s21], [sflag:$0x2] =	stream.linear.gather @!p0 [hbm4b:s17+s20], $0x200, $0x38;
	[tilespmem:$0x15480] =	vst v63  }
0x4b: {  	s17 =	simm.s32 @!p0 $0x2  }
0x4c: {  	_ =	swait.ge @!p0 [sflag:s17], $0x200  }
0x4d: {  	[sflag:s17] =	ssyncset.done @!p0 $0x0  }
0x4e: {  	s20 =	simm.s32 @!p0 $0x5380;
	[sflag:s17] =	ssyncadd.s32 @!p0 $0xFFFFFE00;
	s17 =	simm.s32 @!p0 $0x80  }
0x4f: {  	[tilespmem:s20], [sflag:$0x1] =	stream.indirect.gather @!p0 [hbm4b:s4+s17], $0x80, s21, s17, $0xb8;
	[tilespmem:$0x15480] =	vst v63  }
0x50: {  	s20 =	simm.s32 @!p0 $0x4F80;
	s21 =	simm.s32 @!p0 $0x9380  }
0x51: {  	[tilespmem:s21], [sflag:$0x1] =	stream.indirect.gather @!p0 [hbm4b:s4+s17], $0x80, s20, s17, $0xb8;
	[tilespmem:$0x15480] =	vst v63  }
0x52: {  	s20 =	simm.s32 @!p0 $0x5000;
	s21 =	simm.s32 @!p0 $0xD380  }
0x53: {  	[tilespmem:s21], [sflag:$0x1] =	stream.indirect.gather @!p0 [hbm4b:s4+s17], $0x80, s20, s17, $0xb8;
	[tilespmem:$0x15480] =	vst v63  }
0x54: {  	s22 =	simm.s32 @!p0 $0x11380;
	s20 =	simm.s32 @!p0 $0x1;
	s21 =	simm.s32 @!p0 $0x5080  }
0x55: {  	[tilespmem:s22], [sflag:$0x1] =	stream.indirect.gather @!p0 [hbm4b:s4+s17], $0x80, s21, s17, $0xb8;
	[tilespmem:$0x15480] =	vst v63  }
0x56: {  	_ =	swait.ge @!p0 [sflag:s20], $0x4000  }
0x57: {  	[sflag:s20] =	ssyncset.done @!p0 $0x0  }
0x58: {  	[sflag:s20] =	ssyncadd.s32 @!p0 $0xFFFFC000  }
0x59: {  	_ =	swait.ge @!p0 [sflag:s20], $0x4000  }
0x5a: {  	[sflag:s20] =	ssyncset.done @!p0 $0x0  }
0x5b: {  	p1 =	sle.s32 @!p0 s18, s15;
	[sflag:s20] =	ssyncadd.s32 @!p0 $0xFFFFC000  }
0x5c: {  	p1 =	por p0, p1;
	_ =	swait.ge @!p0 [sflag:s20], $0x4000  }
.Ltmp4:
0x5d: {  	[sflag:s20] =	ssyncset.done @!p0 $0x0;
	(pc) =	sbr.rel @p1 .LBB2_28-.Ltmp4, $4  }
0x5e: {  	[sflag:s20] =	ssyncadd.s32 @!p0 $0xFFFFC000  }
0x5f: {  	_ =	swait.ge @!p0 [sflag:s20], $0x4000  }
0x60: {  	[sflag:s20] =	ssyncset.done @!p0 $0x0  }
0x61: {  	[sflag:s20] =	ssyncadd.s32 @!p0 $0xFFFFC000  }
0x62: {  	s17 =	smulhi.u32 $0x32D70D6B, s16;
	s20 =	sshra.s32 s16, $0x1F  }
0x63: {  	s20 =	smul.u32 $0x32D70D6B, s20;
	_ =	sdelay $0x1  }
0x64: {  	s17 =	sadd.s32 s20, s17  }
0x65: {  	s20 =	sshrl.u32 s17, $0x1F;
	s17 =	sshra.s32 s17, $0xC  }
0x66: {  	s17 =	sadd.s32 s20, s17  }
0x67: {  	s20 =	smul.u32 $0xFFFFAF6F, s17  }
0x68: {  	s21 =	ssub.s32 $0x0, s16  }
0x69: {  	p0 =	slt.s32 s16, $0x1;
	p1 =	sne.s32 s20, s21  }
0x6a: {  	p0 =	por !p0, !p1  }
0x6b: {  	s20 =	simm.s32 $0x1;
	p0 =	por !p0, !p0  }
.Ltmp5:
0x6c: {  	s20 =	simm.s32 @!p0 $0x0;
	(pc) =	sbr.rel .LBB2_7-.Ltmp5, $4  }
0x6d: {  	s17 =	ssub.s32 s17, s20  }
0x6e: {  	s17 =	smul.u32 $0x5091, s17  }
0x6f: {  	s19 =	sshll.u32 s19, $0x3  }
0x70: {  	s18 =	ssub.s32 s18, s15;
	s20 =	simm.s32 $0x0;
	s17 =	sadd.s32 $0x5091, s17  }
.LBB2_22:
0x71: {  	v18 =	vadd.f32 v18, v25;
	v17 =	vadd.f32 v17, v19  }
0x72: {  	v15 =	vadd.f32 v15, v24;
	v14 =	vadd.f32 v14, v22  }
0x73: {  	v12 =	vadd.f32 v12, v23;
	v11 =	vadd.f32 v11, v21  }
0x74: {  	v10 =	vadd.f32 v10, v16;
	v9 =	vadd.f32 v9, v13  }
.LBB2_23:
0x75: {  	v13 =	vperm.xlane v18, v4;
	v16 =	vadd.f32 $0.0e+00, v18;
	_ =	sdelay $0x1  }
0x76: {  	v13 =	vadd.f32 v13, v16;
	_ =	sdelay $0x1  }
0x77: {  	v57 =	vperm.xlane v17, v4;
	v13 =	vadd.f32 v13, v17;
	_ =	sdelay $0x1  }
0x78: {  	v13 =	vadd.f32 v13, v57;
	_ =	sdelay $0x1  }
0x79: {  	v58 =	vperm.xlane v15, v4;
	v13 =	vadd.f32 v13, v15;
	_ =	sdelay $0x1  }
0x7a: {  	v13 =	vadd.f32 v13, v58;
	_ =	sdelay $0x1  }
0x7b: {  	v59 =	vperm.xlane v14, v4;
	v13 =	vadd.f32 v13, v14;
	_ =	sdelay $0x1  }
0x7c: {  	v13 =	vadd.f32 v13, v59;
	_ =	sdelay $0x1  }
0x7d: {  	v60 =	vperm.xlane v12, v4;
	v61 =	vadd.f32 v13, v12;
	_ =	sdelay $0x1  }
0x7e: {  	v12 =	vadd.f32 v61, v60;
	_ =	sdelay $0x1  }
0x7f: {  	v62 =	vperm.xlane v11, v4;
	v11 =	vadd.f32 v12, v11;
	_ =	sdelay $0x1  }
0x80: {  	v11 =	vadd.f32 v11, v62;
	_ =	sdelay $0x1  }
0x81: {  	v63 =	vperm.xlane v10, v4;
	v10 =	vadd.f32 v11, v10;
	_ =	sdelay $0x1  }
0x82: {  	v10 =	vadd.f32 v10, v63;
	_ =	sdelay $0x1  }
0x83: {  	v11 =	vperm.xlane v9, v4;
	v9 =	vadd.f32 v10, v9;
	_ =	sdelay $0x1  }
0x84: {  	v9 =	vadd.f32 v9, v11;
	_ =	sdelay $0x1  }
0x85: {  	v10 =	vperm.xlane v9, v2;
	_ =	sdelay $0x1  }
0x86: {  	v9 =	vadd.f32 v9, v10;
	_ =	sdelay $0x1  }
0x87: {  	v10 =	vperm.xlane v9, v5;
	_ =	sdelay $0x1  }
0x88: {  	v9 =	vadd.f32 v9, v10;
	_ =	sdelay $0x1  }
0x89: {  	v10 =	vperm.xlane v9, v6;
	_ =	sdelay $0x1  }
0x8a: {  	v9 =	vadd.f32 v9, v10;
	_ =	sdelay $0x1  }
0x8b: {  	v9 =	vnsel vm0, $0x0, v9  }
0x8c: {  	(xrf2) =	vadd.scan.msk.f32 $0xffff, v9;
	_ =	sdelay $0x5  }
0x8d: {  	s21 =	sand.u32 $0x7F, s20  }
0x8e: {  	v9 =	vmov s21;
	_ =	sdelay $0x2  }
0x8f: {  	s20 =	sadd.s32 $0x1, s20;
	v10, _, _ =	vpop (xrf2)  }
0x90: {  	s31 =	sand.u32 $0x7F, s20;
	v11 =	vmov s15;
	v10 =	vbroadcast v10, $0xF  }
0x91: {  	p1 =	sne.s32 s20, s18;
	p0 =	sne.s32 s31, $0x0;
	[tilespmem:v9+s11+$0x0] =	vst.idx.msk $0x1, v11  }
0x92: {  	s22 =	simm.s32 @!p0 $0x15380;
	s23 =	simm.s32 @!p0 $0x15400;
	s21 =	simm.s32 @!p0 $0x80;
	[tilespmem:v9+s12+$0x0] =	vst.idx.msk $0x1, v10  }
0x93: {  	[hbm4b:s7+s21] =	stream.indirect.scatter @!p0 [tilespmem:s23], [sflag:$0x3], $0x1, s22, s21, $0xb8;
	[tilespmem:$0x15480] =	vst v63  }
.Ltmp6:
0x94: {  	_ = 	snop;
	(pc) =	sbr.rel @!p1 .LBB2_24-.Ltmp6, $4  }
0x95: {  	s21 =	simm.s32 @!p0 $0x3  }
0x96: {  	_ =	swait.ge @!p0 [sflag:s21], $0x80  }
0x97: {  	[sflag:s21] =	ssyncset.done @!p0 $0x0  }
0x98: {  	s15 =	sadd.s32 $0x1, s15;
	[sflag:s21] =	ssyncadd.s32 @!p0 $0xFFFFFF80  }
.LBB2_7:
0x99: {  	v9 =	vld [tilespmem:s15+$0x2781];
	_ =	sdelay $0x4  }
0x9a: {  	(v2sf) =	vpush v9, $0x0;
	_ =	sdelay $0xe  }
0x9b: {  	s21 =	spop (v2sf)  }
0x9c: {  	p0 =	sge.s32 s16, s21  }
.Ltmp7:
0x9d: {  	_ = 	snop;
	(pc) =	sbr.rel @p0 .LBB2_8-.Ltmp7, $2  }
0x9e: {  	_ =	sdelay $0x2  }
0x9f: {  	v18 =	vimm.f32 $0.0e+00  }
0xa0: {  	v16 =	vimm.f32 $0.0e+00  }
.Ltmp8:
0xa1: {  	v9 =	vimm.f32 $0.0e+00;
	v10 =	vimm.f32 $0.0e+00;
	v11 =	vimm.f32 $0.0e+00;
	(pc) =	sbr.rel .LBB2_10-.Ltmp8, $4  }
0xa2: {  	v12 =	vimm.f32 $0.0e+00;
	v14 =	vimm.f32 $0.0e+00;
	v15 =	vimm.f32 $0.0e+00  }
0xa3: {  	v17 =	vimm.f32 $0.0e+00;
	v18 =	vimm.f32 $0.0e+00;
	v13 =	vimm.f32 $0.0e+00  }
0xa4: {  	v21 =	vimm.f32 $0.0e+00;
	v23 =	vimm.f32 $0.0e+00;
	v22 =	vimm.f32 $0.0e+00  }
0xa5: {  	v20 =	vld.msk [tilespmem:s15+$0x0 ss:$0x0], $0xffff;
	v24 =	vimm.f32 $0.0e+00;
	v19 =	vimm.f32 $0.0e+00;
	v25 =	vimm.f32 $0.0e+00  }
.LBB2_8:
.Ltmp9:
0xa6: {  	(pc) =	sbr.rel .LBB2_23-.Ltmp9, $4  }
0xa7: {  	_ = 	snop  }
0xa8: {  	v17 =	vimm.f32 $0.0e+00  }
0xa9: {  	v15 =	vimm.f32 $0.0e+00;
	v14 =	vimm.f32 $0.0e+00;
	v12 =	vimm.f32 $0.0e+00  }
0xaa: {  	v11 =	vimm.f32 $0.0e+00;
	v10 =	vimm.f32 $0.0e+00;
	v9 =	vimm.f32 $0.0e+00  }
.LBB2_15:
0xab: {  	v28 =	vmov v24  }
0xac: {  	v32 =	vmovc v22;
	v33 =	vmovc v23;
	v35 =	vmov v21;
	v34 =	vmov v16;
	v36 =	vmov v25  }
.LBB2_20:
0xad: {  	v38 =	vld [tilespmem:s23+$0x30]  }
0xae: {  	v41 =	vld [tilespmem:s23+$0xFFFFFFD0]  }
0xaf: {  	v42 =	vld [tilespmem:s23+$0xFFFFFFE0]  }
0xb0: {  	v29 =	vmul.f32 @p0 v29, v40;
	v43 =	vld [tilespmem:s23+$0xFFFFFFF0]  }
0xb1: {  	v28 =	vadd.f32 @p0 v37, v28;
	v27 =	vmul.f32 @p0 v27, v40;
	v54 =	vld [tilespmem:s23+$0x0];
	v30 =	vmul.f32 @p0 v30, v40  }
0xb2: {  	v32 =	vadd.f32 @p0 v39, v32;
	v55 =	vld [tilespmem:s23+$0x10];
	v31 =	vmul.f32 @p0 v40, v31;
	v29 =	vadd.f32 @p0 v29, v33  }
0xb3: {  	v58 =	vld [tilespmem:s23+$0x20];
	v27 =	vadd.f32 @p0 v27, v35;
	v30 =	vadd.f32 @p0 v30, v34  }
0xb4: {  	v59 =	vld [tilespmem:s23+$0xFFFFFFC0];
	v24 =	vpsel p0, v28, v24;
	v22 =	vpsel p0, v32, v22;
	v31 =	vadd.f32 @p0 v31, v36  }
0xb5: {  	v23 =	vpsel p0, v29, v23;
	v56 =	vmul.f32 v38, v26;
	v57 =	vmul.f32 v41, v26  }
0xb6: {  	v21 =	vpsel p0, v27, v21;
	v60 =	vmul.f32 v42, v26;
	v61 =	vmul.f32 v43, v26  }
0xb7: {  	v16 =	vpsel p0, v30, v16;
	v27 =	vmul.f32 v54, v26;
	v62 =	vmul.f32 v55, v26  }
0xb8: {  	v63 =	vmul.f32 v58, v26;
	v13 =	vadd.f32 v56, v13;
	v19 =	vadd.f32 v57, v19  }
0xb9: {  	v26 =	vmul.f32 v26, v59;
	v24 =	vadd.f32 v60, v24;
	v22 =	vadd.f32 v61, v22  }
0xba: {  	v25 =	vpsel p0, v31, v25;
	v23 =	vadd.f32 v27, v23;
	v21 =	vadd.f32 v62, v21  }
0xbb: {  	v16 =	vadd.f32 v63, v16;
	v25 =	vadd.f32 v26, v25  }
.LBB2_21:
0xbc: {  	s16 =	sadd.s32 s16, s22;
	v27 =	vadd.f32 v19, v17  }
0xbd: {  	v28 =	vadd.f32 v24, v15;
	v29 =	vadd.f32 v23, v12;
	p0 =	seq.s32 s16, s17  }
0xbe: {  	v26 =	vadd.f32 v25, v18;
	v30 =	vadd.f32 v16, v10;
	v17 =	vpsel p0, v27, v17  }
0xbf: {  	p1 =	slt.s32 s16, s21;
	v27 =	vadd.f32 v21, v11;
	v15 =	vpsel p0, v28, v15;
	v12 =	vpsel p0, v29, v12  }
.Ltmp10:
0xc0: {  	v25 =	vpsel p0, $0x0, v25;
	v18 =	vpsel p0, v26, v18;
	v26 =	vadd.f32 v22, v14;
	(pc) =	sbr.rel @!p1 .LBB2_22-.Ltmp10, $4  }
0xc1: {  	v19 =	vpsel p0, $0x0, v19;
	v24 =	vpsel p0, $0x0, v24;
	v23 =	vpsel p0, $0x0, v23  }
0xc2: {  	v21 =	vpsel p0, $0x0, v21;
	v14 =	vpsel p0, v26, v14;
	v26 =	vadd.f32 v13, v9  }
0xc3: {  	s22 =	sadd.s32 $0x5091, s17;
	v16 =	vpsel p0, $0x0, v16;
	v10 =	vpsel p0, v30, v10;
	v22 =	vpsel p0, $0x0, v22  }
0xc4: {  	s17 =	smov.u32 @p0 s22;
	v11 =	vpsel p0, v27, v11;
	v13 =	vpsel p0, $0x0, v13;
	v9 =	vpsel p0, v26, v9  }
.LBB2_10:
0xc5: {  	s22 =	smov.u32 s19;
	s19 =	sadd.s32 $0x200, s19  }
0xc6: {  	p0 =	slt.s32 s16, s19  }
0xc7: {  	s23 =	sshrl.u32 @!p0 s19, $0x3  }
0xc8: {  	s24 =	simm.s32 @!p0 $0x0;
	s25 =	simm.s32 @!p0 $0x4F00;
	s23 =	sadd.s32 @!p0 s2, s23  }
0xc9: {  	[tilespmem:s25], [sflag:$0x2] =	stream.linear.gather @!p0 [hbm4b:s23+s24], $0x200, $0x38;
	[tilespmem:$0x15480] =	vst v63  }
0xca: {  	s23 =	simm.s32 @!p0 $0x2  }
0xcb: {  	_ =	swait.ge @!p0 [sflag:s23], $0x200  }
0xcc: {  	[sflag:s23] =	ssyncset.done @!p0 $0x0  }
0xcd: {  	s24 =	simm.s32 @!p0 $0x5380;
	[sflag:s23] =	ssyncadd.s32 @!p0 $0xFFFFFE00;
	s23 =	simm.s32 @!p0 $0x80  }
0xce: {  	[tilespmem:s24], [sflag:$0x1] =	stream.indirect.gather @!p0 [hbm4b:s4+s23], $0x80, s25, s23, $0xb8;
	[tilespmem:$0x15480] =	vst v63  }
0xcf: {  	s24 =	simm.s32 @!p0 $0x4F80;
	s25 =	simm.s32 @!p0 $0x9380  }
0xd0: {  	[tilespmem:s25], [sflag:$0x1] =	stream.indirect.gather @!p0 [hbm4b:s4+s23], $0x80, s24, s23, $0xb8;
	[tilespmem:$0x15480] =	vst v63  }
0xd1: {  	s24 =	simm.s32 @!p0 $0x5000;
	s25 =	simm.s32 @!p0 $0xD380  }
0xd2: {  	[tilespmem:s25], [sflag:$0x1] =	stream.indirect.gather @!p0 [hbm4b:s4+s23], $0x80, s24, s23, $0xb8;
	[tilespmem:$0x15480] =	vst v63  }
0xd3: {  	s19 =	smov.u32 @p0 s22;
	s24 =	simm.s32 @!p0 $0x5080;
	s25 =	simm.s32 @!p0 $0x11380  }
0xd4: {  	[tilespmem:s25], [sflag:$0x1] =	stream.indirect.gather @!p0 [hbm4b:s4+s23], $0x80, s24, s23, $0xb8;
	[tilespmem:$0x15480] =	vst v63  }
0xd5: {  	s26 =	simm.s32 $0x1;
	s24 =	simm.s32 @!p0 $0x1;
	s23 =	ssub.s32 s16, s19  }
0xd6: {  	s22 =	ssub.s32 s21, s16;
	_ =	swait.ge @!p0 [sflag:s24], $0x4000;
	s25 =	ssub.s32 $0x200, s23  }
0xd7: {  	s28 =	sshra.s32 s23, $0x1F;
	s30 =	sand.u32 $0xF, s23;
	[sflag:s24] =	ssyncset.done @!p0 $0x0  }
0xd8: {  	p1 =	slt.s32 s22, s25;
	p4 =	sne.s32 s30, $0x0;
	s31 =	sshrl.u32 s28, $0x1C  }
0xd9: {  	s25 =	smov.u32 @p1 s22;
	s22 =	ssub.s32 s17, s16;
	p1 =	sne.s32 s16, s19  }
0xda: {  	[sflag:s24] =	ssyncadd.s32 @!p0 $0xFFFFC000;
	p2 =	slt.s32 s25, s22;
	s26 =	simm.s32 @!p1 $0x0  }
0xdb: {  	_ =	swait.ge @!p0 [sflag:s24], $0x4000;
	s22 =	smov.u32 @p2 s25;
	s29 =	sor.u32 s26, s28  }
0xdc: {  	[sflag:s24] =	ssyncset.done @!p0 $0x0;
	p3 =	sne.s32 s29, $0x1;
	s29 =	sadd.s32 s22, s23  }
0xdd: {  	s28 =	simm.s32 $0x1;
	p1 =	por !p4, !p3;
	s26 =	sadd.s32 $0xF, s29  }
0xde: {  	s23 =	sadd.s32 s31, s23;
	p1 =	por !p1, !p1;
	s30 =	sand.u32 $0xF, s26  }
0xdf: {  	s31 =	sshra.s32 s26, $0x1F;
	p6 =	slt.s32 s26, $0x1;
	p5 =	sne.s32 s30, $0x0  }
0xe0: {  	s28 =	simm.s32 @!p1 $0x0;
	s25 =	sshrl.u32 s31, $0x1C;
	p1 =	por !p6, !p5  }
0xe1: {  	s25 =	sadd.s32 s25, s26;
	s26 =	simm.s32 $0x1;
	p1 =	por !p1, !p1  }
0xe2: {  	s23 =	sshra.s32 s23, $0x4;
	s29 =	sshra.s32 s25, $0x4;
	s26 =	simm.s32 @!p1 $0x0  }
0xe3: {  	[sflag:s24] =	ssyncadd.s32 @!p0 $0xFFFFC000;
	s25 =	ssub.s32 s23, s28;
	s23 =	ssub.s32 s29, s26  }
0xe4: {  	_ =	swait.ge @!p0 [sflag:s24], $0x4000;
	p1 =	sge.s32 s25, s23  }
.Ltmp11:
0xe5: {  	[sflag:s24] =	ssyncset.done @!p0 $0x0;
	(pc) =	sbr.rel @p1 .LBB2_13-.Ltmp11, $4  }
0xe6: {  	[sflag:s24] =	ssyncadd.s32 @!p0 $0xFFFFC000  }
0xe7: {  	_ =	swait.ge @!p0 [sflag:s24], $0x4000  }
0xe8: {  	[sflag:s24] =	ssyncset.done @!p0 $0x0  }
0xe9: {  	[sflag:s24] =	ssyncadd.s32 @!p0 $0xFFFFC000  }
0xea: {  	s24 =	sshll.u32 s25, $0x6  }
0xeb: {  	s24 =	sshra.s32 s24, $0x2  }
0xec: {  	s26 =	sadd.s32 $0x4F00, s24  }
0xed: {  	v26 =	vld [tilespmem:s26+$0x0];
	_ =	sdelay $0x7  }
0xee: {  	v26 =	vld.idx.msk [tilespmem:v26+s3+$0x0], $0xffff  }
0xef: {  	s25 =	sadd.s32 $0x1, s25  }
0xf0: {  	p0 =	slt.s32 s25, s23  }
.Ltmp12:
0xf1: {  	_ = 	snop;
	(pc) =	sbr.rel @!p0 .LBB2_13-.Ltmp12, $4  }
0xf2: {  	_ = 	snop  }
0xf3: {  	v26 =	vmul.f32 v26, v20  }
0xf4: {  	s24 =	sadd.s32 $0x5100, s24  }
0xf5: {  	s26 =	sadd.s32 $0x10, s26;
	[tilespmem:s24+$0x0] =	vst v26  }
.LBB2_12:
0xf6: {  	v26 =	vld [tilespmem:s26+$0x0];
	s25 =	sadd.s32 $0x1, s25  }
0xf7: {  	p0 =	slt.s32 s25, s23;
	_ =	sdelay $0x6  }
0xf8: {  	v26 =	vld.idx.msk [tilespmem:v26+s3+$0x0], $0xffff;
	_ =	sdelay $0x3  }
.Ltmp13:
0xf9: {  	(pc) =	sbr.rel @p0 .LBB2_12-.Ltmp13, $4  }
0xfa: {  	_ = 	snop  }
0xfb: {  	v26 =	vmul.f32 v26, v20  }
0xfc: {  	s24 =	sadd.s32 $0x10, s24  }
0xfd: {  	s26 =	sadd.s32 $0x10, s26;
	[tilespmem:s24+$0x0] =	vst v26  }
.LBB2_13:
0xfe: {  	p0 =	slt.s32 s22, $0x1  }
.Ltmp14:
0xff: {  	_ = 	snop;
	(pc) =	sbr.rel @p0 .LBB2_21-.Ltmp14, $1  }
0x100: {  	_ =	sdelay $0x3  }
0x101: {  	s23 =	sshll.u32 s16, $0x2;
	s24 =	sshll.u32 s19, $0x2  }
0x102: {  	s23 =	ssub.s32 s23, s24  }
0x103: {  	s23 =	sshra.s32 s23, $0x2  }
0x104: {  	p1 =	sne.s32 s22, $0x1;
	s24 =	sadd.s32 $0x5100, s23  }
.Ltmp15:
0x105: {  	v26 =	vld.msk [tilespmem:s24+$0x0 ss:$0x0], $0xffff;
	(pc) =	sbr.rel @!p1 .LBB2_15-.Ltmp15, $4  }
0x106: {  	s25 =	sshll.u32 s16, $0x9;
	s26 =	sshll.u32 s19, $0x9  }
0x107: {  	s31 =	ssub.s32 s25, s26  }
0x108: {  	s25 =	sshra.s32 s31, $0x2  }
0x109: {  	p0 =	por $0x0, $0x0;
	s23 =	sadd.s32 $0x53C0, s25;
	s25 =	sadd.s32 $0xFFFFFFFF, s22  }
0x10a: {  	v28 =	vld [tilespmem:s23+$0x30]  }
0x10b: {  	v30 =	vld [tilespmem:s23+$0xFFFFFFD0];
	_ =	sdelay $0x1  }
0x10c: {  	v32 =	vld [tilespmem:s23+$0xFFFFFFE0]  }
0x10d: {  	v33 =	vld [tilespmem:s23+$0xFFFFFFF0]  }
0x10e: {  	p1 =	sne.s32 s25, $0x1  }
.Ltmp16:
0x10f: {  	v29 =	vld [tilespmem:s23+$0x0];
	v28 =	vmul.f32 v28, v26;
	v34 =	vmul.f32 v30, v26;
	(pc) =	sbr.rel @!p1 .LBB2_17-.Ltmp16, $4  }
0x110: {  	v27 =	vld [tilespmem:s23+$0x10]  }
0x111: {  	v30 =	vld [tilespmem:s23+$0x20]  }
0x112: {  	v31 =	vld [tilespmem:s23+$0xFFFFFFC0];
	s24 =	sadd.s32 $0x1, s24;
	v35 =	vmovc v21;
	v36 =	vmovc v25;
	v37 =	vmul.f32 v32, v26;
	v39 =	vmul.f32 v33, v26;
	v32 =	vmov v22  }
0x113: {  	s25 =	sadd.s32 $0xFFFFFFFF, s25;
	p0 =	por $0x1, $0x1;
	v38 =	vld.msk [tilespmem:s24+$0x0 ss:$0x0], $0xffff;
	s23 =	sadd.s32 $0x80, s23;
	v33 =	vmovc v23;
	v13 =	vadd.f32 v28, v13;
	v19 =	vadd.f32 v34, v19;
	v28 =	vmovc v24;
	v34 =	vmov v16  }
.LBB2_18:
0x114: {  	p1 =	sne.s32 s25, $0x1;
	v40 =	vld [tilespmem:s23+$0x30];
	v28 =	vadd.f32 v37, v28;
	v29 =	vmul.f32 v29, v26  }
0x115: {  	v37 =	vld [tilespmem:s23+$0xFFFFFFD0];
	v32 =	vadd.f32 v39, v32;
	v27 =	vmul.f32 v27, v26  }
0x116: {  	v39 =	vld [tilespmem:s23+$0xFFFFFFE0];
	v33 =	vadd.f32 v29, v33;
	v30 =	vmul.f32 v30, v26  }
0x117: {  	v41 =	vld [tilespmem:s23+$0xFFFFFFF0];
	v31 =	vmul.f32 v26, v31;
	v35 =	vadd.f32 v27, v35  }
.Ltmp17:
0x118: {  	v29 =	vld [tilespmem:s23+$0x0];
	v34 =	vadd.f32 v30, v34;
	(pc) =	sbr.rel @p1 .LBB2_18-.Ltmp17, $4  }
0x119: {  	v26 =	vmov v38;
	v27 =	vld [tilespmem:s23+$0x10];
	v40 =	vmul.f32 v40, v38;
	v36 =	vadd.f32 v31, v36  }
0x11a: {  	v42 =	vmul.f32 v37, v26;
	v30 =	vld [tilespmem:s23+$0x20]  }
0x11b: {  	s24 =	sadd.s32 $0x1, s24;
	v31 =	vld [tilespmem:s23+$0xFFFFFFC0];
	v37 =	vmul.f32 v39, v26;
	v13 =	vadd.f32 v40, v13  }
0x11c: {  	s25 =	sadd.s32 $0xFFFFFFFF, s25;
	s23 =	sadd.s32 $0x80, s23;
	v38 =	vld.msk [tilespmem:s24+$0x0 ss:$0x0], $0xffff;
	v19 =	vadd.f32 v42, v19;
	v39 =	vmul.f32 v41, v26  }
.Ltmp18:
0x11d: {  	_ = 	snop;
	(pc) =	sbr.rel .LBB2_20-.Ltmp18, $2  }
0x11e: {  	_ =	sdelay $0x2  }
0x11f: {  	v40 =	vmov v26;
	v26 =	vmov v38  }
.LBB2_17:
.Ltmp19:
0x120: {  	_ = 	snop;
	(pc) =	sbr.rel .LBB2_20-.Ltmp19, $3  }
0x121: {  	_ =	sdelay $0x1  }
0x122: {  	v40 =	vmov v26;
	v28 =	vmov v24;
	v32 =	vmov v22  }
0x123: {  	v33 =	vmovc v23;
	v35 =	vmovc v21;
	v34 =	vmov v16;
	v36 =	vmov v25;
	v26 =	vmov v38  }
.LBB2_24:
0x124: {  	s15 =	sand.u32 $0x7F, s18  }
0x125: {  	p0 =	seq.s32 s15, $0x0  }
.Ltmp20:
0x126: {  	_ = 	snop;
	(pc) =	sbr.rel @p0 .LBB2_28-.Ltmp20, $1  }
0x127: {  	_ =	sdelay $0x3  }
0x128: {  	s16 =	simm.s32 $0x0  }
0x129: {  	v9 =	vmov s15;
	v10 =	vmov s16;
	v11 =	vor.u32 s16, v7  }
0x12a: {  	vm1 =	vge.u32 v11, v9;
	vm2 =	vlt.u32 v10, $0x80  }
0x12b: {  	vm1 =	vmand vm2, vm1  }
0x12c: {  	s15 =	simm.s32 $0x10;
	v10 =	vnsel vm1, $0x0, v11  }
.LBB2_26:
0x12d: {  	p0 =	sne.s32 s15, $0x70  }
.Ltmp21:
0x12e: {  	_ = 	snop;
	(pc) =	sbr.rel @p0 .LBB2_26-.Ltmp21, $4  }
0x12f: {  	v11 =	vmov s15;
	v12 =	vor.u32 s15, v7  }
0x130: {  	vm2 =	vge.u32 v12, v9;
	vm3 =	vlt.u32 v11, $0x80  }
0x131: {  	[tilespmem:v10+s11+$0x0] =	vst.idx.msk vm1, v8;
	vm1 =	vmand vm3, vm2  }
0x132: {  	s15 =	sadd.s32 $0x10, s15;
	v10 =	vnsel vm1, $0x0, v12  }
0x133: {  	_ =	sdelay $0x4  }
.Ltmp22:
0x134: {  	[tilespmem:v10+s11+$0x0] =	vst.idx.msk vm1, v8;
	(pc) =	sbr.rel .LBB2_28-.Ltmp22, $4  }
0x135: {  	[hbm4b:s7+s13] =	stream.indirect.scatter [tilespmem:s12], [sflag:$0x3], $0x1, s11, s13, $0xb8;
	[tilespmem:$0x15480] =	vst v63  }
0x136: {  	_ =	swait.ge [sflag:s9], $0x80  }
0x137: {  	[sflag:s9] =	ssyncset.done $0x0  }
0x138: {  	[sflag:s9] =	ssyncadd.s32 $0xFFFFFF80  }
.LBB2_29:
0x139: {  	_ =	sfence.sel $0x180000  }
0x13a: {  	[bflag:$0x0] =	sbarrier.arrive $0xFFFF  }
0x13b: {  	p0 =	sne.s32 s0, $0x0;
	_ =	strace $0x90000050  }
0x13c: {  	s0 =	sadd.s32 @!p0 $0x100000, s1;
	[bflag:$0x2] =	sbarrier.arrive $0xFFFF  }
0x13d: {  	[sflag:s0] =	ssyncadd.tile.s32 @!p0 $0x1;
	_ =	shalt  }
.Lfunc_end2:
_tile_overlayer_lowered:
.L_overlay_start_2:
0x13e: {  	(tag) =	ssettag $0x2  }
0x13f: {  	s0 =	rddreg [dreg:$0x0];
	s2 =	stileid.u32  }
0x140: {  	s1 =	rddreg [dreg:$0x1];
	p0 =	sne.s32 s2, $0x0  }
0x141: {  	s3 =	rddreg [dreg:$0x2];
	[bflag:$0x3] =	sbarrier.arrive $0xFFFF;
	s2 =	simm.s32 @!p0 $0x1C03  }
0x142: {  	[timem:s3], [sflag:s2] =	dma.local @!p0 [hbm:s0], s1  }
0x143: {  	s0 =	simm.s32 @!p0 $0x3  }
0x144: {  	_ =	swait.ge @!p0 [sflag:s0], s1  }
0x145: {  	s1 =	ssub.s32 @!p0 $0x0, s1;
	[sflag:s0] =	ssyncset.done @!p0 $0x0  }
0x146: {  	[sflag:s0] =	ssyncadd.s32 @!p0 s1  }
0x147: {  	[bflag:$0x3] =	sbarrier.arrive $0xFFFF  }
0x148: {  	_ =	shalt  }

// kernel: kernel.8.cloned.1.call-start
scs
__scs_entry_jumppad:
0x0: {  	(pc) =	sbr.rel $0x88, $3  }
0x1: {  	(tag) =	ssettag $0x0;
	lr =	simm.s32 $0x1  }
0x2: {  	[smem:$0x3F9D] =	sst lr;
	_ =	strace $0xD0000000  }
0x3: {  	_ = 	snop  }
0x4: {  	_ = 	snop  }
0x5: {  	_ = 	snop  }
0x6: {  	_ = 	snop  }
0x7: {  	_ = 	snop  }
__scs_overlays_trampoline_lowered:
0x8: {  	[smem:$0x3FAC] =	sst s0  }
0x9: {  	[smem:$0x3FAD] =	sst s1  }
0xa: {  	[smem:$0x3FAE] =	sst s2  }
0xb: {  	[smem:$0x3FAF] =	sst s3  }
0xc: {  	[smem:$0x3FB0] =	sst s4  }
0xd: {  	[smem:$0x3FB1] =	sst s5  }
0xe: {  	[smem:$0x3FB2] =	sst s6  }
0xf: {  	[smem:$0x3FB3] =	sst s7  }
0x10: {  	[smem:$0x3FB4] =	sst s8  }
0x11: {  	[smem:$0x3FB5] =	sst s9;
	s0 =	simm.s32 @!p0 $0x0  }
0x12: {  	s1 =	sld [smem:$0x3F9B];
	s0 =	simm.s32 @p0 $0x1  }
0x13: {  	[smem:$0x3FB6] =	sst s0;
	s0 =	simm.s32 @!p1 $0x0  }
0x14: {  	s2 =	sld [smem:$0x3F9A];
	s0 =	simm.s32 @p1 $0x1  }
0x15: {  	[smem:$0x3FB7] =	sst s0;
	s0 =	simm.s32 @!p2 $0x0  }
0x16: {  	s3 =	sld [smem:$0x3FDB];
	s0 =	simm.s32 @p2 $0x1  }
0x17: {  	s4 =	simm.s32 $0x1BF5;
	[smem:$0x3FB9] =	sst s0  }
0x18: {  	s0 =	sld [smem:$0x3F9C];
	_ =	swait.ge [sflag:s4], $0x0  }
0x19: {  	s7 =	sld [smem:$0x3F9D]  }
0x1a: {  	s8 =	sadd.s32 $0xFFFFE003, lr  }
0x1b: {  	s9 =	sadd.s32 $0xFFFFFEF7, lr;
	s5 =	simm.s32 $0xFFFFFFFF;
	p2 =	slt.u32 s8, $0xFFFFF086  }
0x1c: {  	p1 =	slt.u32 s9, $0xF7A;
	s5 =	simm.s32 @!p2 $0x0  }
0x1d: {  	s5 =	simm.s32 @p1 $0x1;
	p0 =	seq.s32 s7, s2  }
0x1e: {  	s7 =	smul.u32 @!p0 $0xF7A, s2;
	p2 =	seq.s32 @!p0 s5, $0x0  }
0x1f: {  	s9 =	smul.u32 $0xF7A, s1;
	s8 =	simm.s32 @!p0 $0x1BF5;
	p2 =	por !p2, p0  }
0x20: {  	[sflag:s8] =	ssyncset.s32 @!p0 $0xFFFFF086;
	s6 =	sadd.s32 @!p0 s3, s7;
	s7 =	simm.s32 @!p0 $0x108  }
0x21: {  	s3 =	sadd.s32 s3, s9;
	s6 =	sadd.s32 @!p0 $0x88, s6;
	s7 =	simm.s32 @p2 $0x1082  }
0x22: {  	[simem:s7], [sflag:s8] =	dma.local @!p0 [hbm:s6], $0xF7A  }
0x23: {  	s9 =	sor.u32 $0xD0000000, s2;
	s6 =	simm.s32 $0x108;
	_ =	swait.ge @!p0 [sflag:s8], $0x0  }
0x24: {  	s3 =	sadd.s32 $0x88, s3;
	s6 =	simm.s32 @!p1 $0x1082;
	[sflag:s4] =	ssyncset.s32 $0xFFFFF086  }
0x25: {  	[simem:s6], [sflag:s4] =	dma.local [hbm:s3], $0xF7A  }
0x26: {  	[smem:$0x3F9D] =	sst s1;
	(tag) =	ssettag s2;
	_ =	strace s9  }
0x27: {  	s1 =	sld [smem:$0x3FAD]  }
0x28: {  	s2 =	sld [smem:$0x3FAE]  }
0x29: {  	s4 =	sld [smem:$0x3FB0]  }
0x2a: {  	p0 =	seq.s32 s5, $0x0;
	s5 =	sld [smem:$0x3FB1]  }
0x2b: {  	s6 =	sld [smem:$0x3FB2]  }
0x2c: {  	s7 =	sld [smem:$0x3FB3]  }
0x2d: {  	s3 =	simm.s32 $0x108;
	s8 =	sld [smem:$0x3FB4]  }
0x2e: {  	s3 =	simm.s32 @!p0 $0x1082;
	s9 =	sld [smem:$0x3FB5]  }
0x2f: {  	lr =	sadd.s32 s0, s3;
	s0 =	sld [smem:$0x3FAC]  }
0x30: {  	s3 =	sld [smem:$0x3FAF]  }
0x31: {  	[smem:$0x3FB8] =	sst s10  }
0x32: {  	s10 =	sld [smem:$0x3FB6];
	_ =	sdelay $0x3  }
0x33: {  	p0 =	seq.s32 s10, $0x1;
	s10 =	sld [smem:$0x3FB8];
	_ =	sdelay $0x3  }
0x34: {  	[smem:$0x3FB8] =	sst s10  }
0x35: {  	s10 =	sld [smem:$0x3FB7];
	_ =	sdelay $0x3  }
0x36: {  	p1 =	seq.s32 s10, $0x1;
	s10 =	sld [smem:$0x3FB8];
	_ =	sdelay $0x3  }
0x37: {  	[smem:$0x3FB8] =	sst s10  }
0x38: {  	s10 =	sld [smem:$0x3FB9]  }
0x39: {  	_ = 	snop;
	(pc) =	sbr.ind lr, $3  }
0x3a: {  	_ = 	snop  }
0x3b: {  	_ = 	snop  }
0x3c: {  	p2 =	seq.s32 s10, $0x1;
	s10 =	sld [smem:$0x3FB8]  }
0x3d: {  	_ =	shalt  }
0x3e: {  	_ =	shalt  }
0x3f: {  	_ =	shalt  }
0x40: {  	_ =	shalt  }
0x41: {  	_ =	shalt  }
0x42: {  	_ =	shalt  }
0x43: {  	_ =	shalt  }
0x44: {  	_ =	shalt  }
0x45: {  	_ =	shalt  }
0x46: {  	_ =	shalt  }
0x47: {  	_ =	shalt  }
0x48: {  	_ =	shalt  }
0x49: {  	_ =	shalt  }
0x4a: {  	_ =	shalt  }
0x4b: {  	_ =	shalt  }
0x4c: {  	_ =	shalt  }
0x4d: {  	_ =	shalt  }
0x4e: {  	_ =	shalt  }
0x4f: {  	_ =	shalt  }
0x50: {  	_ =	shalt  }
0x51: {  	_ =	shalt  }
0x52: {  	_ =	shalt  }
0x53: {  	_ =	shalt  }
0x54: {  	_ =	shalt  }
0x55: {  	_ =	shalt  }
0x56: {  	_ =	shalt  }
0x57: {  	_ =	shalt  }
0x58: {  	_ =	shalt  }
0x59: {  	_ =	shalt  }
0x5a: {  	_ =	shalt  }
0x5b: {  	_ =	shalt  }
0x5c: {  	_ =	shalt  }
0x5d: {  	_ =	shalt  }
0x5e: {  	_ =	shalt  }
0x5f: {  	_ =	shalt  }
0x60: {  	_ =	shalt  }
0x61: {  	_ =	shalt  }
0x62: {  	_ =	shalt  }
0x63: {  	_ =	shalt  }
0x64: {  	_ =	shalt  }
0x65: {  	_ =	shalt  }
0x66: {  	_ =	shalt  }
0x67: {  	_ =	shalt  }
0x68: {  	_ =	shalt  }
0x69: {  	_ =	shalt  }
0x6a: {  	_ =	shalt  }
0x6b: {  	_ =	shalt  }
0x6c: {  	_ =	shalt  }
0x6d: {  	_ =	shalt  }
0x6e: {  	_ =	shalt  }
0x6f: {  	_ =	shalt  }
0x70: {  	_ =	shalt  }
0x71: {  	_ =	shalt  }
0x72: {  	_ =	shalt  }
0x73: {  	_ =	shalt  }
0x74: {  	_ =	shalt  }
0x75: {  	_ =	shalt  }
0x76: {  	_ =	shalt  }
0x77: {  	_ =	shalt  }
0x78: {  	_ =	shalt  }
0x79: {  	_ =	shalt  }
0x7a: {  	_ =	shalt  }
0x7b: {  	_ =	shalt  }
0x7c: {  	_ =	shalt  }
0x7d: {  	_ =	shalt  }
0x7e: {  	_ =	shalt  }
0x7f: {  	_ =	shalt  }
0x80: {  	_ =	shalt  }
0x81: {  	_ =	shalt  }
0x82: {  	_ =	shalt  }
0x83: {  	_ =	shalt  }
0x84: {  	_ =	shalt  }
0x85: {  	_ =	shalt  }
0x86: {  	_ =	shalt  }
0x87: {  	_ =	shalt  }
.Lfunc_end0:
.L_simem_size_0:
called_computation.4_lowered:
.L_overlay_start_0:
0x88: {  	s2 =	sld [smem:$0x3FD9]  }
0x89: {  	s3 =	sld [smem:$0x3FFE];
	_ =	sdelay $0x1  }
0x8a: {  	s1 =	srdreg.scid  }
0x8b: {  	s0 =	sand.u32 $0x1, s1  }
0x8c: {  	s17 =	sshll.u32 s0, $0xA;
	s2 =	sadd.s32 s3, s2  }
0x8d: {  	s2 =	sadd.s32 s2, s17  }
0x8e: {  	[smem:$0x3FC4] =	sst s2  }
0x8f: {  	_ = 	snop  }
0x90: {  	s2 =	sld [smem:$0x3FC9]  }
0x91: {  	s18 =	sld [smem:$0x3FD0];
	(tm) =	ssettm $0x1  }
0x92: {  	s4 =	sld [smem:$0x3FFB];
	_ =	sdelay $0x3  }
0x93: {  	_ =	strace s4  }
0x94: {  	s4 =	sld [smem:$0x3FFC];
	_ =	sdelay $0x3  }
0x95: {  	_ =	strace s4  }
0x96: {  	s4 =	sld [smem:$0x3FFD];
	_ =	sdelay $0x3  }
0x97: {  	_ =	strace s4  }
0x98: {  	_ =	strace $0x8FFFFFFF  }
0x99: {  	s19 =	sld [smem:$0x3FDB];
	_ =	sdelay $0x1  }
0x9a: {  	s5 =	simm.s32 $_scs_section_size  }
0x9b: {  	s6 =	simm.s32 $_size__tile_overlayer_lowered;
	s7 =	simm.s32 $_tile_overlayer_lowered  }
0x9c: {  	s22 =	simm.s32 $0x1BFF;
	s21 =	sshll.u32 s7, $0x1;
	s4 =	sadd.s32 s5, s19  }
0x9d: {  	s8 =	simm.s32 $0x0;
	s20 =	sshll.u32 s6, $0x1;
	s6 =	sadd.s32 s21, s4  }
0x9e: {  	[timem:s8], [sflag:s22] =	dma.local [hbm:s6], s20  }
0x9f: {  	_ =	swait.ge [sflag:s22], s20  }
0xa0: {  	s5 =	ssub.s32 $0x0, s20;
	[sflag:s22] =	ssyncset.done $0x0  }
0xa1: {  	[sflag:s22] =	ssyncadd.s32 s5;
	_ =	sdelay $0x1  }
0xa2: {  	s23 =	simm.s32 $0x1B8B  }
0xa3: {  	_ =	swait.ge [sflag:s23], $0x1  }
0xa4: {  	[sflag:s23] =	ssyncset.done $0x0  }
0xa5: {  	s25 =	simm.s32 $0x1B8E;
	s24 =	sld [smem:$0x3FFE];
	[sflag:s23] =	ssyncadd.s32 $0xFFFFFFFF  }
0xa6: {  	s26 =	simm.s32 $execute0_lowered;
	[smem:$0x3FD2] =	sst s25  }
0xa7: {  	s6 =	sshll.u32 s26, $0x1;
	_ =	strace $0x80000052;
	[dreg:$0x1] =	wrdreg $0xFFFFFFFF  }
0xa8: {  	s28 =	simm.s32 $_size_execute0_lowered;
	s4 =	sadd.s32 s4, s6;
	[dreg:$0x0] =	wrdreg $0x0  }
0xa9: {  	s6 =	sshll.u32 s28, $0x1;
	[dreg:$0x2] =	wrdreg s4  }
0xaa: {  	[dreg:$0x3] =	wrdreg s6  }
0xab: {  	[dreg:$0x4] =	wrdreg $0xC0  }
0xac: {  	_ =	task [dreg:s8], $0x5FFFF  }
0xad: {  	[dreg:$0x1] =	wrdreg $0xFFFFFFFF  }
0xae: {  	[dreg:$0x0] =	wrdreg $0x60  }
0xaf: {  	[dreg:$0x2] =	wrdreg s2  }
0xb0: {  	[dreg:$0x3] =	wrdreg s18  }
0xb1: {  	[dreg:$0x4] =	wrdreg s24  }
0xb2: {  	[dreg:$0x5] =	wrdreg $0x9  }
0xb3: {  	_ =	task.clear_ibuf [dreg:s8], $0x6FFFF;
	_ =	strace $0x90000052  }
0xb4: {  	s29 =	simm.s32 $0x9;
	_ =	strace $0x80000054  }
0xb5: {  	_ =	swait.ge [sflag:s29], $0x1  }
0xb6: {  	[sflag:s29] =	ssyncadd.s32 $0xFFFFFFFF  }
0xb7: {  	_ =	strace $0x90000054  }
0xb8: {  	_ =	sfence  }
0xb9: {  	s30 =	sld [smem:$0x0];
	_ =	sdelay $0x2  }
0xba: {  	s31 =	sshll.u32 s1, $0xD;
	s1 =	sshrl.u32 s1, $0x2  }
0xbb: {  	s3 =	sand.u32 $0x4000, s31;
	s1 =	sadd.s32 s1, s30  }
0xbc: {  	s0 =	sor.u32 s3, s0;
	s1 =	sshll.u32 s1, $0x11  }
0xbd: {  	s0 =	sor.u32 s1, s0  }
0xbe: {  	s0 =	sadd.s32 $0x8F2B, s0  }
0xbf: {  	[sflag:s0] =	ssyncadd.remote.s32 $0x1  }
0xc0: {  	_ =	sfence.sel $0xFFFF  }
0xc1: {  	[dreg:$0x0] =	wrdreg $0xFFFFFFFF;
	(pc) =	sbr.abs _section_cstart, $3  }
0xc2: {  	[dreg:$0x1] =	wrdreg $0xFFFFFFFF  }
0xc3: {  	_ =	task.clear_ibuf [dreg:s8], $0x2FFFF;
	_ =	strace $0x9FFFFFFF  }
0xc4: {  	(tm) =	ssettm $0x7FFFFFFF  }
0xc5: {  	_ =	shalt  }
tec
execute0_lowered:
.L_overlay_start_1:
0x0: {  	(tag) =	ssettag $0x1  }
0x1: {  	s1 =	rddreg [dreg:$0x0]  }
0x2: {  	s2 =	rddreg [dreg:$0x1]  }
0x3: {  	s3 =	rddreg [dreg:$0x2];
	s4 =	srdreg.scid  }
0x4: {  	s0 =	rddreg [dreg:$0x3];
	s5 =	simm.s32 $0x0;
	s10 =	simm.s32 $0x80  }
0x5: {  	s11 =	simm.s32 $0x50;
	s12 =	simm.s32 $0x100;
	s13 =	simm.s32 $0x1  }
0x6: {  	s14 =	simm.s32 $0x0;
	s16 =	simm.s32 $0x0;
	s6 =	sand.u32 $0x1, s4  }
0x7: {  	s4 =	stileid.u32;
	[smem:$0x7FF] =	sst s5;
	s7 =	ssub.s32 $0x2, s6  }
0x8: {  	s9 =	sshll.u32 s4, $0x1;
	_ =	strace $0x80000053;
	s8 =	sshrl.u32 s7, $0x1  }
0x9: {  	s31 =	sor.u32 s6, s9;
	s6 =	sadd.s32 $0x400, s3;
	s8 =	ssub.s32 s7, s8  }
0xa: {  	v0 =	vlaneseq.u32;
	s9 =	simm.s32 $0x2;
	s7 =	smul.u32 $0xA0, s31;
	s8 =	smax.u32 s8, $0x1  }
.LBB2_1:
0xb: {  	p1 =	por $0x1, $0x1;
	s15 =	simm.s32 $0x0  }
.LBB2_2:
0xc: {  	s15 =	sadd.s32 s7, s15  }
0xd: {  	s17 =	sshrl.u32 s15, $0x3  }
0xe: {  	s18 =	sadd.s32 s2, s17  }
0xf: {  	[tilespmem:s16], [sflag:$0x2] =	stream.linear.gather [hbm4b:s18+s16], $0x50, $0x38;
	[tilespmem:$0x2900] =	vst v63  }
0x10: {  	_ =	swait.ge [sflag:s9], $0x50  }
0x11: {  	[sflag:s9] =	ssyncset.done $0x0  }
0x12: {  	s17 =	sadd.s32 s3, s17;
	[sflag:s9] =	ssyncadd.s32 $0xFFFFFFB0  }
0x13: {  	[tilespmem:s10], [sflag:$0x2] =	stream.linear.gather [hbm4b:s17+s16], $0x50, $0x38;
	[tilespmem:$0x2900] =	vst v63  }
0x14: {  	_ =	swait.ge [sflag:s9], $0x50  }
0x15: {  	[sflag:s9] =	ssyncset.done $0x0  }
0x16: {  	[sflag:s9] =	ssyncadd.s32 $0xFFFFFFB0  }
0x17: {  	[tilespmem:s12], [sflag:$0x1] =	stream.indirect.gather [hbm4b:s1+s11], $0x80, s16, s11, $0xb8;
	[tilespmem:$0x2900] =	vst v63  }
0x18: {  	_ =	swait.ge [sflag:s13], $0x2800  }
0x19: {  	p0 =	por p1, p1;
	[sflag:s13] =	ssyncset.done $0x0  }
0x1a: {  	s18 =	simm.s32 $0x0;
	s17 =	simm.s32 $0x140;
	[sflag:s13] =	ssyncadd.s32 $0xFFFFD800  }
.LBB2_3:
0x1b: {  	s19 =	sshll.u32 s18, $0x4  }
0x1c: {  	v1 =	vld [tilespmem:s19+$0x80];
	_ =	sdelay $0x4  }
0x1d: {  	v1 =	vsub.f32 $0.0e+00, v1;
	_ =	sdelay $0x1  }
0x1e: {  	v1 =	vmul.f32 $1.442695020e+00, v1;
	_ =	sdelay $0x1  }
0x1f: {  	(erf) = vpow2.f32 v1;
	_ =	sdelay $0x8  }
0x20: {  	v1 =	vpop (erf)  }
0x21: {  	v1 =	vadd.f32 $1.000000000e+00, v1;
	_ =	sdelay $0x1  }
0x22: {  	(erf) = vrcp.f32 v1;
	_ =	sdelay $0x7  }
0x23: {  	v2 =	vmov s16  }
0x24: {  	vm0 =	veq.s32 v2, v0;
	v1 =	vpop (erf)  }
0x25: {  	v2 =	vnsel vm0, $0x0, v1  }
0x26: {  	(xrf2) =	vadd.scan.msk.f32 $0xffff, v2;
	_ =	sdelay $0x7  }
0x27: {  	s31 =	simm.s32 $0x1  }
0x28: {  	v3 =	vld [tilespmem:s17+$0xFFFFFFC0];
	v2 =	vmov s31  }
0x29: {  	vm14 =	veq.s32 v2, v0;
	v4, _, _ =	vpop (xrf2)  }
0x2a: {  	v5 =	vld [tilespmem:s17+$0xFFFFFFD0];
	v2 =	vbroadcast v4, $0xF;
	v4 =	vnsel vm14, $0x0, v1  }
0x2b: {  	v8 =	vld [tilespmem:s17+$0xFFFFFFE0];
	(xrf2) =	vadd.scan.msk.f32 $0xffff, v4;
	_ =	sdelay $0x1  }
0x2c: {  	v9 =	vld [tilespmem:s17+$0x0];
	v3 =	vmul.f32 v3, v2  }
0x2d: {  	v10 =	vld [tilespmem:s17+$0x10]  }
0x2e: {  	v11 =	vld [tilespmem:s17+$0x20];
	[tilespmem:s17+$0xFFFFFFC0] =	vst v3;
	v3 =	vmul.f32 v5, v2  }
0x2f: {  	v6 =	vld [tilespmem:s17+$0xFFFFFFF0];
	s19 =	sadd.s32 $0x80, s17;
	v5 =	vmul.f32 v8, v2  }
0x30: {  	s20 =	simm.s32 $0x2;
	v7 =	vld [tilespmem:s19+$0xFFFFFFC0];
	[tilespmem:s17+$0xFFFFFFD0] =	vst v3  }
0x31: {  	v8 =	vmul.f32 v9, v2;
	v4 =	vld [tilespmem:s19+$0xFFFFFFD0];
	[tilespmem:s17+$0xFFFFFFE0] =	vst v5;
	v5 =	vmov s20  }
0x32: {  	v12 =	vld [tilespmem:s17+$0x30];
	vm15 =	veq.s32 v5, v0  }
0x33: {  	v3 =	vld [tilespmem:s19+$0xFFFFFFE0];
	[tilespmem:s17+$0x0] =	vst v8;
	v8 =	vnsel vm15, $0x0, v1  }
0x34: {  	v13, _, _ =	vpop (xrf2);
	(xrf2) =	vadd.scan.msk.f32 $0xffff, v8  }
0x35: {  	v9 =	vmul.f32 v10, v2  }
0x36: {  	v10 =	vmul.f32 v11, v2  }
0x37: {  	s21 =	simm.s32 $0x3;
	s20 =	smov.u32 s17;
	v5 =	vld [tilespmem:s19+$0x0];
	[tilespmem:s17+$0x10] =	vst v9;
	v9 =	vmul.f32 v12, v2;
	v8 =	vbroadcast v13, $0xF  }
.LBB2_4:
0x38: {  	p1 =	sne.s32 s21, $0xF;
	v11 =	vld [tilespmem:s19+$0x10];
	v6 =	vmul.f32 v6, v2;
	[tilespmem:s20+$0x20] =	vst v10  }
0x39: {  	v10 =	vmov s21;
	v7 =	vmul.f32 v7, v8;
	v12 =	vld [tilespmem:s19+$0x20];
	[tilespmem:s20+$0x30] =	vst v9;
	v2 =	vmov v8  }
0x3a: {  	vm0 =	veq.s32 v10, v0;
	v4 =	vmul.f32 v4, v2;
	v9 =	vld [tilespmem:s19+$0x30];
	[tilespmem:s20+$0xFFFFFFF0] =	vst v6;
	s20 =	smov.u32 s19  }
.Ltmp0:
0x3b: {  	v8 =	vnsel vm0, $0x0, v1;
	s19 =	sadd.s32 $0x80, s19;
	[tilespmem:s20+$0xFFFFFFC0] =	vst v7;
	v3 =	vmul.f32 v3, v2;
	v6 =	vld [tilespmem:s20+$0xFFFFFFF0];
	(pc) =	sbr.rel @p1 .LBB2_4-.Ltmp0, $4  }
0x3c: {  	(xrf2) =	vadd.scan.msk.f32 $0xffff, v8;
	v7 =	vld [tilespmem:s19+$0xFFFFFFC0];
	[tilespmem:s20+$0xFFFFFFD0] =	vst v4;
	v5 =	vmul.f32 v5, v2  }
0x3d: {  	v4 =	vld [tilespmem:s19+$0xFFFFFFD0];
	[tilespmem:s20+$0xFFFFFFE0] =	vst v3;
	v11 =	vmul.f32 v11, v2  }
0x3e: {  	v3 =	vld [tilespmem:s19+$0xFFFFFFE0];
	v8, _, _ =	vpop (xrf2);
	[tilespmem:s20+$0x0] =	vst v5;
	v10 =	vmul.f32 v12, v2  }
0x3f: {  	s21 =	sadd.s32 $0x1, s21;
	v8 =	vbroadcast v8, $0xF;
	v5 =	vld [tilespmem:s19+$0x0];
	[tilespmem:s20+$0x10] =	vst v11;
	v9 =	vmul.f32 v9, v2  }
0x40: {  	v1 =	vld [tilespmem:s19+$0x10];
	_ =	sdelay $0x1  }
0x41: {  	v2 =	vmul.f32 v6, v2;
	[tilespmem:s20+$0x20] =	vst v10  }
0x42: {  	v60 =	vmul.f32 v7, v8;
	v61 =	vld [tilespmem:s19+$0x20];
	[tilespmem:s20+$0x30] =	vst v9  }
0x43: {  	[tilespmem:s20+$0xFFFFFFF0] =	vst v2;
	v2 =	vmul.f32 v4, v8;
	v9 =	vld [tilespmem:s19+$0x30]  }
0x44: {  	s21 =	sadd.s32 $0x80, s19;
	[tilespmem:s19+$0xFFFFFFC0] =	vst v60;
	v62 =	vld [tilespmem:s19+$0xFFFFFFF0];
	v3 =	vmul.f32 v3, v8;
	v1 =	vmul.f32 v1, v8  }
0x45: {  	v6 =	vld [tilespmem:s21+$0xFFFFFFC0];
	[tilespmem:s19+$0xFFFFFFD0] =	vst v2;
	v5 =	vmul.f32 v5, v8  }
0x46: {  	v2 =	vld [tilespmem:s21+$0xFFFFFFD0];
	[tilespmem:s19+$0xFFFFFFE0] =	vst v3  }
0x47: {  	v3 =	vld [tilespmem:s21+$0xFFFFFFE0];
	[tilespmem:s19+$0x0] =	vst v5  }
0x48: {  	v7 =	vmul.f32 v61, v8;
	v5 =	vld [tilespmem:s21+$0x0];
	[tilespmem:s19+$0x10] =	vst v1;
	v1, _, _ =	vpop (xrf2)  }
0x49: {  	v9 =	vmul.f32 v9, v8;
	v1 =	vbroadcast v1, $0xF  }
0x4a: {  	v10 =	vld [tilespmem:s21+$0x10];
	[tilespmem:s19+$0x20] =	vst v7;
	v4 =	vmul.f32 v62, v8  }
0x4b: {  	v7 =	vld [tilespmem:s21+$0x20];
	[tilespmem:s19+$0x30] =	vst v9;
	v6 =	vmul.f32 v6, v1  }
0x4c: {  	v63 =	vld [tilespmem:s21+$0x30];
	[tilespmem:s19+$0xFFFFFFF0] =	vst v4;
	v2 =	vmul.f32 v2, v1  }
0x4d: {  	v4 =	vld [tilespmem:s21+$0xFFFFFFF0];
	v3 =	vmul.f32 v3, v1;
	[tilespmem:s21+$0xFFFFFFC0] =	vst v6  }
0x4e: {  	s18 =	sadd.s32 $0x1, s18;
	[tilespmem:s21+$0xFFFFFFD0] =	vst v2;
	v2 =	vmul.f32 v5, v1  }
0x4f: {  	p1 =	sne.s32 s18, $0x5;
	[tilespmem:s21+$0xFFFFFFE0] =	vst v3;
	v3 =	vmul.f32 v10, v1  }
.Ltmp1:
0x50: {  	[tilespmem:s21+$0x0] =	vst v2;
	v2 =	vmul.f32 v7, v1;
	(pc) =	sbr.rel @p1 .LBB2_3-.Ltmp1, $4  }
0x51: {  	[tilespmem:s21+$0x10] =	vst v3;
	v3 =	vmul.f32 v63, v1  }
0x52: {  	v1 =	vmul.f32 v4, v1;
	[tilespmem:s21+$0x20] =	vst v2  }
0x53: {  	[tilespmem:s21+$0x30] =	vst v3  }
0x54: {  	s17 =	sadd.s32 $0x800, s17;
	[tilespmem:s21+$0xFFFFFFF0] =	vst v1  }
0x55: {  	s15 =	sshll.u32 s15, $0x4  }
.Ltmp2:
0x56: {  	s15 =	sadd.s32 s6, s15;
	(pc) =	sbr.rel @p0 .LBB2_2-.Ltmp2, $4  }
0x57: {  	[hbm4b:s15+s5] =	stream.linear.scatter [tilespmem:s12], [sflag:$0x2], $0x2800, $0x38;
	[tilespmem:$0x2900] =	vst v63  }
0x58: {  	_ =	swait.ge [sflag:s9], $0x2800  }
0x59: {  	[sflag:s9] =	ssyncset.done $0x0  }
0x5a: {  	p1 =	por $0x0, $0x0;
	s15 =	simm.s32 $0x50;
	[sflag:s9] =	ssyncadd.s32 $0xFFFFD800  }
0x5b: {  	s14 =	sadd.s32 $0x1, s14  }
0x5c: {  	p0 =	sne.s32 s14, s8  }
.Ltmp3:
0x5d: {  	_ = 	snop;
	(pc) =	sbr.rel @p0 .LBB2_1-.Ltmp3, $1  }
0x5e: {  	_ =	sdelay $0x3  }
0x5f: {  	_ =	sfence.sel $0x180000  }
0x60: {  	[bflag:$0x0] =	sbarrier.arrive $0xFFFF  }
0x61: {  	p0 =	sne.s32 s4, $0x0;
	_ =	strace $0x90000053  }
0x62: {  	s0 =	sadd.s32 @!p0 $0x100000, s0;
	[bflag:$0x2] =	sbarrier.arrive $0xFFFF  }
0x63: {  	[sflag:s0] =	ssyncadd.tile.s32 @!p0 $0x1;
	_ =	shalt  }
.Lfunc_end2:
_tile_overlayer_lowered:
.L_overlay_start_2:
0x64: {  	(tag) =	ssettag $0x2  }
0x65: {  	s0 =	rddreg [dreg:$0x0];
	s2 =	stileid.u32  }
0x66: {  	s1 =	rddreg [dreg:$0x1];
	p0 =	sne.s32 s2, $0x0  }
0x67: {  	s3 =	rddreg [dreg:$0x2];
	[bflag:$0x3] =	sbarrier.arrive $0xFFFF;
	s2 =	simm.s32 @!p0 $0x1C02  }
0x68: {  	[timem:s3], [sflag:s2] =	dma.local @!p0 [hbm:s0], s1  }
0x69: {  	s0 =	simm.s32 @!p0 $0x2  }
0x6a: {  	_ =	swait.ge @!p0 [sflag:s0], s1  }
0x6b: {  	s1 =	ssub.s32 @!p0 $0x0, s1;
	[sflag:s0] =	ssyncset.done @!p0 $0x0  }
0x6c: {  	[sflag:s0] =	ssyncadd.s32 @!p0 s1  }
0x6d: {  	[bflag:$0x3] =	sbarrier.arrive $0xFFFF  }
0x6e: {  	_ =	shalt  }

// kernel: scatter_offload_async_start.1
scs
__scs_entry_jumppad:
0x0: {  	(pc) =	sbr.rel $0x88, $3  }
0x1: {  	(tag) =	ssettag $0x0;
	lr =	simm.s32 $0x1  }
0x2: {  	[smem:$0x3F9D] =	sst lr;
	_ =	strace $0xD0000000  }
0x3: {  	_ = 	snop  }
0x4: {  	_ = 	snop  }
0x5: {  	_ = 	snop  }
0x6: {  	_ = 	snop  }
0x7: {  	_ = 	snop  }
__scs_overlays_trampoline_lowered:
0x8: {  	[smem:$0x3FAC] =	sst s0  }
0x9: {  	[smem:$0x3FAD] =	sst s1  }
0xa: {  	[smem:$0x3FAE] =	sst s2  }
0xb: {  	[smem:$0x3FAF] =	sst s3  }
0xc: {  	[smem:$0x3FB0] =	sst s4  }
0xd: {  	[smem:$0x3FB1] =	sst s5  }
0xe: {  	[smem:$0x3FB2] =	sst s6  }
0xf: {  	[smem:$0x3FB3] =	sst s7  }
0x10: {  	[smem:$0x3FB4] =	sst s8  }
0x11: {  	[smem:$0x3FB5] =	sst s9;
	s0 =	simm.s32 @!p0 $0x0  }
0x12: {  	s1 =	sld [smem:$0x3F9B];
	s0 =	simm.s32 @p0 $0x1  }
0x13: {  	[smem:$0x3FB6] =	sst s0;
	s0 =	simm.s32 @!p1 $0x0  }
0x14: {  	s2 =	sld [smem:$0x3F9A];
	s0 =	simm.s32 @p1 $0x1  }
0x15: {  	[smem:$0x3FB7] =	sst s0;
	s0 =	simm.s32 @!p2 $0x0  }
0x16: {  	s3 =	sld [smem:$0x3FDB];
	s0 =	simm.s32 @p2 $0x1  }
0x17: {  	s4 =	simm.s32 $0x1BF5;
	[smem:$0x3FB9] =	sst s0  }
0x18: {  	s0 =	sld [smem:$0x3F9C];
	_ =	swait.ge [sflag:s4], $0x0  }
0x19: {  	s7 =	sld [smem:$0x3F9D]  }
0x1a: {  	s8 =	sadd.s32 $0xFFFFE003, lr  }
0x1b: {  	s9 =	sadd.s32 $0xFFFFFEF7, lr;
	s5 =	simm.s32 $0xFFFFFFFF;
	p2 =	slt.u32 s8, $0xFFFFF086  }
0x1c: {  	p1 =	slt.u32 s9, $0xF7A;
	s5 =	simm.s32 @!p2 $0x0  }
0x1d: {  	s5 =	simm.s32 @p1 $0x1;
	p0 =	seq.s32 s7, s2  }
0x1e: {  	s7 =	smul.u32 @!p0 $0xF7A, s2;
	p2 =	seq.s32 @!p0 s5, $0x0  }
0x1f: {  	s9 =	smul.u32 $0xF7A, s1;
	s8 =	simm.s32 @!p0 $0x1BF5;
	p2 =	por !p2, p0  }
0x20: {  	[sflag:s8] =	ssyncset.s32 @!p0 $0xFFFFF086;
	s6 =	sadd.s32 @!p0 s3, s7;
	s7 =	simm.s32 @!p0 $0x108  }
0x21: {  	s3 =	sadd.s32 s3, s9;
	s6 =	sadd.s32 @!p0 $0x88, s6;
	s7 =	simm.s32 @p2 $0x1082  }
0x22: {  	[simem:s7], [sflag:s8] =	dma.local @!p0 [hbm:s6], $0xF7A  }
0x23: {  	s9 =	sor.u32 $0xD0000000, s2;
	s6 =	simm.s32 $0x108;
	_ =	swait.ge @!p0 [sflag:s8], $0x0  }
0x24: {  	s3 =	sadd.s32 $0x88, s3;
	s6 =	simm.s32 @!p1 $0x1082;
	[sflag:s4] =	ssyncset.s32 $0xFFFFF086  }
0x25: {  	[simem:s6], [sflag:s4] =	dma.local [hbm:s3], $0xF7A  }
0x26: {  	[smem:$0x3F9D] =	sst s1;
	(tag) =	ssettag s2;
	_ =	strace s9  }
0x27: {  	s1 =	sld [smem:$0x3FAD]  }
0x28: {  	s2 =	sld [smem:$0x3FAE]  }
0x29: {  	s4 =	sld [smem:$0x3FB0]  }
0x2a: {  	p0 =	seq.s32 s5, $0x0;
	s5 =	sld [smem:$0x3FB1]  }
0x2b: {  	s6 =	sld [smem:$0x3FB2]  }
0x2c: {  	s7 =	sld [smem:$0x3FB3]  }
0x2d: {  	s3 =	simm.s32 $0x108;
	s8 =	sld [smem:$0x3FB4]  }
0x2e: {  	s3 =	simm.s32 @!p0 $0x1082;
	s9 =	sld [smem:$0x3FB5]  }
0x2f: {  	lr =	sadd.s32 s0, s3;
	s0 =	sld [smem:$0x3FAC]  }
0x30: {  	s3 =	sld [smem:$0x3FAF]  }
0x31: {  	[smem:$0x3FB8] =	sst s10  }
0x32: {  	s10 =	sld [smem:$0x3FB6];
	_ =	sdelay $0x3  }
0x33: {  	p0 =	seq.s32 s10, $0x1;
	s10 =	sld [smem:$0x3FB8];
	_ =	sdelay $0x3  }
0x34: {  	[smem:$0x3FB8] =	sst s10  }
0x35: {  	s10 =	sld [smem:$0x3FB7];
	_ =	sdelay $0x3  }
0x36: {  	p1 =	seq.s32 s10, $0x1;
	s10 =	sld [smem:$0x3FB8];
	_ =	sdelay $0x3  }
0x37: {  	[smem:$0x3FB8] =	sst s10  }
0x38: {  	s10 =	sld [smem:$0x3FB9]  }
0x39: {  	_ = 	snop;
	(pc) =	sbr.ind lr, $3  }
0x3a: {  	_ = 	snop  }
0x3b: {  	_ = 	snop  }
0x3c: {  	p2 =	seq.s32 s10, $0x1;
	s10 =	sld [smem:$0x3FB8]  }
0x3d: {  	_ =	shalt  }
0x3e: {  	_ =	shalt  }
0x3f: {  	_ =	shalt  }
0x40: {  	_ =	shalt  }
0x41: {  	_ =	shalt  }
0x42: {  	_ =	shalt  }
0x43: {  	_ =	shalt  }
0x44: {  	_ =	shalt  }
0x45: {  	_ =	shalt  }
0x46: {  	_ =	shalt  }
0x47: {  	_ =	shalt  }
0x48: {  	_ =	shalt  }
0x49: {  	_ =	shalt  }
0x4a: {  	_ =	shalt  }
0x4b: {  	_ =	shalt  }
0x4c: {  	_ =	shalt  }
0x4d: {  	_ =	shalt  }
0x4e: {  	_ =	shalt  }
0x4f: {  	_ =	shalt  }
0x50: {  	_ =	shalt  }
0x51: {  	_ =	shalt  }
0x52: {  	_ =	shalt  }
0x53: {  	_ =	shalt  }
0x54: {  	_ =	shalt  }
0x55: {  	_ =	shalt  }
0x56: {  	_ =	shalt  }
0x57: {  	_ =	shalt  }
0x58: {  	_ =	shalt  }
0x59: {  	_ =	shalt  }
0x5a: {  	_ =	shalt  }
0x5b: {  	_ =	shalt  }
0x5c: {  	_ =	shalt  }
0x5d: {  	_ =	shalt  }
0x5e: {  	_ =	shalt  }
0x5f: {  	_ =	shalt  }
0x60: {  	_ =	shalt  }
0x61: {  	_ =	shalt  }
0x62: {  	_ =	shalt  }
0x63: {  	_ =	shalt  }
0x64: {  	_ =	shalt  }
0x65: {  	_ =	shalt  }
0x66: {  	_ =	shalt  }
0x67: {  	_ =	shalt  }
0x68: {  	_ =	shalt  }
0x69: {  	_ =	shalt  }
0x6a: {  	_ =	shalt  }
0x6b: {  	_ =	shalt  }
0x6c: {  	_ =	shalt  }
0x6d: {  	_ =	shalt  }
0x6e: {  	_ =	shalt  }
0x6f: {  	_ =	shalt  }
0x70: {  	_ =	shalt  }
0x71: {  	_ =	shalt  }
0x72: {  	_ =	shalt  }
0x73: {  	_ =	shalt  }
0x74: {  	_ =	shalt  }
0x75: {  	_ =	shalt  }
0x76: {  	_ =	shalt  }
0x77: {  	_ =	shalt  }
0x78: {  	_ =	shalt  }
0x79: {  	_ =	shalt  }
0x7a: {  	_ =	shalt  }
0x7b: {  	_ =	shalt  }
0x7c: {  	_ =	shalt  }
0x7d: {  	_ =	shalt  }
0x7e: {  	_ =	shalt  }
0x7f: {  	_ =	shalt  }
0x80: {  	_ =	shalt  }
0x81: {  	_ =	shalt  }
0x82: {  	_ =	shalt  }
0x83: {  	_ =	shalt  }
0x84: {  	_ =	shalt  }
0x85: {  	_ =	shalt  }
0x86: {  	_ =	shalt  }
0x87: {  	_ =	shalt  }
.Lfunc_end0:
.L_simem_size_0:
called_computation.1_lowered:
.L_overlay_start_0:
0x88: {  	s0 =	sld [smem:$0x3FD9]  }
0x89: {  	s1 =	sld [smem:$0x3FFE];
	_ =	sdelay $0x3  }
0x8a: {  	s0 =	sadd.s32 s1, s0  }
0x8b: {  	[smem:$0x3FC4] =	sst s0  }
0x8c: {  	_ = 	snop  }
0x8d: {  	(tm) =	ssettm $0x1  }
0x8e: {  	s15 =	sld [smem:$0x3FFB];
	_ =	sdelay $0x3  }
0x8f: {  	_ =	strace s15  }
0x90: {  	s0 =	sld [smem:$0x3FFC];
	_ =	sdelay $0x3  }
0x91: {  	_ =	strace s0  }
0x92: {  	s0 =	sld [smem:$0x3FFD];
	_ =	sdelay $0x3  }
0x93: {  	_ =	strace s0  }
0x94: {  	_ =	strace $0x8FFFFFFF  }
0x95: {  	s16 =	sld [smem:$0x3FDB];
	_ =	sdelay $0x1  }
0x96: {  	s17 =	simm.s32 $_scs_section_size  }
0x97: {  	s2 =	simm.s32 $_size__tile_overlayer_lowered;
	s3 =	simm.s32 $_tile_overlayer_lowered  }
0x98: {  	s20 =	simm.s32 $0x1BFF;
	s19 =	sshll.u32 s3, $0x1;
	s0 =	sadd.s32 s17, s16  }
0x99: {  	s4 =	simm.s32 $0x0;
	s18 =	sshll.u32 s2, $0x1;
	s2 =	sadd.s32 s19, s0  }
0x9a: {  	[timem:s4], [sflag:s20] =	dma.local [hbm:s2], s18  }
0x9b: {  	_ =	swait.ge [sflag:s20], s18  }
0x9c: {  	s1 =	ssub.s32 $0x0, s18;
	[sflag:s20] =	ssyncset.done $0x0  }
0x9d: {  	[sflag:s20] =	ssyncadd.s32 s1;
	_ =	sdelay $0x1  }
0x9e: {  	s21 =	simm.s32 $0x1B8B  }
0x9f: {  	_ =	swait.ge [sflag:s21], $0x1  }
0xa0: {  	[sflag:s21] =	ssyncset.done $0x0  }
0xa1: {  	s23 =	simm.s32 $0x1B8E;
	s22 =	sld [smem:$0x3FFE];
	[sflag:s21] =	ssyncadd.s32 $0xFFFFFFFF  }
0xa2: {  	s24 =	simm.s32 $execute0_lowered;
	[smem:$0x3FD2] =	sst s23  }
0xa3: {  	s2 =	sshll.u32 s24, $0x1;
	_ =	strace $0x80000049;
	[dreg:$0x1] =	wrdreg $0xFFFFFFFF  }
0xa4: {  	s25 =	simm.s32 $_size_execute0_lowered;
	s0 =	sadd.s32 s0, s2;
	[dreg:$0x0] =	wrdreg $0x0  }
0xa5: {  	s2 =	sshll.u32 s25, $0x1;
	[dreg:$0x2] =	wrdreg s0  }
0xa6: {  	[dreg:$0x3] =	wrdreg s2  }
0xa7: {  	[dreg:$0x4] =	wrdreg $0xC0  }
0xa8: {  	_ =	task [dreg:s4], $0x5FFFF  }
0xa9: {  	[dreg:$0x1] =	wrdreg $0xFFFFFFFF  }
0xaa: {  	[dreg:$0x0] =	wrdreg $0x60  }
0xab: {  	[dreg:$0x2] =	wrdreg s22  }
0xac: {  	[dreg:$0x3] =	wrdreg $0x9  }
0xad: {  	_ =	task.clear_ibuf [dreg:s4], $0x4FFFF;
	_ =	strace $0x90000049  }
0xae: {  	s26 =	simm.s32 $0x9;
	_ =	strace $0x8000004B  }
0xaf: {  	_ =	swait.ge [sflag:s26], $0x1  }
0xb0: {  	[sflag:s26] =	ssyncadd.s32 $0xFFFFFFFF  }
0xb1: {  	_ =	strace $0x9000004B  }
0xb2: {  	_ =	sfence  }
0xb3: {  	s28 =	sld [smem:$0x0];
	_ =	sdelay $0x1  }
0xb4: {  	s29 =	srdreg.scid  }
0xb5: {  	s30 =	sshll.u32 s29, $0xD;
	s31 =	sshrl.u32 s29, $0x2  }
0xb6: {  	s1 =	sand.u32 $0x1, s29;
	s2 =	sand.u32 $0x4000, s30;
	s0 =	sadd.s32 s31, s28  }
0xb7: {  	s1 =	sor.u32 s2, s1;
	s0 =	sshll.u32 s0, $0x11  }
0xb8: {  	s0 =	sor.u32 s0, s1  }
0xb9: {  	s0 =	sadd.s32 $0x8F2B, s0  }
0xba: {  	[sflag:s0] =	ssyncadd.remote.s32 $0x1  }
0xbb: {  	_ =	sfence.sel $0xFFFF  }
0xbc: {  	[dreg:$0x0] =	wrdreg $0xFFFFFFFF;
	(pc) =	sbr.abs _section_cstart, $3  }
0xbd: {  	[dreg:$0x1] =	wrdreg $0xFFFFFFFF  }
0xbe: {  	_ =	task.clear_ibuf [dreg:s4], $0x2FFFF;
	_ =	strace $0x9FFFFFFF  }
0xbf: {  	(tm) =	ssettm $0x7FFFFFFF  }
tec
execute0_lowered:
.L_overlay_start_1:
0x0: {  	(tag) =	ssettag $0x1  }
0x1: {  	s7 =	rddreg [dreg:$0x0]  }
0x2: {  	s0 =	rddreg [dreg:$0x1];
	_ =	strace $0x8000004A  }
0x3: {  	s3 =	stileid.u32;
	s4 =	simm.s32 $0x3E;
	s1 =	sadd.s32 $0x1EC00, s7  }
0x4: {  	p0 =	sne.s32 s3, $0x0;
	[sflag:s4] =	ssyncpa.u1 $0x0;
	s29 =	smul.u32 $0x3, s3  }
0x5: {  	s30 =	smin.u32 s3, $0x7;
	s2 =	simm.s32 @!p0 $0x1C3E;
	s5 =	simm.s32 @!p0 $0x0  }
0x6: {  	[spmem:s5], [sflag:s2] =	dma.local @!p0 [hbm:s1], $0x500  }
0x7: {  	s2 =	sadd.s32 s30, s29  }
0x8: {  	p1 =	slt.u32 s3, $0x7;
	s3 =	simm.s32 $0x5DC0;
	s2 =	smul.u32 $0x1770, s2  }
0x9: {  	s3 =	simm.s32 @!p1 $0x4650  }
0xa: {  	s3 =	sadd.s32 s3, s2  }
0xb: {  	s3 =	smin.u32 s3, $0x50910  }
0xc: {  	s8 =	ssub.s32 s3, s2  }
0xd: {  	p1 =	sgt.s32 s8, $0x0  }
0xe: {  	s8 =	simm.s32 @!p1 $0x0  }
0xf: {  	s5 =	simm.s32 @!p0 $0x3E;
	s31 =	smulhi.u32 $0x57619F1, s8  }
0x10: {  	_ =	swait.ge @!p0 [sflag:s5], $0x500  }
0x11: {  	s6 =	simm.s32 $0x2;
	[sflag:s5] =	ssyncset.done @!p0 $0x0;
	s9 =	sshrl.u32 s31, $0x7  }
0x12: {  	s11 =	simm.s32 $0x0;
	[sflag:s5] =	ssyncadd.s32 @!p0 $0xFFFFFB00;
	s10 =	smul.u32 $0x1770, s9  }
.Ltmp0:
0x13: {  	s5 =	sadd.s32 $0xA200, s7;
	[bflag:$0x0] =	sbarrier.arrive $0xFFFF;
	(pc) =	sbr.rel .LBB2_1-.Ltmp0, $4  }
0x14: {  	s7 =	sadd.s32 $0x14A00, s7;
	[sflag:s4] =	ssyncpa.u1 $0x1;
	s4 =	simm.s32 $0x1  }
0x15: {  	[sflag:s4] =	ssyncpa.u1 $0x0;
	p1 =	sne.s32 s8, s10;
	s8 =	simm.s32 $0x1  }
0x16: {  	(ifvalue) =	ssetifvalue $0x2800;
	[sflag:s6] =	ssyncpa.u1 $0x0;
	s8 =	simm.s32 @!p1 $0x0  }
0x17: {  	vm0 =	vmmov $0xffff;
	s10 =	smov.u32 s2;
	s8 =	sadd.s32 s8, s9;
	s9 =	simm.s32 $0x0  }
.LBB2_5:
0x18: {  	p2 =	sne.s32 s11, s8  }
.Ltmp1:
0x19: {  	_ = 	snop;
	(pc) =	sbr.rel @!p2 .LBB2_6-.Ltmp1, $4  }
0x1a: {  	_ = 	snop  }
0x1b: {  	s12 =	sadd.s32 $0x1770, s10  }
0x1c: {  	s10 =	smov.u32 s2;
	s13 =	sadd.s32 $0x1, s11;
	p1 =	slt.s32 s12, s3  }
0x1d: {  	s11 =	smov.u32 s13;
	s10 =	smov.u32 @p1 s12  }
.LBB2_1:
0x1e: {  	p1 =	sge.u32 s11, s8  }
0x1f: {  	s12 =	sxor.u32 @!p1 $0xFFFFFFFF, s11  }
0x20: {  	s12 =	sand.u32 @!p1 $0x1, s12  }
0x21: {  	s12 =	smul.u32 @!p1 $0x1770, s12  }
0x22: {  	s13 =	sshrl.u32 @!p1 s10, $0x3  }
0x23: {  	s16 =	sand.u32 @!p1 $0x7, s10;
	s14 =	sadd.s32 @!p1 s5, s13;
	s15 =	sadd.s32 @!p1 $0x280, s12  }
0x24: {  	[tilespmem:s15], [sflag:$0x2] =	stream.linear.gather @!p1 [hbm4b:s14+s16], $0x1770, $0x38;
	[tilespmem:$0x6040] =	vst v63  }
0x25: {  	s13 =	sadd.s32 @!p1 s7, s13;
	s12 =	sadd.s32 @!p1 $0x3160, s12  }
0x26: {  	[tilespmem:s12], [sflag:$0x2] =	stream.linear.gather @!p1 [hbm4b:s13+s16], $0x1770, $0x38;
	[tilespmem:$0x6040] =	vst v63  }
0x27: {  	p1 =	seq.s32 s11, $0x0  }
.Ltmp2:
0x28: {  	_ = 	snop;
	(pc) =	sbr.rel @p1 .LBB2_5-.Ltmp2, $1  }
0x29: {  	_ =	sdelay $0x3  }
0x2a: {  	s12 =	sand.u32 $0x1, s11  }
0x2b: {  	_ =	swait.ge [sflag:s6], $0x2EE0;
	p1 =	seq.s32 s12, $0x1;
	s12 =	simm.s32 $0x1770  }
0x2c: {  	[sflag:s6] =	ssyncset.done $0x0;
	s12 =	simm.s32 @!p1 $0x0  }
0x2d: {  	[sflag:s6] =	ssyncadd.s32 $0xFFFFD120;
	s14 =	sadd.s32 $0x280, s12  }
0x2e: {  	v0 =	vld.msk [tilespmem:s14+$0x0 ss:$0x1], $0xffff;
	_ =	sdelay $0x4  }
0x2f: {  	v0 =	vmin.u32 v0, $0x2800;
	_ =	sdelay $0x3  }
0x30: {  	s13 =	simm.s32 $0x0;
	s12 =	sadd.s32 $0x3160, s12;
	s14 =	sadd.s32 $0x10, s14  }
0x31: {  	[spmem:s9] =	stream.indirect_vreg.scatter.add.s32 [tilespmem:s12], [sflag:$0x1], $0x1, v0, vm0, $0x4038;
	[tilespmem:$0x6040] =	vst v63  }
.LBB2_3:
0x32: {  	v0 =	vld.msk [tilespmem:s14+$0x0 ss:$0x1], $0xffff;
	s13 =	sadd.s32 $0x10, s13  }
0x33: {  	p1 =	slt.u32 s13, $0x1760;
	_ =	sdelay $0x4  }
0x34: {  	v0 =	vmin.u32 v0, $0x2800  }
.Ltmp3:
0x35: {  	(pc) =	sbr.rel @p1 .LBB2_3-.Ltmp3, $3  }
0x36: {  	_ =	sdelay $0x1  }
0x37: {  	s14 =	sadd.s32 $0x10, s14;
	s12 =	sadd.s32 $0x10, s12  }
0x38: {  	[spmem:s9] =	stream.indirect_vreg.scatter.add.s32 [tilespmem:s12], [sflag:$0x1], $0x1, v0, vm0, $0x4038;
	[tilespmem:$0x6040] =	vst v63  }
.Ltmp4:
0x39: {  	(pc) =	sbr.rel .LBB2_5-.Ltmp4, $4  }
0x3a: {  	_ = 	snop  }
0x3b: {  	_ =	swait.ge [sflag:s4], $0x1770  }
0x3c: {  	[sflag:s4] =	ssyncset.done $0x0  }
0x3d: {  	[sflag:s4] =	ssyncadd.s32 $0xFFFFE890  }
.LBB2_6:
0x3e: {  	_ =	sfence.sel $0x180000  }
0x3f: {  	s2 =	simm.s32 $0x2;
	[bflag:$0x0] =	sbarrier.arrive $0xFFFF  }
0x40: {  	s30 =	simm.s32 $0x1;
	[sflag:s2] =	ssyncpa.u1 $0x1  }
0x41: {  	[sflag:s30] =	ssyncpa.u1 $0x1  }
0x42: {  	_ =	sfence.stream.spmem  }
0x43: {  	s31 =	simm.s32 $0x3D;
	[bflag:$0x0] =	sbarrier.arrive $0xFFFF  }
0x44: {  	s2 =	simm.s32 @p0 $0x3D;
	[sflag:s31] =	ssyncpa.u1 $0x0  }
0x45: {  	[sflag:s2] =	ssyncpa.u1 @p0 $0x1  }
0x46: {  	[bflag:$0x0] =	sbarrier.arrive @p0 $0xFFFF  }
0x47: {  	_ =	strace @p0 $0x9000004A  }
0x48: {  	s3 =	simm.s32 @!p0 $0x1C3D;
	s2 =	simm.s32 @!p0 $0x0;
	[bflag:$0x2] =	sbarrier.arrive @p0 $0xFFFF  }
0x49: {  	[hbm:s1], [sflag:s3] =	dma.local @!p0 [spmem:s2], $0x500  }
0x4a: {  	s1 =	simm.s32 @!p0 $0x3D  }
0x4b: {  	_ =	swait.ge @!p0 [sflag:s1], $0x500  }
0x4c: {  	[sflag:s1] =	ssyncset.done @!p0 $0x0  }
0x4d: {  	[sflag:s1] =	ssyncadd.s32 @!p0 $0xFFFFFB00  }
0x4e: {  	[sflag:s1] =	ssyncpa.u1 @!p0 $0x1  }
0x4f: {  	[bflag:$0x0] =	sbarrier.arrive @!p0 $0xFFFF  }
0x50: {  	_ =	strace @!p0 $0x9000004A  }
0x51: {  	s0 =	sadd.s32 @!p0 $0x100000, s0;
	[bflag:$0x2] =	sbarrier.arrive @!p0 $0xFFFF  }
0x52: {  	[sflag:s0] =	ssyncadd.tile.s32 @!p0 $0x1;
	_ =	shalt  }
.Lfunc_end2:
_tile_overlayer_lowered:
.L_overlay_start_2:
0x53: {  	(tag) =	ssettag $0x2  }
0x54: {  	s0 =	rddreg [dreg:$0x0];
	s2 =	stileid.u32  }
0x55: {  	s1 =	rddreg [dreg:$0x1];
	p0 =	sne.s32 s2, $0x0  }
0x56: {  	s3 =	rddreg [dreg:$0x2];
	[bflag:$0x3] =	sbarrier.arrive $0xFFFF;
	s2 =	simm.s32 @!p0 $0x1C01  }
0x57: {  	[timem:s3], [sflag:s2] =	dma.local @!p0 [hbm:s0], s1  }
0x58: {  	s0 =	simm.s32 @!p0 $0x1  }
0x59: {  	_ =	swait.ge @!p0 [sflag:s0], s1  }
0x5a: {  	s1 =	ssub.s32 @!p0 $0x0, s1;
	[sflag:s0] =	ssyncset.done @!p0 $0x0  }
0x5b: {  	[sflag:s0] =	ssyncadd.s32 @!p0 s1  }
0x5c: {  	[bflag:$0x3] =	sbarrier.arrive $0xFFFF  }
0x5d: {  	_ =	shalt  }

// kernel: scatter_offload_async_start
scs
__scs_entry_jumppad:
0x0: {  	(pc) =	sbr.rel $0x88, $3  }
0x1: {  	(tag) =	ssettag $0x0;
	lr =	simm.s32 $0x1  }
0x2: {  	[smem:$0x3F9D] =	sst lr;
	_ =	strace $0xD0000000  }
0x3: {  	_ = 	snop  }
0x4: {  	_ = 	snop  }
0x5: {  	_ = 	snop  }
0x6: {  	_ = 	snop  }
0x7: {  	_ = 	snop  }
__scs_overlays_trampoline_lowered:
0x8: {  	[smem:$0x3FAC] =	sst s0  }
0x9: {  	[smem:$0x3FAD] =	sst s1  }
0xa: {  	[smem:$0x3FAE] =	sst s2  }
0xb: {  	[smem:$0x3FAF] =	sst s3  }
0xc: {  	[smem:$0x3FB0] =	sst s4  }
0xd: {  	[smem:$0x3FB1] =	sst s5  }
0xe: {  	[smem:$0x3FB2] =	sst s6  }
0xf: {  	[smem:$0x3FB3] =	sst s7  }
0x10: {  	[smem:$0x3FB4] =	sst s8  }
0x11: {  	[smem:$0x3FB5] =	sst s9;
	s0 =	simm.s32 @!p0 $0x0  }
0x12: {  	s1 =	sld [smem:$0x3F9B];
	s0 =	simm.s32 @p0 $0x1  }
0x13: {  	[smem:$0x3FB6] =	sst s0;
	s0 =	simm.s32 @!p1 $0x0  }
0x14: {  	s2 =	sld [smem:$0x3F9A];
	s0 =	simm.s32 @p1 $0x1  }
0x15: {  	[smem:$0x3FB7] =	sst s0;
	s0 =	simm.s32 @!p2 $0x0  }
0x16: {  	s3 =	sld [smem:$0x3FDB];
	s0 =	simm.s32 @p2 $0x1  }
0x17: {  	s4 =	simm.s32 $0x1BF5;
	[smem:$0x3FB9] =	sst s0  }
0x18: {  	s0 =	sld [smem:$0x3F9C];
	_ =	swait.ge [sflag:s4], $0x0  }
0x19: {  	s7 =	sld [smem:$0x3F9D]  }
0x1a: {  	s8 =	sadd.s32 $0xFFFFE003, lr  }
0x1b: {  	s9 =	sadd.s32 $0xFFFFFEF7, lr;
	s5 =	simm.s32 $0xFFFFFFFF;
	p2 =	slt.u32 s8, $0xFFFFF086  }
0x1c: {  	p1 =	slt.u32 s9, $0xF7A;
	s5 =	simm.s32 @!p2 $0x0  }
0x1d: {  	s5 =	simm.s32 @p1 $0x1;
	p0 =	seq.s32 s7, s2  }
0x1e: {  	s7 =	smul.u32 @!p0 $0xF7A, s2;
	p2 =	seq.s32 @!p0 s5, $0x0  }
0x1f: {  	s9 =	smul.u32 $0xF7A, s1;
	s8 =	simm.s32 @!p0 $0x1BF5;
	p2 =	por !p2, p0  }
0x20: {  	[sflag:s8] =	ssyncset.s32 @!p0 $0xFFFFF086;
	s6 =	sadd.s32 @!p0 s3, s7;
	s7 =	simm.s32 @!p0 $0x108  }
0x21: {  	s3 =	sadd.s32 s3, s9;
	s6 =	sadd.s32 @!p0 $0x88, s6;
	s7 =	simm.s32 @p2 $0x1082  }
0x22: {  	[simem:s7], [sflag:s8] =	dma.local @!p0 [hbm:s6], $0xF7A  }
0x23: {  	s9 =	sor.u32 $0xD0000000, s2;
	s6 =	simm.s32 $0x108;
	_ =	swait.ge @!p0 [sflag:s8], $0x0  }
0x24: {  	s3 =	sadd.s32 $0x88, s3;
	s6 =	simm.s32 @!p1 $0x1082;
	[sflag:s4] =	ssyncset.s32 $0xFFFFF086  }
0x25: {  	[simem:s6], [sflag:s4] =	dma.local [hbm:s3], $0xF7A  }
0x26: {  	[smem:$0x3F9D] =	sst s1;
	(tag) =	ssettag s2;
	_ =	strace s9  }
0x27: {  	s1 =	sld [smem:$0x3FAD]  }
0x28: {  	s2 =	sld [smem:$0x3FAE]  }
0x29: {  	s4 =	sld [smem:$0x3FB0]  }
0x2a: {  	p0 =	seq.s32 s5, $0x0;
	s5 =	sld [smem:$0x3FB1]  }
0x2b: {  	s6 =	sld [smem:$0x3FB2]  }
0x2c: {  	s7 =	sld [smem:$0x3FB3]  }
0x2d: {  	s3 =	simm.s32 $0x108;
	s8 =	sld [smem:$0x3FB4]  }
0x2e: {  	s3 =	simm.s32 @!p0 $0x1082;
	s9 =	sld [smem:$0x3FB5]  }
0x2f: {  	lr =	sadd.s32 s0, s3;
	s0 =	sld [smem:$0x3FAC]  }
0x30: {  	s3 =	sld [smem:$0x3FAF]  }
0x31: {  	[smem:$0x3FB8] =	sst s10  }
0x32: {  	s10 =	sld [smem:$0x3FB6];
	_ =	sdelay $0x3  }
0x33: {  	p0 =	seq.s32 s10, $0x1;
	s10 =	sld [smem:$0x3FB8];
	_ =	sdelay $0x3  }
0x34: {  	[smem:$0x3FB8] =	sst s10  }
0x35: {  	s10 =	sld [smem:$0x3FB7];
	_ =	sdelay $0x3  }
0x36: {  	p1 =	seq.s32 s10, $0x1;
	s10 =	sld [smem:$0x3FB8];
	_ =	sdelay $0x3  }
0x37: {  	[smem:$0x3FB8] =	sst s10  }
0x38: {  	s10 =	sld [smem:$0x3FB9]  }
0x39: {  	_ = 	snop;
	(pc) =	sbr.ind lr, $3  }
0x3a: {  	_ = 	snop  }
0x3b: {  	_ = 	snop  }
0x3c: {  	p2 =	seq.s32 s10, $0x1;
	s10 =	sld [smem:$0x3FB8]  }
0x3d: {  	_ =	shalt  }
0x3e: {  	_ =	shalt  }
0x3f: {  	_ =	shalt  }
0x40: {  	_ =	shalt  }
0x41: {  	_ =	shalt  }
0x42: {  	_ =	shalt  }
0x43: {  	_ =	shalt  }
0x44: {  	_ =	shalt  }
0x45: {  	_ =	shalt  }
0x46: {  	_ =	shalt  }
0x47: {  	_ =	shalt  }
0x48: {  	_ =	shalt  }
0x49: {  	_ =	shalt  }
0x4a: {  	_ =	shalt  }
0x4b: {  	_ =	shalt  }
0x4c: {  	_ =	shalt  }
0x4d: {  	_ =	shalt  }
0x4e: {  	_ =	shalt  }
0x4f: {  	_ =	shalt  }
0x50: {  	_ =	shalt  }
0x51: {  	_ =	shalt  }
0x52: {  	_ =	shalt  }
0x53: {  	_ =	shalt  }
0x54: {  	_ =	shalt  }
0x55: {  	_ =	shalt  }
0x56: {  	_ =	shalt  }
0x57: {  	_ =	shalt  }
0x58: {  	_ =	shalt  }
0x59: {  	_ =	shalt  }
0x5a: {  	_ =	shalt  }
0x5b: {  	_ =	shalt  }
0x5c: {  	_ =	shalt  }
0x5d: {  	_ =	shalt  }
0x5e: {  	_ =	shalt  }
0x5f: {  	_ =	shalt  }
0x60: {  	_ =	shalt  }
0x61: {  	_ =	shalt  }
0x62: {  	_ =	shalt  }
0x63: {  	_ =	shalt  }
0x64: {  	_ =	shalt  }
0x65: {  	_ =	shalt  }
0x66: {  	_ =	shalt  }
0x67: {  	_ =	shalt  }
0x68: {  	_ =	shalt  }
0x69: {  	_ =	shalt  }
0x6a: {  	_ =	shalt  }
0x6b: {  	_ =	shalt  }
0x6c: {  	_ =	shalt  }
0x6d: {  	_ =	shalt  }
0x6e: {  	_ =	shalt  }
0x6f: {  	_ =	shalt  }
0x70: {  	_ =	shalt  }
0x71: {  	_ =	shalt  }
0x72: {  	_ =	shalt  }
0x73: {  	_ =	shalt  }
0x74: {  	_ =	shalt  }
0x75: {  	_ =	shalt  }
0x76: {  	_ =	shalt  }
0x77: {  	_ =	shalt  }
0x78: {  	_ =	shalt  }
0x79: {  	_ =	shalt  }
0x7a: {  	_ =	shalt  }
0x7b: {  	_ =	shalt  }
0x7c: {  	_ =	shalt  }
0x7d: {  	_ =	shalt  }
0x7e: {  	_ =	shalt  }
0x7f: {  	_ =	shalt  }
0x80: {  	_ =	shalt  }
0x81: {  	_ =	shalt  }
0x82: {  	_ =	shalt  }
0x83: {  	_ =	shalt  }
0x84: {  	_ =	shalt  }
0x85: {  	_ =	shalt  }
0x86: {  	_ =	shalt  }
0x87: {  	_ =	shalt  }
.Lfunc_end0:
.L_simem_size_0:
called_computation_lowered:
.L_overlay_start_0:
0x88: {  	s0 =	sld [smem:$0x3FD9]  }
0x89: {  	s1 =	sld [smem:$0x3FFE];
	_ =	sdelay $0x3  }
0x8a: {  	s0 =	sadd.s32 s1, s0  }
0x8b: {  	[smem:$0x3FC4] =	sst s0  }
0x8c: {  	_ = 	snop  }
0x8d: {  	(tm) =	ssettm $0x1  }
0x8e: {  	s15 =	sld [smem:$0x3FFB];
	_ =	sdelay $0x3  }
0x8f: {  	_ =	strace s15  }
0x90: {  	s0 =	sld [smem:$0x3FFC];
	_ =	sdelay $0x3  }
0x91: {  	_ =	strace s0  }
0x92: {  	s0 =	sld [smem:$0x3FFD];
	_ =	sdelay $0x3  }
0x93: {  	_ =	strace s0  }
0x94: {  	_ =	strace $0x8FFFFFFF  }
0x95: {  	s16 =	sld [smem:$0x3FDB];
	_ =	sdelay $0x1  }
0x96: {  	s17 =	simm.s32 $_scs_section_size  }
0x97: {  	s2 =	simm.s32 $_size__tile_overlayer_lowered;
	s3 =	simm.s32 $_tile_overlayer_lowered  }
0x98: {  	s20 =	simm.s32 $0x1BFF;
	s19 =	sshll.u32 s3, $0x1;
	s0 =	sadd.s32 s17, s16  }
0x99: {  	s4 =	simm.s32 $0x0;
	s18 =	sshll.u32 s2, $0x1;
	s2 =	sadd.s32 s19, s0  }
0x9a: {  	[timem:s4], [sflag:s20] =	dma.local [hbm:s2], s18  }
0x9b: {  	_ =	swait.ge [sflag:s20], s18  }
0x9c: {  	s1 =	ssub.s32 $0x0, s18;
	[sflag:s20] =	ssyncset.done $0x0  }
0x9d: {  	[sflag:s20] =	ssyncadd.s32 s1;
	_ =	sdelay $0x1  }
0x9e: {  	s21 =	simm.s32 $0x1B8B  }
0x9f: {  	_ =	swait.ge [sflag:s21], $0x1  }
0xa0: {  	[sflag:s21] =	ssyncset.done $0x0  }
0xa1: {  	s23 =	simm.s32 $0x1B8E;
	s22 =	sld [smem:$0x3FFE];
	[sflag:s21] =	ssyncadd.s32 $0xFFFFFFFF  }
0xa2: {  	s24 =	simm.s32 $execute0_lowered;
	[smem:$0x3FD2] =	sst s23  }
0xa3: {  	s2 =	sshll.u32 s24, $0x1;
	_ =	strace $0x80000046;
	[dreg:$0x1] =	wrdreg $0xFFFFFFFF  }
0xa4: {  	s25 =	simm.s32 $_size_execute0_lowered;
	s0 =	sadd.s32 s0, s2;
	[dreg:$0x0] =	wrdreg $0x0  }
0xa5: {  	s2 =	sshll.u32 s25, $0x1;
	[dreg:$0x2] =	wrdreg s0  }
0xa6: {  	[dreg:$0x3] =	wrdreg s2  }
0xa7: {  	[dreg:$0x4] =	wrdreg $0xC0  }
0xa8: {  	_ =	task [dreg:s4], $0x5FFFF  }
0xa9: {  	[dreg:$0x1] =	wrdreg $0xFFFFFFFF  }
0xaa: {  	[dreg:$0x0] =	wrdreg $0x60  }
0xab: {  	[dreg:$0x2] =	wrdreg s22  }
0xac: {  	[dreg:$0x3] =	wrdreg $0x9  }
0xad: {  	_ =	task.clear_ibuf [dreg:s4], $0x4FFFF;
	_ =	strace $0x90000046  }
0xae: {  	s26 =	simm.s32 $0x9;
	_ =	strace $0x80000048  }
0xaf: {  	_ =	swait.ge [sflag:s26], $0x1  }
0xb0: {  	[sflag:s26] =	ssyncadd.s32 $0xFFFFFFFF  }
0xb1: {  	_ =	strace $0x90000048  }
0xb2: {  	_ =	sfence  }
0xb3: {  	s28 =	sld [smem:$0x0];
	_ =	sdelay $0x1  }
0xb4: {  	s29 =	srdreg.scid  }
0xb5: {  	s30 =	sshll.u32 s29, $0xD;
	s31 =	sshrl.u32 s29, $0x2  }
0xb6: {  	s1 =	sand.u32 $0x1, s29;
	s2 =	sand.u32 $0x4000, s30;
	s0 =	sadd.s32 s31, s28  }
0xb7: {  	s1 =	sor.u32 s2, s1;
	s0 =	sshll.u32 s0, $0x11  }
0xb8: {  	s0 =	sor.u32 s0, s1  }
0xb9: {  	s0 =	sadd.s32 $0x8F2B, s0  }
0xba: {  	[sflag:s0] =	ssyncadd.remote.s32 $0x1  }
0xbb: {  	_ =	sfence.sel $0xFFFF  }
0xbc: {  	[dreg:$0x0] =	wrdreg $0xFFFFFFFF;
	(pc) =	sbr.abs _section_cstart, $3  }
0xbd: {  	[dreg:$0x1] =	wrdreg $0xFFFFFFFF  }
0xbe: {  	_ =	task.clear_ibuf [dreg:s4], $0x2FFFF;
	_ =	strace $0x9FFFFFFF  }
0xbf: {  	(tm) =	ssettm $0x7FFFFFFF  }
tec
execute0_lowered:
.L_overlay_start_1:
0x0: {  	(tag) =	ssettag $0x1  }
0x1: {  	s0 =	rddreg [dreg:$0x0]  }
0x2: {  	s6 =	stileid.u32;
	_ =	strace $0x80000047;
	s2 =	simm.s32 $0x1  }
0x3: {  	v1 =	vimm.s32 $0xFFFFFFFF;
	s1 =	smul.u32 $0x3, s6;
	[sflag:s2] =	ssyncpa.u1 $0x0  }
0x4: {  	s3 =	smin.u32 s6, $0x7;
	[tilespmem:$0x10] =	vst v1  }
0x5: {  	v0 =	vimm.f32 $0.0e+00;
	[tilespmem:$0x20] =	vst v1;
	s1 =	sadd.s32 s3, s1  }
0x6: {  	p0 =	slt.u32 s6, $0x7;
	[tilespmem:$0x30] =	vst v0;
	s3 =	smul.u32 $0x1770, s1;
	s1 =	simm.s32 $0x5DC0  }
0x7: {  	[tilespmem:$0x40] =	vst v0;
	s1 =	simm.s32 @!p0 $0x4650  }
0x8: {  	[tilespmem:$0x50] =	vst v0;
	s1 =	sadd.s32 s1, s3  }
0x9: {  	[tilespmem:$0x60] =	vst v1;
	s4 =	smin.u32 s1, $0x50910  }
0xa: {  	s7 =	simm.s32 $0x2;
	[tilespmem:$0x70] =	vst v1;
	s9 =	ssub.s32 s4, s3  }
0xb: {  	s8 =	simm.s32 $0x8;
	s31 =	simm.s32 $0x9;
	[tilespmem:$0x80] =	vst v1;
	p0 =	sgt.s32 s9, $0x0  }
0xc: {  	s16 =	simm.s32 $0x0;
	s17 =	simm.s32 $0xF0;
	v1 =	vimm.s32 $0x0;
	[tilespmem:$0xB0] =	vst v0;
	s9 =	simm.s32 @!p0 $0x0  }
0xd: {  	s18 =	simm.s32 $0xFFFFFFFF;
	s19 =	simm.s32 $0xFFFFD220;
	[tilespmem:$0x90] =	vst v1;
	s5 =	smulhi.u32 $0x57619F1, s9  }
0xe: {  	s20 =	simm.s32 $0xFFFFFFFE;
	[tilespmem:$0xA0] =	vst v1;
	[sflag:s7] =	ssyncpa.u1 $0x0;
	s7 =	simm.s32 $0x7  }
0xf: {  	s21 =	simm.s32 $0xF;
	[sflag:s7] =	ssyncpa.u1 $0x0;
	s10 =	sshrl.u32 s5, $0x7  }
0x10: {  	s25 =	simm.s32 $0x0;
	[sflag:s8] =	ssyncpa.u1 $0x0;
	s11 =	smul.u32 $0x1770, s10  }
0x11: {  	s24 =	simm.s32 $0x0;
	s14 =	sshllo.u32 s6, $0x1;
	[sflag:s31] =	ssyncpa.u1 $0x0  }
.Ltmp0:
0x12: {  	s1 =	sadd.s32 $0x28800, s0;
	p0 =	sne.s32 s9, s11;
	(pc) =	sbr.rel .LBB2_1-.Ltmp0, $4  }
0x13: {  	s5 =	sadd.s32 $0x14400, s0;
	s0 =	sadd.s32 $0x1E600, s0;
	s2 =	simm.s32 @!p0 $0x0  }
0x14: {  	s23 =	smov.u32 s3;
	[dreg:$0x2] =	wrdreg s0;
	s9 =	sadd.s32 s2, s10  }
0x15: {  	vm0 =	vmmov $0xffff;
	v2 =	vlaneseq.u32;
	p0 =	por $0x0, $0x0;
	s10 =	sshll.u32 s6, $0x1;
	s11 =	sadd.s32 $0x1, s9  }
0x16: {  	vm1 =	vmxor vm1, vm1;
	vm2 =	vmmov $0x1;
	vm3 =	vcmask $0x3F3C;
	s12 =	sadd.s32 $0x2, s9;
	s13 =	sor.u32 $0x81, s10;
	s15 =	sor.u32 $0x80, s10  }
.LBB2_9:
0x17: {  	p1 =	slt.u32 s24, $0x3  }
0x18: {  	s0 =	simm.s32 @!p1 $0x2  }
0x19: {  	_ =	swait.ge @!p1 [sflag:s0], $0x1770  }
0x1a: {  	[sflag:s0] =	ssyncset.done @!p1 $0x0  }
0x1b: {  	[sflag:s0] =	ssyncadd.s32 @!p1 $0xFFFFE890;
	s0 =	simm.s32 @!p1 $0x9  }
0x1c: {  	_ =	swait.ge @!p1 [sflag:s0], $0x10  }
0x1d: {  	[sflag:s0] =	ssyncset.done @!p1 $0x0  }
0x1e: {  	[sflag:s0] =	ssyncadd.s32 @!p1 $0xFFFFFFF0;
	p1 =	sne.s32 s24, s12  }
.Ltmp1:
0x1f: {  	s2 =	sadd.s32 $0x1770, s23;
	(pc) =	sbr.rel @!p1 .LBB2_10-.Ltmp1, $4  }
0x20: {  	s6 =	smov.u32 s3;
	s31 =	sadd.s32 $0x1, s24;
	s17 =	sadd.s32 $0x1770, s17  }
0x21: {  	s18 =	sadd.s32 $0x1, s18;
	s25 =	smov.u32 s23;
	p2 =	slt.s32 s2, s4  }
0x22: {  	p0 =	por !p0, !p0;
	s19 =	sadd.s32 $0x1770, s19;
	s6 =	smov.u32 @p2 s2  }
0x23: {  	s20 =	sadd.s32 $0x1, s20;
	s23 =	smov.u32 s6;
	s24 =	smov.u32 s31  }
.LBB2_1:
0x24: {  	p1 =	sge.u32 s24, s9  }
0x25: {  	s0 =	smulhi.u32 @!p1 $0xAAAAAAAB, s24;
	_ =	sdelay $0x1  }
0x26: {  	s0 =	sshrl.u32 @!p1 s0, $0x1  }
0x27: {  	s0 =	smul.u32 @!p1 $0x3, s0;
	_ =	sdelay $0x1  }
0x28: {  	s0 =	ssub.s32 @!p1 s24, s0  }
0x29: {  	s0 =	smul.u32 @!p1 $0x5DC0, s0;
	_ =	sdelay $0x1  }
0x2a: {  	s2 =	sshrl.u32 @!p1 s23, $0x3;
	s0 =	sshrl.u32 @!p1 s0, $0x2  }
0x2b: {  	s22 =	sand.u32 @!p1 $0x7, s23;
	s2 =	sadd.s32 @!p1 s5, s2;
	s0 =	sadd.s32 @!p1 $0x100, s0  }
0x2c: {  	[tilespmem:s0], [sflag:$0x7] =	stream.linear.gather @!p1 [hbm4b:s2+s22], $0x1770, $0x38;
	[tilespmem:$0xD410] =	vst v63  }
0x2d: {  	s0 =	sadd.s32 $0xFFFFFFFF, s24  }
0x2e: {  	p1 =	sge.u32 s0, s9  }
.Ltmp2:
0x2f: {  	_ = 	snop;
	(pc) =	sbr.rel @p1 .LBB2_5-.Ltmp2, $1  }
0x30: {  	_ =	sdelay $0x3  }
0x31: {  	s2 =	smulhi.u32 $0xAAAAAAAB, s0;
	_ =	sdelay $0x1  }
0x32: {  	s2 =	sshrl.u32 s2, $0x1  }
0x33: {  	s2 =	smul.u32 $0x3, s2;
	_ =	sdelay $0x1  }
0x34: {  	s2 =	ssub.s32 s0, s2  }
0x35: {  	s2 =	smul.u32 $0x5DC0, s2  }
0x36: {  	_ =	swait.ge [sflag:s7], $0x1770  }
0x37: {  	[sflag:s7] =	ssyncset.done $0x0;
	s2 =	sshrl.u32 s2, $0x2  }
0x38: {  	[sflag:s7] =	ssyncadd.s32 $0xFFFFE890;
	(ifvalue) =	ssetifvalue $0xFFFFFFFF;
	v3 =	vld.msk [tilespmem:s2+$0x100 ss:$0x1], $0xffff;
	_ =	sdelay $0x2  }
0x39: {  	s30 =	smulhi.u32 $0xAAAAAAAB, s18;
	p1 =	sne.s32 s24, $0x1  }
0x3a: {  	v4 =	vimm.s32 @!p1 $0x0  }
0x3b: {  	s2 =	sshrl.u32 s30, $0x1;
	v4 =	vperm.xlane @!p1 v3, v4  }
0x3c: {  	s22 =	sshll.u32 s24, $0x4;
	s2 =	smul.u32 $0xFFFEE6C0, s2;
	vm4 =	vlt.u32 v3, $0x2800  }
0x3d: {  	s22 =	sand.u32 $0x10, s22;
	v3 =	vnsel vm4, $0xFFFFFFFE, v3;
	vm4 =	vlt.u32 @!p1 v4, $0x2800  }
0x3e: {  	s2 =	sshra.s32 s2, $0x2;
	[tilespmem:s22+$0x60] =	vst v3;
	v3 =	vnsel @!p1 vm4, $0xFFFFFFFE, v4  }
0x3f: {  	s28 =	sadd.s32 s2, s17;
	[tilespmem:$0x80] =	vst @!p1 v3  }
0x40: {  	v3 =	vld.msk [tilespmem:s28+$0x0 ss:$0x1], $0xffff;
	_ =	sdelay $0x4  }
0x41: {  	(xrf1) =	vunique.msk.u32 $0xffff, v3;
	_ =	sdelay $0xd  }
0x42: {  	v4 =	vimm.s32 $0xFFFFFFFF;
	v5, _, _ =	vpop (xrf1)  }
0x43: {  	vm5 =	vne.s32 v3, v4;
	vm4 =	veq.s32 v5, v2  }
0x44: {  	vm6 =	vlt.u32 v3, $0x2800;
	vm4 =	vmand vm5, vm4  }
0x45: {  	vm4 =	vmand vm6, vm4  }
0x46: {  	v4 =	vnsel vm4, $0xFFFFFFFF, v3  }
0x47: {  	s31 =	sand.u32 $0x1, s0  }
0x48: {  	s0 =	simm.s32 $0x1770;
	p1 =	seq.s32 s31, $0x1  }
0x49: {  	s0 =	simm.s32 @!p1 $0x0  }
0x4a: {  	s26 =	sadd.s32 $0x5EB0, s0;
	(ifvalue) =	ssetifvalue $0xFFFFFFFF  }
0x4b: {  	v3 =	vperm.xlane v3, v1;
	[tilespmem:s26], [sflag:$0x8] =	stream.indirect_vreg.gather [hbm4b:s1+s16], $0x1, v4, vm0, $0x4038;
	v4 =	vnsel vm6, $0xFFFFFFFE, v4;
	[tilespmem:$0xD410] =	vst v63  }
0x4c: {  	s2 =	simm.s32 $0x0;
	s22 =	sadd.s32 $0xFFFFFFF0, s28;
	[tilespmem:s28+$0x0] =	vst v4  }
.LBB2_3:
0x4d: {  	v4 =	vld.msk [tilespmem:s22+$0x0 ss:$0x1], $0xffff;
	s2 =	sadd.s32 $0x10, s2;
	v5 =	vmov v3;
	s28 =	smov.u32 s22  }
0x4e: {  	p1 =	slt.u32 s2, $0x1760;
	_ =	sdelay $0x4  }
0x4f: {  	v3 =	vperm.xlane v4, v1;
	(xrf1) =	vunique.msk.u32 $0xffff, v4;
	_ =	sdelay $0xd  }
0x50: {  	v6, _, _ =	vpop (xrf1)  }
0x51: {  	vm5 =	vne.s32 v4, v5;
	vm4 =	veq.s32 v6, v2  }
0x52: {  	vm6 =	vlt.u32 v4, $0x2800;
	vm4 =	vmand vm5, vm4  }
0x53: {  	vm4 =	vmand vm6, vm4  }
0x54: {  	v4 =	vnsel vm4, $0xFFFFFFFF, v4  }
.Ltmp3:
0x55: {  	v5 =	vnsel vm6, $0xFFFFFFFE, v4;
	(pc) =	sbr.rel @p1 .LBB2_3-.Ltmp3, $3  }
0x56: {  	_ =	sdelay $0x1  }
0x57: {  	s22 =	sadd.s32 $0xFFFFFFF0, s22;
	s26 =	sadd.s32 $0xFFFFFFF0, s26;
	(ifvalue) =	ssetifvalue $0xFFFFFFFF  }
0x58: {  	[tilespmem:s26], [sflag:$0x8] =	stream.indirect_vreg.gather [hbm4b:s1+s16], $0x1, v4, vm0, $0x4038;
	[tilespmem:s28+$0x0] =	vst v5  }
0x59: {  	s2 =	sshrl.u32 s25, $0x3;
	s6 =	rddreg [dreg:$0x2]  }
0x5a: {  	s0 =	sadd.s32 $0x7630, s0;
	s2 =	sadd.s32 s6, s2  }
0x5b: {  	[tilespmem:s0], [sflag:$0x8] =	stream.linear.gather [hbm:s2], $0x1770, $0x38;
	[tilespmem:$0xD410] =	vst v63  }
.LBB2_5:
0x5c: {  	p1 =	slt.u32 s24, $0x2  }
0x5d: {  	p2 =	sge.u32 @!p1 s24, s12  }
0x5e: {  	p1 =	por p1, p2  }
.Ltmp4:
0x5f: {  	_ = 	snop;
	(pc) =	sbr.rel @p1 .LBB2_9-.Ltmp4, $1  }
0x60: {  	_ =	sdelay $0x3  }
0x61: {  	s0 =	sadd.s32 $0xFFFFFFFE, s24  }
0x62: {  	s2 =	smulhi.u32 $0xAAAAAAAB, s0;
	_ =	sdelay $0x1  }
0x63: {  	s2 =	sshrl.u32 s2, $0x1  }
0x64: {  	s2 =	smul.u32 $0x3, s2;
	_ =	sdelay $0x1  }
0x65: {  	s0 =	ssub.s32 s0, s2  }
0x66: {  	_ =	swait.ge [sflag:s8], $0x2EE0;
	s0 =	smul.u32 $0x1770, s0  }
0x67: {  	p1 =	sne.s32 s24, s11;
	[sflag:s8] =	ssyncset.done $0x0  }
0x68: {  	[sflag:s8] =	ssyncadd.s32 $0xFFFFD120;
	s2 =	sadd.s32 @!p1 $0x186F, s0  }
0x69: {  	[spmem:s13] =	stream.linear.scatter @!p1 [tilespmem:s2], [sflag:$0x1], $0x1, $0x38;
	[tilespmem:$0xD410] =	vst v63  }
0x6a: {  	s2 =	simm.s32 @!p1 $0x1  }
0x6b: {  	_ =	swait.ge @!p1 [sflag:s2], $0x1  }
0x6c: {  	s22 =	sshll.u32 s24, $0x4;
	[sflag:s2] =	ssyncset.done @!p1 $0x0  }
0x6d: {  	s25 =	sand.u32 $0x10, s22;
	[sflag:s2] =	ssyncadd.s32 @!p1 $0xFFFFFFFF  }
0x6e: {  	s2 =	sxor.u32 $0x10, s25;
	v4 =	vld [tilespmem:s25+$0x10]  }
0x6f: {  	v5 =	vld [tilespmem:s2+$0x60]  }
0x70: {  	v3 =	vld [tilespmem:$0x80];
	_ =	sdelay $0x2  }
0x71: {  	(v2sf) =	vpush v4, $0x0  }
0x72: {  	(v2sf) =	vpush v5, $0x0  }
0x73: {  	(v2sf) =	vpush v3, $0x0;
	_ =	sdelay $0xc  }
0x74: {  	s6 =	spop (v2sf)  }
0x75: {  	s28 =	spop (v2sf)  }
0x76: {  	s26 =	spop (v2sf)  }
0x77: {  	p2 =	seq.s32 s6, s28;
	p3 =	seq.s32 s26, s6  }
0x78: {  	p3 =	por p2, p3  }
0x79: {  	s6 =	sand.u32 $0x1, s24;
	v4 =	vpsel p3, $0xFFFFFFFF, v4  }
0x7a: {  	s28 =	smul.u32 $0x1770, s6;
	[tilespmem:s25+$0x10] =	vst.msk $0x1, v4  }
0x7b: {  	v4 =	vld [tilespmem:$0x30]  }
0x7c: {  	v5 =	vld [tilespmem:s28+$0x7630]  }
0x7d: {  	v6 =	vld [tilespmem:s25+$0x40];
	_ =	sdelay $0x3  }
0x7e: {  	vm4 =	vmmov vm1;
	v5 =	vadd.f32 v5, v4  }
0x7f: {  	vm5 =	vmmov vm2;
	vm4 =	vmmov @p2 vm2;
	v4 =	vadd.f32 v6, v4  }
0x80: {  	s22 =	sshll.u32 s6, $0x4;
	vm5 =	vmmov @p3 vm1;
	[tilespmem:s28+$0x7630] =	vst.msk vm4, v5  }
0x81: {  	[tilespmem:s22+$0xD3F0] =	vst.msk vm5, v4  }
0x82: {  	v4 =	vld [tilespmem:s28+$0x5EB0];
	_ =	sdelay $0x3  }
0x83: {  	v5 =	vimm.f32 $0.0e+00  }
0x84: {  	v4 =	vshift.insert v4, v5, s21  }
0x85: {  	s29 =	sor.u32 $0x40, s2  }
0x86: {  	[tilespmem:s29+$0x0] =	vst.msk $0x1, v4  }
0x87: {  	[tilespmem:s28+$0x5EBF] =	vst.msk $0x1, v5  }
0x88: {  	v4 =	vld [tilespmem:s0+$0x1860];
	_ =	sdelay $0x1  }
0x89: {  	s29 =	smulhi.u32 $0xAAAAAAAB, s20;
	s0 =	simm.s32 $0x1  }
0x8a: {  	s0 =	simm.s32 @!p0 $0x0  }
0x8b: {  	s29 =	sshrl.u32 s29, $0x1;
	s0 =	smul.u32 $0x5DC0, s0  }
0x8c: {  	s29 =	smul.u32 $0xFFFEE6C0, s29;
	v4 =	vshift.insert v4, v1, s21  }
0x8d: {  	s0 =	sshrl.u32 s0, $0x2  }
0x8e: {  	s29 =	sshra.s32 s29, $0x2;
	s30 =	sadd.s32 $0x7630, s0;
	[tilespmem:s2+$0x10] =	vst.msk $0x1, v4  }
0x8f: {  	s6 =	sadd.s32 s29, s19;
	v6 =	vld [tilespmem:s30+$0x0]  }
0x90: {  	v7 =	vld [tilespmem:s6+$0x0];
	_ =	sdelay $0x3  }
0x91: {  	v5 =	vadd.f32 v6, v5  }
0x92: {  	vm4 =	vne.s32 v7, $0xFFFFFFFF  }
0x93: {  	(xrf2) =	vadd.seg.scan.f32 vm4, v5;
	_ =	sdelay $0x3  }
0x94: {  	s31 =	sadd.s32 $0x4750, s0;
	v5 =	vperm.xlane v4, v1  }
0x95: {  	v6 =	vld [tilespmem:s31+$0x0]  }
0x96: {  	vm5 =	veq.s32 v7, v3;
	vm6 =	veq.s32 v7, v5  }
0x97: {  	vm7 =	vgt.u32 v7, $0xFFFFFFFD;
	vm6 =	vmor vm6, vm5  }
0x98: {  	vm6 =	vmor vm6, vm7  }
0x99: {  	v9 =	vld [tilespmem:$0xA0];
	v7 =	vsel vm6, $0xFFFFFFFF, v7  }
0x9a: {  	v10 =	vld [tilespmem:$0x90];
	v6 =	vsel vm5, $0x0, v6;
	v8, _, _ =	vpop (xrf2)  }
0x9b: {  	v6 =	vadd.f32 v8, v6  }
0x9c: {  	s0 =	sadd.s32 $0xA510, s0  }
0x9d: {  	vm4 =	vmand vm4, vm3;
	[tilespmem:s0+$0x0] =	vst v6;
	(ifvalue) =	ssetifvalue $0xFFFFFFFF  }
0x9e: {  	vm6 =	veq.s32 v9, $0x1;
	[hbm4b:s1+s16] =	stream.indirect_vreg.scatter [tilespmem:s0], [sflag:$0x2], $0x1, v7, vm0, $0x4038;
	v7 =	vsel vm4, $0x0, v8;
	[tilespmem:$0xD410] =	vst v63  }
0x9f: {  	s29 =	sadd.s32 $0xD3F0, s22;
	s22 =	sadd.s32 $0x10, s6;
	s2 =	simm.s32 $0x0;
	vm4 =	vmor vm6, vm5;
	v6 =	vsel vm5, v8, v10;
	v7 =	vshift.insert v7, v0, s21  }
.LBB2_7:
0xa0: {  	v8 =	vld [tilespmem:s22+$0x0];
	s30 =	sadd.s32 $0x10, s30  }
0xa1: {  	s31 =	sadd.s32 $0x10, s31;
	v9 =	vld [tilespmem:s30+$0x0]  }
0xa2: {  	s2 =	sadd.s32 $0x10, s2;
	v10 =	vld [tilespmem:s31+$0x0]  }
0xa3: {  	p2 =	slt.u32 s2, $0x1760;
	_ =	sdelay $0x2  }
0xa4: {  	v7 =	vadd.f32 v9, v7  }
0xa5: {  	vm5 =	vne.s32 v8, $0xFFFFFFFF  }
0xa6: {  	vm6 =	vmand vm5, vm3;
	(xrf2) =	vadd.seg.scan.f32 vm5, v7;
	_ =	sdelay $0x5  }
0xa7: {  	vm7 =	veq.s32 v8, v5;
	vm5 =	veq.s32 v8, v3  }
0xa8: {  	vm8 =	vgt.u32 v8, $0xFFFFFFFD;
	vm4 =	vmor vm4, vm5;
	vm7 =	vmor vm7, vm5  }
0xa9: {  	vm7 =	vmor vm7, vm8  }
0xaa: {  	v8 =	vsel vm7, $0xFFFFFFFF, v8  }
.Ltmp5:
0xab: {  	v7 =	vsel vm5, $0x0, v10;
	v9, _, _ =	vpop (xrf2);
	(pc) =	sbr.rel @p2 .LBB2_7-.Ltmp5, $4  }
0xac: {  	v6 =	vsel vm5, v9, v6;
	v10 =	vadd.f32 v9, v7;
	v7 =	vsel vm6, $0x0, v9  }
0xad: {  	s0 =	sadd.s32 $0x10, s0;
	v7 =	vshift.insert v7, v0, s21  }
0xae: {  	s22 =	sadd.s32 $0x10, s22;
	[tilespmem:s0+$0x0] =	vst v10;
	(ifvalue) =	ssetifvalue $0xFFFFFFFF  }
0xaf: {  	[hbm4b:s1+s16] =	stream.indirect_vreg.scatter [tilespmem:s0], [sflag:$0x2], $0x1, v8, vm0, $0x4038;
	[tilespmem:$0xD410] =	vst v63  }
0xb0: {  	v3 =	vld [tilespmem:s28+$0xBC70];
	_ =	sdelay $0x4  }
0xb1: {  	v3 =	vshift.insert v3, v0, s21  }
0xb2: {  	s0 =	simm.s32 $0x30  }
0xb3: {  	[tilespmem:s0+$0x0] =	vst.msk $0x1, v3  }
0xb4: {  	v3 =	vsel vm4, $0x1, v1;
	[tilespmem:$0x90] =	vst v6  }
0xb5: {  	s0 =	sadd.s32 @!p1 $0xBC7F, s28;
	[tilespmem:$0xA0] =	vst v3  }
0xb6: {  	[spmem:s14] =	stream.linear.scatter @!p1 [tilespmem:s0], [sflag:$0x1], $0x1, $0x38;
	[tilespmem:$0xD410] =	vst v63  }
0xb7: {  	s0 =	simm.s32 @!p1 $0x1  }
0xb8: {  	v3 =	vmctz.xlane @!p1 vm4;
	_ =	swait.ge @!p1 [sflag:s0], $0x1  }
0xb9: {  	(v2sf) =	vpush @!p1 v4, $0x0  }
0xba: {  	(v2sf) =	vpush @!p1 v3, $0x0;
	_ =	sdelay $0xd  }
0xbb: {  	s2 =	spop @!p1 (v2sf)  }
0xbc: {  	s6 =	spop @!p1 (v2sf)  }
0xbd: {  	p2 =	sne.s32 @!p1 s26, s2;
	p3 =	slt.s32 @!p1 s6, $0xF  }
0xbe: {  	[sflag:s0] =	ssyncset.done @!p1 $0x0;
	p2 =	por p2, p1;
	p3 =	por !p3, p1  }
0xbf: {  	[sflag:s0] =	ssyncadd.s32 @!p1 $0xFFFFFFFF;
	v3 =	vimm.s32 @!p2 $0xFFFFFFFF;
	s6 =	simm.s32 @p3 $0xF  }
0xc0: {  	[tilespmem:$0x80] =	vst @!p2 v3;
	s2 =	sadd.s32 @!p1 $0x90, s6  }
0xc1: {  	[spmem:s10] =	stream.linear.scatter @!p1 [tilespmem:s2], [sflag:$0x1], $0x1, $0x38;
	[tilespmem:$0xD410] =	vst v63  }
0xc2: {  	_ =	swait.ge @!p1 [sflag:s0], $0x1  }
0xc3: {  	[sflag:s0] =	ssyncset.done @!p1 $0x0  }
0xc4: {  	s2 =	simm.s32 @!p1 $0x80;
	[sflag:s0] =	ssyncadd.s32 @!p1 $0xFFFFFFFF  }
0xc5: {  	[spmem:s15] =	stream.linear.scatter @!p1 [tilespmem:s2], [sflag:$0x1], $0x1, $0x38;
	[tilespmem:$0xD410] =	vst v63  }
0xc6: {  	_ =	swait.ge @!p1 [sflag:s0], $0x1  }
0xc7: {  	[sflag:s0] =	ssyncset.done @!p1 $0x0  }
0xc8: {  	[sflag:s0] =	ssyncadd.s32 @!p1 $0xFFFFFFFF;
	(ifvalue) =	ssetifvalue $0xFFFFFFFF;
	v3 =	vld [tilespmem:s25+$0x10];
	_ =	sdelay $0x3  }
.Ltmp6:
0xc9: {  	_ = 	snop;
	(pc) =	sbr.rel .LBB2_9-.Ltmp6, $3  }
0xca: {  	_ =	sdelay $0x1  }
0xcb: {  	(ifvalue) =	ssetifvalue $0xFFFFFFFF  }
0xcc: {  	[hbm4b:s1+s16] =	stream.indirect_vreg.scatter [tilespmem:s29], [sflag:$0x9], $0x1, v3, vm0, $0x4038;
	[tilespmem:$0xD410] =	vst v63  }
.LBB2_10:
0xcd: {  	_ =	sfence.sel $0x180000  }
0xce: {  	s0 =	simm.s32 $0x7;
	[bflag:$0x0] =	sbarrier.arrive $0xFFFF  }
0xcf: {  	s26 =	simm.s32 $0x8;
	[sflag:s0] =	ssyncpa.u1 $0x1  }
0xd0: {  	s28 =	simm.s32 $0x9;
	[sflag:s26] =	ssyncpa.u1 $0x1  }
0xd1: {  	[sflag:s28] =	ssyncpa.u1 $0x1  }
0xd2: {  	_ =	sfence.stream.spmem  }
0xd3: {  	s29 =	simm.s32 $0x3;
	[bflag:$0x0] =	sbarrier.arrive $0xFFFF  }
0xd4: {  	s30 =	simm.s32 $0x4;
	[sflag:s29] =	ssyncpa.u1 $0x1  }
0xd5: {  	s31 =	simm.s32 $0x3C;
	s2 =	stileid.u32;
	[sflag:s30] =	ssyncpa.u1 $0x1  }
0xd6: {  	p0 =	sne.s32 s2, $0x0;
	[sflag:s31] =	ssyncpa.u1 $0x1  }
0xd7: {  	s0 =	simm.s32 @p0 $0x1;
	_ =	sfence @p0  }
0xd8: {  	[sflag:s0] =	ssyncpa.u1 @p0 $0x1;
	s0 =	simm.s32 @p0 $0x2  }
0xd9: {  	[sflag:s0] =	ssyncpa.u1 @p0 $0x1  }
0xda: {  	_ =	strace @p0 $0x90000047  }
0xdb: {  	[bflag:$0x2] =	sbarrier.arrive @p0 $0xFFFF  }
0xdc: {  	_ =	shalt @p0  }
.LBB2_11:
0xdd: {  	_ =	sfence.stream.spmem;
	s0 =	simm.s32 $0x5  }
0xde: {  	s2 =	simm.s32 $0x80;
	s3 =	simm.s32 $0xC0;
	[sflag:s0] =	ssyncpa.u1 $0x0  }
0xdf: {  	[tilespmem:s3], [sflag:$0x5] =	stream.linear.gather [spmem:s2], $0x20, $0x38;
	[tilespmem:$0xD410] =	vst v63  }
0xe0: {  	s2 =	simm.s32 $0x0;
	s3 =	simm.s32 $0xE0  }
0xe1: {  	[tilespmem:s3], [sflag:$0x5] =	stream.linear.gather [spmem:s2], $0x20, $0x38;
	[tilespmem:$0xD410] =	vst v63  }
.Ltmp7:
0xe2: {  	_ = 	snop;
	(pc) =	sbr.rel .LBB2_12-.Ltmp7, $4  }
0xe3: {  	_ =	swait.ge [sflag:s0], $0x40  }
0xe4: {  	[sflag:s0] =	ssyncset.done $0x0  }
0xe5: {  	s31 =	simm.s32 $0x6;
	[sflag:s0] =	ssyncadd.s32 $0xFFFFFFC0  }
0xe6: {  	s4 =	simm.s32 $0x0;
	[sflag:s31] =	ssyncpa.u1 $0x0  }
.LBB2_17:
0xe7: {  	p0 =	sgt.u32 s5, $0x27FF  }
0xe8: {  	s0 =	sshrl.u32 @!p0 s5, $0x3  }
0xe9: {  	s5 =	sand.u32 @!p0 $0x7, s5;
	s6 =	simm.s32 @!p0 $0xB0;
	s0 =	sadd.s32 @!p0 s1, s0  }
0xea: {  	[tilespmem:s6], [sflag:$0x6] =	stream.linear.gather @!p0 [hbm4b:s0+s5], $0x1, $0x38;
	[tilespmem:$0xD410] =	vst v63  }
0xeb: {  	s0 =	simm.s32 @!p0 $0x6  }
0xec: {  	_ =	swait.ge @!p0 [sflag:s0], $0x1  }
0xed: {  	[sflag:s0] =	ssyncset.done @!p0 $0x0  }
0xee: {  	[sflag:s0] =	ssyncadd.s32 @!p0 $0xFFFFFFFF  }
0xef: {  	v2 =	vmov @!p0 s4;
	v1 =	vld.msk @!p0 [tilespmem:$0xB0], $0x1;
	_ =	sdelay $0x3  }
0xf0: {  	s0 =	simm.s32 @!p0 $0xE0  }
0xf1: {  	[tilespmem:v2+s0+$0x0], v1 =	vst.idx.ret.add.f32.msk @!p0 $0x1, v1  }
0xf2: {  	[tilespmem:s2+$0xC0] =	vst.msk $0x1, v0  }
0xf3: {  	v0 =	vld.msk [tilespmem:s4+$0xE0], $0x1;
	_ =	sdelay $0x4  }
0xf4: {  	[tilespmem:s2+$0xE0] =	vst.msk $0x1, v0;
	s2 =	sadd.s32 $0x1, s2  }
.LBB2_19:
0xf5: {  	s4 =	sadd.s32 $0x1, s4  }
0xf6: {  	p0 =	sne.s32 s4, $0x20  }
.Ltmp8:
0xf7: {  	_ = 	snop;
	(pc) =	sbr.rel @!p0 .LBB2_20-.Ltmp8, $1  }
0xf8: {  	_ =	sdelay $0x3  }
.LBB2_12:
0xf9: {  	v0 =	vld.msk [tilespmem:s4+$0xC0], $0x1;
	_ =	sdelay $0x4  }
0xfa: {  	(v2sf) =	vpush v0, $0x0;
	_ =	sdelay $0xe  }
0xfb: {  	s5 =	spop (v2sf)  }
0xfc: {  	p0 =	seq.s32 s5, $0xFFFFFFFF  }
.Ltmp9:
0xfd: {  	_ = 	snop;
	(pc) =	sbr.rel @p0 .LBB2_19-.Ltmp9, $1  }
0xfe: {  	_ =	sdelay $0x3  }
0xff: {  	p0 =	slt.s32 s2, $0x1  }
.Ltmp10:
0x100: {  	_ = 	snop;
	(pc) =	sbr.rel @p0 .LBB2_17-.Ltmp10, $1  }
0x101: {  	_ =	sdelay $0x3  }
0x102: {  	s0 =	simm.s32 $0xC0;
	p0 =	por $0x0, $0x0  }
0x103: {  	v1 =	vld.msk @!p0 [tilespmem:s0+$0x0], $0x1;
	_ =	sdelay $0x4  }
0x104: {  	(v2sf) =	vpush @!p0 v1, $0x0;
	_ =	sdelay $0xd  }
0x105: {  	p2 =	sne.s32 s2, $0x1  }
.Ltmp11:
0x106: {  	s6 =	spop @!p0 (v2sf);
	(pc) =	sbr.rel @!p2 .LBB2_16-.Ltmp11, $4  }
0x107: {  	p1 =	seq.s32 @!p0 s5, s6  }
0x108: {  	s6 =	simm.s32 $0x0;
	p1 =	por !p1, p0  }
0x109: {  	s8 =	simm.s32 $0xFFFFFFFF;
	s6 =	simm.s32 @p1 $0xFFFFFFFF  }
0x10a: {  	s7 =	simm.s32 $0x1;
	s6 =	smov.u32 @p0 s8  }
.LBB2_15:
0x10b: {  	s8 =	smov.u32 s6;
	p0 =	sne.s32 s6, $0xFFFFFFFF  }
0x10c: {  	s0 =	sadd.s32 $0x1, s0;
	s6 =	smov.u32 s7;
	s7 =	sadd.s32 $0x1, s7  }
0x10d: {  	p1 =	sne.s32 s2, s7;
	v1 =	vld.msk @!p0 [tilespmem:s0+$0x0], $0x1;
	_ =	sdelay $0x4  }
0x10e: {  	(v2sf) =	vpush @!p0 v1, $0x0;
	_ =	sdelay $0xe  }
.Ltmp12:
0x10f: {  	s9 =	spop @!p0 (v2sf);
	(pc) =	sbr.rel @p1 .LBB2_15-.Ltmp12, $4  }
0x110: {  	p2 =	seq.s32 @!p0 s5, s9  }
0x111: {  	p2 =	por !p2, p0  }
0x112: {  	s6 =	simm.s32 @p2 $0xFFFFFFFF  }
0x113: {  	s6 =	smov.u32 @p0 s8  }
.LBB2_16:
0x114: {  	p0 =	sne.s32 s6, $0xFFFFFFFF  }
.Ltmp13:
0x115: {  	_ = 	snop;
	(pc) =	sbr.rel @!p0 .LBB2_17-.Ltmp13, $1  }
0x116: {  	_ =	sdelay $0x3  }
0x117: {  	v0 =	vld.msk [tilespmem:s4+$0xE0], $0x1;
	v1 =	vmov s6  }
.Ltmp14:
0x118: {  	_ = 	snop;
	(pc) =	sbr.rel .LBB2_19-.Ltmp14, $2  }
0x119: {  	_ =	sdelay $0x2  }
0x11a: {  	[tilespmem:v1+s3+$0x0], v0 =	vst.idx.ret.add.f32.msk $0x1, v0  }
.LBB2_20:
0x11b: {  	p0 =	slt.s32 s2, $0x1  }
.Ltmp15:
0x11c: {  	_ = 	snop;
	(pc) =	sbr.rel @p0 .LBB2_24-.Ltmp15, $3  }
0x11d: {  	_ =	sdelay $0x1  }
0x11e: {  	s0 =	simm.s32 $0x6  }
0x11f: {  	s3 =	simm.s32 $0x0;
	[sflag:s0] =	ssyncpa.u1 $0x1  }
0x120: {  	s0 =	simm.s32 $0xC0  }
0x121: {  	v0 =	vld.msk [tilespmem:s0+$0x0], $0x1;
	_ =	sdelay $0x4  }
0x122: {  	(v2sf) =	vpush v0, $0x0;
	_ =	sdelay $0xe  }
0x123: {  	s2 =	sadd.s32 $0xFFFFFFFF, s2;
	s4 =	spop (v2sf)  }
0x124: {  	p1 =	sne.s32 s2, $0x0;
	p0 =	sgt.u32 s4, $0x27FF  }
.Ltmp16:
0x125: {  	s5 =	sshrl.u32 @!p0 s4, $0x3;
	(pc) =	sbr.rel @!p1 .LBB2_23-.Ltmp16, $4  }
0x126: {  	s0 =	simm.s32 $0xE0;
	s4 =	sand.u32 @!p0 $0x7, s4;
	s5 =	sadd.s32 @!p0 s1, s5  }
0x127: {  	[hbm4b:s5+s4] =	stream.linear.scatter @!p0 [tilespmem:s0], [sflag:$0x5], $0x1, $0x38;
	[tilespmem:$0xD410] =	vst v63  }
0x128: {  	s5 =	simm.s32 $0x0  }
0x129: {  	s4 =	simm.s32 $0xC1;
	s5 =	simm.s32 @!p0 $0x4  }
.LBB2_22:
0x12a: {  	v0 =	vld.msk [tilespmem:s4+$0x0], $0x1;
	s2 =	sadd.s32 $0xFFFFFFFF, s2;
	s3 =	sadd.s32 s3, s5  }
0x12b: {  	p0 =	sne.s32 s2, $0x0;
	_ =	sdelay $0x3  }
0x12c: {  	(v2sf) =	vpush v0, $0x0;
	_ =	sdelay $0xe  }
.Ltmp17:
0x12d: {  	s6 =	spop (v2sf);
	(pc) =	sbr.rel @p0 .LBB2_22-.Ltmp17, $4  }
0x12e: {  	s5 =	simm.s32 $0x0;
	p1 =	sgt.u32 s6, $0x27FF  }
0x12f: {  	s0 =	sadd.s32 $0x1, s0;
	s5 =	simm.s32 @!p1 $0x4;
	s7 =	sshrl.u32 @!p1 s6, $0x3  }
0x130: {  	s4 =	sadd.s32 $0x1, s4;
	s6 =	sand.u32 @!p1 $0x7, s6;
	s7 =	sadd.s32 @!p1 s1, s7  }
0x131: {  	[hbm4b:s7+s6] =	stream.linear.scatter @!p1 [tilespmem:s0], [sflag:$0x5], $0x1, $0x38;
	[tilespmem:$0xD410] =	vst v63  }
.LBB2_23:
0x132: {  	s0 =	sadd.s32 s3, s5  }
0x133: {  	s3 =	sshrl.u32 s0, $0x2  }
.LBB2_24:
0x134: {  	s0 =	simm.s32 $0x5  }
0x135: {  	_ =	swait.ge [sflag:s0], s3  }
0x136: {  	s1 =	ssub.s32 $0x0, s3;
	[sflag:s0] =	ssyncset.done $0x0  }
0x137: {  	[sflag:s0] =	ssyncadd.s32 s1  }
0x138: {  	[sflag:s0] =	ssyncpa.u1 $0x1  }
0x139: {  	s29 =	simm.s32 $0x1;
	_ =	sfence  }
0x13a: {  	s30 =	simm.s32 $0x2;
	[sflag:s29] =	ssyncpa.u1 $0x1  }
0x13b: {  	[sflag:s30] =	ssyncpa.u1 $0x1  }
0x13c: {  	_ =	strace $0x90000047  }
0x13d: {  	[bflag:$0x2] =	sbarrier.arrive $0xFFFF  }
0x13e: {  	s31 =	rddreg [dreg:$0x1]  }
0x13f: {  	s0 =	sadd.s32 $0x100000, s31  }
0x140: {  	[sflag:s0] =	ssyncadd.tile.s32 $0x1;
	_ =	shalt  }
.Lfunc_end2:
_tile_overlayer_lowered:
.L_overlay_start_2:
0x141: {  	(tag) =	ssettag $0x2  }
0x142: {  	s0 =	rddreg [dreg:$0x0];
	s2 =	stileid.u32  }
0x143: {  	s1 =	rddreg [dreg:$0x1];
	p0 =	sne.s32 s2, $0x0  }
0x144: {  	s3 =	rddreg [dreg:$0x2];
	[bflag:$0x3] =	sbarrier.arrive $0xFFFF;
	s2 =	simm.s32 @!p0 $0x1C01  }
0x145: {  	[timem:s3], [sflag:s2] =	dma.local @!p0 [hbm:s0], s1  }
0x146: {  	s0 =	simm.s32 @!p0 $0x1  }
0x147: {  	_ =	swait.ge @!p0 [sflag:s0], s1  }
0x148: {  	s1 =	ssub.s32 @!p0 $0x0, s1;
	[sflag:s0] =	ssyncset.done @!p0 $0x0  }
0x149: {  	[sflag:s0] =	ssyncadd.s32 @!p0 s1  }
0x14a: {  	[bflag:$0x3] =	sbarrier.arrive $0xFFFF  }
0x14b: {  	_ =	shalt  }

</sc_bundles>
